<compile_context>
chip_gen: v7x
topology: tpu7x:2x2x1
jax: 0.10.2.dev20260603
libtpu: 0.0.44.dev20260713+nightly
codegen_flags: <defaults>
</compile_context>

<pallas_src>
import functools
import math
import jax
import jax.numpy as jnp
from jax import lax
from jax.experimental import pallas as pl
from jax.experimental.pallas import tpu as pltpu
from jax.experimental.pallas import tpu_sc as plsc

N = 10000
D = 128
G = 64
MD = 16
EPS = 1e-5

NPAD = 10240
DUMP = NPAD - 1
K = 64
NW = 32
CHW = 320
EPADDED = NW * CHW * K
ROWS_PER_SUB = NPAD // 16
CH_PER_SUB = ROWS_PER_SUB // K
NBUF = 4
BLK = 64

def _deg_body(dst_hbm, out_hbm, dstbuf, hist):
    c = lax.axis_index("c")
    s = lax.axis_index("s")
    wid = c * 16 + s
    z16 = jnp.zeros((16,), jnp.float32)
    ones16 = jnp.ones((16,), jnp.float32)

    def zero_body(i, _):
        hist[pl.ds(i * 16, 16)] = z16
        return 0

    lax.fori_loop(0, NPAD // 16, zero_body, 0)
    pltpu.sync_copy(dst_hbm.at[pl.ds(wid * CHW, CHW)], dstbuf)

    def body(j, _):
        for k in range(K // 16):
            idx = dstbuf[j, pl.ds(k * 16, 16)]
            plsc.addupdate_scatter(hist, [idx], ones16)
        return 0

    lax.fori_loop(0, CHW, body, 0)
    pltpu.sync_copy(hist, out_hbm.at[pl.ds(wid * NPAD, NPAD)])


def _scatter_body(u_hbm, src_hbm, dst_hbm, out_hbm, srcbuf, dstbuf, b0, b1,
                  b2, b3, acc, s0, s1, s2, s3):
    c = lax.axis_index("c")
    s = lax.axis_index("s")
    wid = c * 16 + s
    z16 = jnp.zeros((16,), jnp.float32)
    bufs = (b0, b1, b2, b3)
    sems = (s0, s1, s2, s3)

    def zrow(i, _):
        for k in range(D // 16):
            b0[i, pl.ds(k * 16, 16)] = z16
        return 0

    lax.fori_loop(0, K, zrow, 0)

    def zacc(i, _):
        pltpu.sync_copy(b0, acc.at[pl.ds(s * ROWS_PER_SUB + i * K, K)])
        return 0

    lax.fori_loop(0, CH_PER_SUB, zacc, 0)
    plsc.subcore_barrier()

    def block(bi, _):
        base = wid * CHW + bi * BLK
        pltpu.sync_copy(src_hbm.at[pl.ds(base, BLK)], srcbuf)
        pltpu.sync_copy(dst_hbm.at[pl.ds(base, BLK)], dstbuf)
        for b in range(NBUF):
            pltpu.async_copy(u_hbm.at[srcbuf.at[b]], bufs[b], sems[b])

        def body(i, _):
            for b in range(NBUF):
                j = i * NBUF + b
                pltpu.make_async_copy(u_hbm.at[srcbuf.at[j]], bufs[b],
                                      sems[b]).wait()
                pltpu.sync_copy(bufs[b], acc.at[dstbuf.at[j]], add=True)

                @pl.when(j + NBUF < BLK)
                def _start():
                    pltpu.async_copy(u_hbm.at[srcbuf.at[j + NBUF]], bufs[b],
                                     sems[b])
            return 0

        lax.fori_loop(0, BLK // NBUF, body, 0)
        return 0

    lax.fori_loop(0, CHW // BLK, block, 0)
    plsc.subcore_barrier()

    def wb(i, _):
        r = s * ROWS_PER_SUB + i * K
        pltpu.sync_copy(acc.at[pl.ds(r, K)], b0)
        pltpu.sync_copy(b0, out_hbm.at[c, pl.ds(r, K)])
        return 0

    lax.fori_loop(0, CH_PER_SUB, wb, 0)


@functools.cache
def _sc_kernels():
    mesh = plsc.VectorSubcoreMesh(core_axis_name="c", subcore_axis_name="s",
                                  num_cores=2, num_subcores=16)
    deg = pl.kernel(
        _deg_body,
        out_type=jax.ShapeDtypeStruct((NW * NPAD,), jnp.float32),
        mesh=mesh,
        compiler_params=pltpu.CompilerParams(needs_layout_passes=False),
        scratch_types=[
            pltpu.VMEM((CHW, K), jnp.int32),
            pltpu.VMEM((NPAD,), jnp.float32),
        ],
    )
    scatter = pl.kernel(
        _scatter_body,
        out_type=jax.ShapeDtypeStruct((2, NPAD, D), jnp.float32),
        mesh=mesh,
        compiler_params=pltpu.CompilerParams(needs_layout_passes=False),
        scratch_types=(
            [pltpu.VMEM((BLK, K), jnp.int32),
             pltpu.VMEM((BLK, K), jnp.int32)]
            + [pltpu.VMEM((K, D), jnp.float32)] * NBUF
            + [pltpu.VMEM_SHARED((NPAD, D), jnp.float32)]
            + [pltpu.SemaphoreType.DMA] * NBUF
        ),
    )
    return deg, scatter


_R = 1000
_GRID = N // _R
_INV_S = 1.0 / math.sqrt(1.0 + EPS)


def _tc1_body(x_ref, we_ref, be_ref, w0_ref, dp_ref, u0_ref):
    h = jnp.dot(x_ref[...], we_ref[...],
                preferred_element_type=jnp.float32) + be_ref[...]
    deg = jnp.sum(dp_ref[...], axis=1, keepdims=True)
    dinv = lax.rsqrt(1.0 + deg)
    u0_ref[...] = jnp.dot(h, w0_ref[...],
                          preferred_element_type=jnp.float32) * dinv


def _tc_mid_body(u_ref, s_ref, dp_ref, w_ref, g_ref, be_ref, b_ref, out_ref):
    deg = jnp.sum(dp_ref[...], axis=1, keepdims=True)
    dinv = lax.rsqrt(1.0 + deg)
    sc = s_ref[0] + s_ref[1]
    gs = g_ref[...] * _INV_S
    cs = b_ref[...] * gs + be_ref[...]
    h = jnp.maximum(dinv * (u_ref[...] + sc) * gs + cs, 0.0)
    out_ref[...] = jnp.dot(h, w_ref[...],
                           preferred_element_type=jnp.float32) * dinv


def _tc3_body(u_ref, s_ref, dp_ref, g_ref, be_ref, b_ref, batch_ref, md_ref,
              wc1p_ref, wc1m_ref, bc1_ref, wc2_ref, bc2_ref, out_ref,
              sums, cnts):
    i = pl.program_id(0)
    deg = jnp.sum(dp_ref[...], axis=1, keepdims=True)
    dinv = lax.rsqrt(1.0 + deg)
    sc = s_ref[0] + s_ref[1]
    gs = g_ref[...] * _INV_S
    cs = b_ref[...] * gs + be_ref[...]
    h = jnp.maximum(dinv * (u_ref[...] + sc) * gs + cs, 0.0)

    b = batch_ref[0, 0, :]
    onehot = (lax.broadcasted_iota(jnp.int32, (G, _R), 0)
              == b[None, :]).astype(jnp.float32)
    blk_sum = jnp.dot(onehot, h, preferred_element_type=jnp.float32)
    blk_cnt = jnp.sum(onehot, axis=1, keepdims=True)

    @pl.when(i == 0)
    def _init():
        sums[...] = jnp.zeros_like(sums)
        cnts[...] = jnp.zeros_like(cnts)

    sums[...] += blk_sum
    cnts[...] += blk_cnt

    @pl.when(i == _GRID - 1)
    def _final():
        pooled = sums[...] / jnp.maximum(cnts[...], 1.0)
        z = jnp.maximum(
            jnp.dot(pooled, wc1p_ref[...], preferred_element_type=jnp.float32)
            + jnp.dot(md_ref[...], wc1m_ref[...],
                      preferred_element_type=jnp.float32)
            + bc1_ref[...], 0.0)
        logits = lax.dot_general(wc2_ref[...], z, (((0,), (1,)), ((), ())),
                                 preferred_element_type=jnp.float32)
        out_ref[...] = jax.nn.sigmoid(logits + bc2_ref[...])


def _row_spec():
    return pl.BlockSpec((_R, D), lambda i: (i, 0))


def _full(shape):
    nd = len(shape)
    return pl.BlockSpec(shape, lambda i: (0,) * nd)


def kernel(x, edge_index, batch, metadata, W_enc, b_enc, W0, b0, g0, be0,
           W1, b1, g1, be1, Wc1, bc1, Wc2, bc2):
    f32 = jnp.float32
    pad = EPADDED - edge_index.shape[1]
    src2d = jnp.concatenate(
        [edge_index[0], jnp.zeros((pad,), jnp.int32)]).reshape(EPADDED // K, K)
    dst2d = jnp.concatenate(
        [edge_index[1], jnp.full((pad,), DUMP, jnp.int32)]
    ).reshape(EPADDED // K, K)

    _deg, _scatter = _sc_kernels()
    degpart = _deg(dst2d)
    dpT = degpart.reshape(NW, NPAD).T

    dp_spec = pl.BlockSpec((_R, NW), lambda i: (i, 0))
    row_f32 = jax.ShapeDtypeStruct((N, D), f32)

    u0 = pl.pallas_call(
        _tc1_body,
        grid=(_GRID,),
        in_specs=[_row_spec(), _full((D, D)), _full((1, D)), _full((D, D)),
                  dp_spec],
        out_specs=_row_spec(),
        out_shape=row_f32,
    )(x, W_enc, b_enc.reshape(1, D), W0, dpT)

    s0 = _scatter(u0, src2d, dst2d)

    s_spec = pl.BlockSpec((2, _R, D), lambda i: (0, i, 0))
    u1 = pl.pallas_call(
        _tc_mid_body,
        grid=(_GRID,),
        in_specs=[_row_spec(), s_spec, dp_spec, _full((D, D)), _full((1, D)),
                  _full((1, D)), _full((1, D))],
        out_specs=_row_spec(),
        out_shape=row_f32,
    )(u0, s0, dpT, W1, g0.reshape(1, D), be0.reshape(1, D), b0.reshape(1, D))

    s1 = _scatter(u1, src2d, dst2d)

    batch3 = batch.reshape(_GRID, 1, _R)
    out = pl.pallas_call(
        _tc3_body,
        grid=(_GRID,),
        in_specs=[_row_spec(), s_spec, dp_spec, _full((1, D)), _full((1, D)),
                  _full((1, D)), pl.BlockSpec((1, 1, _R), lambda i: (i, 0, 0)),
                  _full((G, MD)), _full((D, G)), _full((MD, G)),
                  _full((1, G)), _full((G, 1)), _full((1, 1))],
        out_specs=_full((1, G)),
        out_shape=jax.ShapeDtypeStruct((1, G), f32),
        scratch_shapes=[pltpu.VMEM((G, D), f32), pltpu.VMEM((G, 1), f32)],
    )(u1, s1, dpT, g1.reshape(1, D), be1.reshape(1, D), b1.reshape(1, D),
      batch3, metadata, Wc1[:D], Wc1[D:], bc1.reshape(1, G),
      Wc2, bc2.reshape(1, 1))

    return out[0]

# --- scband reference (transcript-rebuilt; emitter-appended) ---
"""Pipeline reference for scband-gnn-with-metadata-86294482911416 (READ-ONLY COPY).

The authoritative reference and input builder live on the scoring server;
editing this copy changes nothing except your own understanding.
"""

import jax, jax.numpy as jnp
import numpy as np

N = 10000      # nodes
E = 640000     # edges
D = 128        # hidden_dim == input_dim
G = 64         # graphs in batch
MD = 16        # metadata_dim
MID = 64       # hidden_dim // 2 classifier mid width
EPS = 1e-5


def setup_inputs(seed: int = 0) -> dict:
    key = jax.random.key(seed)
    ks = jax.random.split(key, 24)
    x = jax.random.normal(ks[0], (N, D), dtype=jnp.float32)
    edge_index = jax.random.randint(ks[1], (2, E), 0, N, dtype=jnp.int32)
    batch = jnp.sort(jax.random.randint(ks[2], (N,), 0, G, dtype=jnp.int32))
    metadata = jax.random.normal(ks[3], (G, MD), dtype=jnp.float32)
    s = 0.05
    inp = {
        'x': x, 'edge_index': edge_index, 'batch': batch, 'metadata': metadata,
        'W_enc': jax.random.normal(ks[4], (D, D), dtype=jnp.float32) * s,
        'b_enc': jnp.zeros((D,), jnp.float32),
        'W0': jax.random.normal(ks[5], (D, D), dtype=jnp.float32) * s,
        'b0': jnp.zeros((D,), jnp.float32),
        'g0': jnp.ones((D,), jnp.float32),
        'be0': jnp.zeros((D,), jnp.float32),
        'W1': jax.random.normal(ks[6], (D, D), dtype=jnp.float32) * s,
        'b1': jnp.zeros((D,), jnp.float32),
        'g1': jnp.ones((D,), jnp.float32),
        'be1': jnp.zeros((D,), jnp.float32),
        'Wc1': jax.random.normal(ks[7], (D + MD, MID), dtype=jnp.float32) * s,
        'bc1': jnp.zeros((MID,), jnp.float32),
        'Wc2': jax.random.normal(ks[8], (MID, 1), dtype=jnp.float32) * s,
        'bc2': jnp.zeros((1,), jnp.float32),
    }
    return inp


def reference(x, edge_index, batch, metadata, W_enc, b_enc, W0, b0, g0, be0, W1, b1, g1, be1, Wc1, bc1, Wc2, bc2):
    n = x.shape[0]
    # node encoder
    h = x @ W_enc + b_enc
    # add self loops (GCNConv default)
    loop = jnp.arange(n, dtype=edge_index.dtype)
    src = jnp.concatenate([edge_index[0], loop])
    dst = jnp.concatenate([edge_index[1], loop])
    # symmetric normalization D^-1/2 (A+I) D^-1/2 using in-degree of A+I
    deg = jnp.zeros((n,), h.dtype).at[dst].add(1.0)
    dinv = jax.lax.rsqrt(deg)  # deg >= 1 thanks to self loops
    norm = dinv[src] * dinv[dst]
    layers = [(W0, b0, g0, be0), (W1, b1, g1, be1)]
    for (W, b, g, be) in layers:
        hw = h @ W                                    # linear transform
        msg = hw[src] * norm[:, None]                 # gather over edges
        agg = jnp.zeros_like(hw).at[dst].add(msg) + b # scatter-add over edges
        # BatchNorm1d in eval mode (running_mean=0, running_var=1)
        hbn = agg / jnp.sqrt(1.0 + EPS) * g + be
        h = jax.nn.relu(hbn)
        # dropout is identity in eval mode
    # global mean pool per graph
    sums = jax.ops.segment_sum(h, batch, num_segments=G)
    cnt = jax.ops.segment_sum(jnp.ones((n, 1), h.dtype), batch, num_segments=G)
    pooled = sums / jnp.maximum(cnt, 1.0)
    # concat graph-level metadata, then classifier (num_classes == 2 branch)
    z = jnp.concatenate([pooled, metadata], axis=-1)
    z = jax.nn.relu(z @ Wc1 + bc1)
    out = jax.nn.sigmoid(z @ Wc2 + bc2)
    return out.squeeze(-1)

if __name__ == "__main__":
    import jax
    _d = setup_inputs()
    print(jax.jit(kernel)(*tuple(_d.values())))

</pallas_src>

<mosaic_0001>
#map = affine_map<(d0, d1) -> (0, 0)>
#map1 = affine_map<(d0, d1) -> (0)>
module attributes {stable_mosaic.version = 14 : i64} {
  func.func @_deg_body(%arg0: i32, %arg1: i32, %arg2: memref<10240x64xi32, #tpu.memory_space<hbm>>, %arg3: memref<327680xf32, #tpu.memory_space<hbm>>, %arg4: memref<320x64xi32, #tpu.memory_space<vmem>>, %arg5: memref<10240xf32, #tpu.memory_space<vmem>>) attributes {dimension_semantics = [#tpu.dimension_semantics<core_parallel>, #tpu.dimension_semantics<subcore_parallel>], iteration_bounds = array<i64: 2, 16>, scalar_prefetch = 0 : i64, scratch_operands = 2 : i64, tpu.core_type = #tpu.core_type<sc_vector_subcore>, window_params = [{transform_indices = #map}, {transform_indices = #map1}]} {
    %mul3A = arith.constant 16 : i32
    %mul3A_0 = arith.muli %arg0, %mul3A : i32
    %add3A = arith.addi %mul3A_0, %arg1 : i32
    %broadcast_in_dim3A = arith.constant 0.000000e+00 : f32
    %broadcast_in_dim3A_1 = vector.broadcast %broadcast_in_dim3A : f32 to vector<16xf32>
    %broadcast_in_dim3A_2 = arith.constant 1.000000e+00 : f32
    %broadcast_in_dim3A_3 = vector.broadcast %broadcast_in_dim3A_2 : f32 to vector<16xf32>
    %scan3A = arith.constant 0 : i32
    %scan3A_4 = arith.constant 0 : i32
    %scan3A_5 = arith.constant 640 : i32
    %scan3A_6 = arith.addi %scan3A_4, %scan3A_5 : i32
    %scan3A_7 = arith.constant 1 : i32
    %scan3A_8 = scf.for %scan3A_21 = %scan3A_4 to %scan3A_6 step %scan3A_7 iter_args(%scan3A_22 = %scan3A) -> (i32)  : i32 {
      %mul3A_23 = arith.constant 16 : i32
      %mul3A_24 = arith.muli %scan3A_21, %mul3A_23 : i32
      %swap3A = arith.index_cast %mul3A_24 : i32 to index
      %swap3A_25 = tpu.vector_load %arg5[%swap3A] {strides = array<i32>} : memref<10240xf32, #tpu.memory_space<vmem>>, vector<16xf32>,
      tpu.vector_store %arg5[%swap3A], %broadcast_in_dim3A_1 {strides = array<i32>} : memref<10240xf32, #tpu.memory_space<vmem>>, vector<16xf32>,
      %scan3A_26 = arith.constant 0 : i32
      scf.yield %scan3A_26 : i32
    }
    %scan3A_9 = arith.constant 640 : i32
    %mul3A_10 = arith.constant 320 : i32
    %mul3A_11 = arith.muli %add3A, %mul3A_10 : i32
    "tpu.region"() ({
      %run_scoped3A = tpu.sem_alloc : memref<!tpu.dma_semaphore, #tpu.memory_space<semaphore_mem>>
      %dma_start3A = arith.constant 0 : i32
      %dma_start3A_21 = tpu.memref_slice %arg2[%mul3A_11, %dma_start3A] : memref<10240x64xi32, #tpu.memory_space<hbm>> -> memref<320x64xi32, #tpu.memory_space<hbm>>
      %dma_start3A_22 = arith.constant 0 : i32
      %dma_start3A_23 = tpu.memref_slice %arg2[%mul3A_11, %dma_start3A_22] : memref<10240x64xi32, #tpu.memory_space<hbm>> -> memref<320x64xi32, #tpu.memory_space<hbm>>
      tpu.enqueue_dma source(%dma_start3A_23 : memref<320x64xi32, #tpu.memory_space<hbm>>) target(%arg4 : memref<320x64xi32, #tpu.memory_space<vmem>>) target_semaphore(%run_scoped3A : memref<!tpu.dma_semaphore, #tpu.memory_space<semaphore_mem>>)
      %dma_wait3A = arith.constant 0 : i32
      %dma_wait3A_24 = tpu.memref_slice %arg2[%mul3A_11, %dma_wait3A] : memref<10240x64xi32, #tpu.memory_space<hbm>> -> memref<320x64xi32, #tpu.memory_space<hbm>>
      %dma_wait3A_25 = arith.constant 0 : i32
      %dma_wait3A_26 = tpu.memref_slice %arg2[%mul3A_11, %dma_wait3A_25] : memref<10240x64xi32, #tpu.memory_space<hbm>> -> memref<320x64xi32, #tpu.memory_space<hbm>>
      tpu.wait_dma2 semaphore(%run_scoped3A : memref<!tpu.dma_semaphore, #tpu.memory_space<semaphore_mem>>) src(%dma_wait3A_26 : memref<320x64xi32, #tpu.memory_space<hbm>>) dst(%arg4 : memref<320x64xi32, #tpu.memory_space<vmem>>)
      tpu.yield
    }) : () -> ()
    %scan3A_12 = arith.constant 0 : i32
    %scan3A_13 = arith.constant 0 : i32
    %scan3A_14 = arith.constant 320 : i32
    %scan3A_15 = arith.addi %scan3A_13, %scan3A_14 : i32
    %scan3A_16 = arith.constant 1 : i32
    %scan3A_17 = scf.for %scan3A_21 = %scan3A_13 to %scan3A_15 step %scan3A_16 iter_args(%scan3A_22 = %scan3A_12) -> (i32)  : i32 {
      %get3A = arith.index_cast %scan3A_21 : i32 to index
      %get3A_23 = arith.constant 0 : index
      %get3A_24 = tpu.vector_load %arg4[%get3A, %get3A_23] {strides = array<i32>} : memref<320x64xi32, #tpu.memory_space<vmem>>, vector<16xi32>,
      tpu.vector_store_idx %arg5[%get3A_24], %broadcast_in_dim3A_3 {add = true} : memref<10240xf32, #tpu.memory_space<vmem>>[vector<16xi32>], vector<16xf32>,
      %get3A_25 = arith.index_cast %scan3A_21 : i32 to index
      %get3A_26 = arith.constant 16 : index
      %get3A_27 = tpu.vector_load %arg4[%get3A_25, %get3A_26] {strides = array<i32>} : memref<320x64xi32, #tpu.memory_space<vmem>>, vector<16xi32>,
      tpu.vector_store_idx %arg5[%get3A_27], %broadcast_in_dim3A_3 {add = true} : memref<10240xf32, #tpu.memory_space<vmem>>[vector<16xi32>], vector<16xf32>,
      %get3A_28 = arith.index_cast %scan3A_21 : i32 to index
      %get3A_29 = arith.constant 32 : index
      %get3A_30 = tpu.vector_load %arg4[%get3A_28, %get3A_29] {strides = array<i32>} : memref<320x64xi32, #tpu.memory_space<vmem>>, vector<16xi32>,
      tpu.vector_store_idx %arg5[%get3A_30], %broadcast_in_dim3A_3 {add = true} : memref<10240xf32, #tpu.memory_space<vmem>>[vector<16xi32>], vector<16xf32>,
      %get3A_31 = arith.index_cast %scan3A_21 : i32 to index
      %get3A_32 = arith.constant 48 : index
      %get3A_33 = tpu.vector_load %arg4[%get3A_31, %get3A_32] {strides = array<i32>} : memref<320x64xi32, #tpu.memory_space<vmem>>, vector<16xi32>,
      tpu.vector_store_idx %arg5[%get3A_33], %broadcast_in_dim3A_3 {add = true} : memref<10240xf32, #tpu.memory_space<vmem>>[vector<16xi32>], vector<16xf32>,
      %scan3A_34 = arith.constant 0 : i32
      scf.yield %scan3A_34 : i32
    }
    %scan3A_18 = arith.constant 320 : i32
    %mul3A_19 = arith.constant 10240 : i32
    %mul3A_20 = arith.muli %add3A, %mul3A_19 : i32
    "tpu.region"() ({
      %run_scoped3A = tpu.sem_alloc : memref<!tpu.dma_semaphore, #tpu.memory_space<semaphore_mem>>
      %dma_start3A = tpu.memref_slice %arg3[%mul3A_20] : memref<327680xf32, #tpu.memory_space<hbm>> -> memref<10240xf32, #tpu.memory_space<hbm>>
      %dma_start3A_21 = tpu.memref_slice %arg3[%mul3A_20] : memref<327680xf32, #tpu.memory_space<hbm>> -> memref<10240xf32, #tpu.memory_space<hbm>>
      tpu.enqueue_dma source(%arg5 : memref<10240xf32, #tpu.memory_space<vmem>>) target(%dma_start3A_21 : memref<10240xf32, #tpu.memory_space<hbm>>) target_semaphore(%run_scoped3A : memref<!tpu.dma_semaphore, #tpu.memory_space<semaphore_mem>>)
      %dma_wait3A = tpu.memref_slice %arg3[%mul3A_20] : memref<327680xf32, #tpu.memory_space<hbm>> -> memref<10240xf32, #tpu.memory_space<hbm>>
      %dma_wait3A_22 = tpu.memref_slice %arg3[%mul3A_20] : memref<327680xf32, #tpu.memory_space<hbm>> -> memref<10240xf32, #tpu.memory_space<hbm>>
      tpu.wait_dma2 semaphore(%run_scoped3A : memref<!tpu.dma_semaphore, #tpu.memory_space<semaphore_mem>>) src(%arg5 : memref<10240xf32, #tpu.memory_space<vmem>>) dst(%dma_wait3A_22 : memref<10240xf32, #tpu.memory_space<hbm>>)
      tpu.yield
    }) : () -> ()
    return
  }
}

#map = affine_map<(d0, d1) -> (0, 0)>
#map1 = affine_map<(d0, d1) -> (0, 0, 0)>
module attributes {stable_mosaic.version = 14 : i64} {
  func.func @_scatter_body(%arg0: i32, %arg1: i32, %arg2: memref<10000x128xf32, #tpu.memory_space<hbm>>, %arg3: memref<10240x64xi32, #tpu.memory_space<hbm>>, %arg4: memref<10240x64xi32, #tpu.memory_space<hbm>>, %arg5: memref<2x10240x128xf32, #tpu.memory_space<hbm>>, %arg6: memref<64x64xi32, #tpu.memory_space<vmem>>, %arg7: memref<64x64xi32, #tpu.memory_space<vmem>>, %arg8: memref<64x128xf32, #tpu.memory_space<vmem>>, %arg9: memref<64x128xf32, #tpu.memory_space<vmem>>, %arg10: memref<64x128xf32, #tpu.memory_space<vmem>>, %arg11: memref<64x128xf32, #tpu.memory_space<vmem>>, %arg12: memref<10240x128xf32, #tpu.memory_space<vmem_shared>>, %arg13: memref<!tpu.dma_semaphore, #tpu.memory_space<semaphore_mem>>, %arg14: memref<!tpu.dma_semaphore, #tpu.memory_space<semaphore_mem>>, %arg15: memref<!tpu.dma_semaphore, #tpu.memory_space<semaphore_mem>>, %arg16: memref<!tpu.dma_semaphore, #tpu.memory_space<semaphore_mem>>) attributes {dimension_semantics = [#tpu.dimension_semantics<core_parallel>, #tpu.dimension_semantics<subcore_parallel>], iteration_bounds = array<i64: 2, 16>, scalar_prefetch = 0 : i64, scratch_operands = 11 : i64, tpu.core_type = #tpu.core_type<sc_vector_subcore>, window_params = [{transform_indices = #map}, {transform_indices = #map}, {transform_indices = #map}, {transform_indices = #map1}]} {
    %mul3A = arith.constant 16 : i32
    %mul3A_0 = arith.muli %arg0, %mul3A : i32
    %add3A = arith.addi %mul3A_0, %arg1 : i32
    %broadcast_in_dim3A = arith.constant 0.000000e+00 : f32
    %broadcast_in_dim3A_1 = vector.broadcast %broadcast_in_dim3A : f32 to vector<16xf32>
    %scan3A = arith.constant 0 : i32
    %scan3A_2 = arith.constant 0 : i32
    %scan3A_3 = arith.constant 64 : i32
    %scan3A_4 = arith.addi %scan3A_2, %scan3A_3 : i32
    %scan3A_5 = arith.constant 1 : i32
    %scan3A_6 = scf.for %scan3A_30 = %scan3A_2 to %scan3A_4 step %scan3A_5 iter_args(%scan3A_31 = %scan3A) -> (i32)  : i32 {
      %swap3A = arith.index_cast %scan3A_30 : i32 to index
      %swap3A_32 = arith.constant 0 : index
      %swap3A_33 = tpu.vector_load %arg8[%swap3A, %swap3A_32] {strides = array<i32>} : memref<64x128xf32, #tpu.memory_space<vmem>>, vector<16xf32>,
      tpu.vector_store %arg8[%swap3A, %swap3A_32], %broadcast_in_dim3A_1 {strides = array<i32>} : memref<64x128xf32, #tpu.memory_space<vmem>>, vector<16xf32>,
      %swap3A_34 = arith.index_cast %scan3A_30 : i32 to index
      %swap3A_35 = arith.constant 16 : index
      %swap3A_36 = tpu.vector_load %arg8[%swap3A_34, %swap3A_35] {strides = array<i32>} : memref<64x128xf32, #tpu.memory_space<vmem>>, vector<16xf32>,
      tpu.vector_store %arg8[%swap3A_34, %swap3A_35], %broadcast_in_dim3A_1 {strides = array<i32>} : memref<64x128xf32, #tpu.memory_space<vmem>>, vector<16xf32>,
      %swap3A_37 = arith.index_cast %scan3A_30 : i32 to index
      %swap3A_38 = arith.constant 32 : index
      %swap3A_39 = tpu.vector_load %arg8[%swap3A_37, %swap3A_38] {strides = array<i32>} : memref<64x128xf32, #tpu.memory_space<vmem>>, vector<16xf32>,
      tpu.vector_store %arg8[%swap3A_37, %swap3A_38], %broadcast_in_dim3A_1 {strides = array<i32>} : memref<64x128xf32, #tpu.memory_space<vmem>>, vector<16xf32>,
      %swap3A_40 = arith.index_cast %scan3A_30 : i32 to index
      %swap3A_41 = arith.constant 48 : index
      %swap3A_42 = tpu.vector_load %arg8[%swap3A_40, %swap3A_41] {strides = array<i32>} : memref<64x128xf32, #tpu.memory_space<vmem>>, vector<16xf32>,
      tpu.vector_store %arg8[%swap3A_40, %swap3A_41], %broadcast_in_dim3A_1 {strides = array<i32>} : memref<64x128xf32, #tpu.memory_space<vmem>>, vector<16xf32>,
      %swap3A_43 = arith.index_cast %scan3A_30 : i32 to index
      %swap3A_44 = arith.constant 64 : index
      %swap3A_45 = tpu.vector_load %arg8[%swap3A_43, %swap3A_44] {strides = array<i32>} : memref<64x128xf32, #tpu.memory_space<vmem>>, vector<16xf32>,
      tpu.vector_store %arg8[%swap3A_43, %swap3A_44], %broadcast_in_dim3A_1 {strides = array<i32>} : memref<64x128xf32, #tpu.memory_space<vmem>>, vector<16xf32>,
      %swap3A_46 = arith.index_cast %scan3A_30 : i32 to index
      %swap3A_47 = arith.constant 80 : index
      %swap3A_48 = tpu.vector_load %arg8[%swap3A_46, %swap3A_47] {strides = array<i32>} : memref<64x128xf32, #tpu.memory_space<vmem>>, vector<16xf32>,
      tpu.vector_store %arg8[%swap3A_46, %swap3A_47], %broadcast_in_dim3A_1 {strides = array<i32>} : memref<64x128xf32, #tpu.memory_space<vmem>>, vector<16xf32>,
      %swap3A_49 = arith.index_cast %scan3A_30 : i32 to index
      %swap3A_50 = arith.constant 96 : index
      %swap3A_51 = tpu.vector_load %arg8[%swap3A_49, %swap3A_50] {strides = array<i32>} : memref<64x128xf32, #tpu.memory_space<vmem>>, vector<16xf32>,
      tpu.vector_store %arg8[%swap3A_49, %swap3A_50], %broadcast_in_dim3A_1 {strides = array<i32>} : memref<64x128xf32, #tpu.memory_space<vmem>>, vector<16xf32>,
      %swap3A_52 = arith.index_cast %scan3A_30 : i32 to index
      %swap3A_53 = arith.constant 112 : index
      %swap3A_54 = tpu.vector_load %arg8[%swap3A_52, %swap3A_53] {strides = array<i32>} : memref<64x128xf32, #tpu.memory_space<vmem>>, vector<16xf32>,
      tpu.vector_store %arg8[%swap3A_52, %swap3A_53], %broadcast_in_dim3A_1 {strides = array<i32>} : memref<64x128xf32, #tpu.memory_space<vmem>>, vector<16xf32>,
      %scan3A_55 = arith.constant 0 : i32
      scf.yield %scan3A_55 : i32
    }
    %scan3A_7 = arith.constant 64 : i32
    %scan3A_8 = arith.constant 0 : i32
    %scan3A_9 = arith.constant 0 : i32
    %scan3A_10 = arith.constant 10 : i32
    %scan3A_11 = arith.addi %scan3A_9, %scan3A_10 : i32
    %scan3A_12 = arith.constant 1 : i32
    %scan3A_13 = scf.for %scan3A_30 = %scan3A_9 to %scan3A_11 step %scan3A_12 iter_args(%scan3A_31 = %scan3A_8) -> (i32)  : i32 {
      %mul3A_32 = arith.constant 640 : i32
      %mul3A_33 = arith.muli %arg1, %mul3A_32 : i32
      %mul3A_34 = arith.constant 64 : i32
      %mul3A_35 = arith.muli %scan3A_30, %mul3A_34 : i32
      %add3A_36 = arith.addi %mul3A_33, %mul3A_35 : i32
      "tpu.region"() ({
        %run_scoped3A = tpu.sem_alloc : memref<!tpu.dma_semaphore, #tpu.memory_space<semaphore_mem>>
        %dma_start3A = arith.constant 0 : i32
        %dma_start3A_38 = tpu.memref_slice %arg12[%add3A_36, %dma_start3A] : memref<10240x128xf32, #tpu.memory_space<vmem_shared>> -> memref<64x128xf32, #tpu.memory_space<vmem_shared>>
        %dma_start3A_39 = arith.constant 0 : i32
        %dma_start3A_40 = tpu.memref_slice %arg12[%add3A_36, %dma_start3A_39] : memref<10240x128xf32, #tpu.memory_space<vmem_shared>> -> memref<64x128xf32, #tpu.memory_space<vmem_shared>>
        tpu.enqueue_dma source(%arg8 : memref<64x128xf32, #tpu.memory_space<vmem>>) target(%dma_start3A_40 : memref<64x128xf32, #tpu.memory_space<vmem_shared>>) target_semaphore(%run_scoped3A : memref<!tpu.dma_semaphore, #tpu.memory_space<semaphore_mem>>)
        %dma_wait3A = arith.constant 0 : i32
        %dma_wait3A_41 = tpu.memref_slice %arg12[%add3A_36, %dma_wait3A] : memref<10240x128xf32, #tpu.memory_space<vmem_shared>> -> memref<64x128xf32, #tpu.memory_space<vmem_shared>>
        %dma_wait3A_42 = arith.constant 0 : i32
        %dma_wait3A_43 = tpu.memref_slice %arg12[%add3A_36, %dma_wait3A_42] : memref<10240x128xf32, #tpu.memory_space<vmem_shared>> -> memref<64x128xf32, #tpu.memory_space<vmem_shared>>
        tpu.wait_dma2 semaphore(%run_scoped3A : memref<!tpu.dma_semaphore, #tpu.memory_space<semaphore_mem>>) src(%arg8 : memref<64x128xf32, #tpu.memory_space<vmem>>) dst(%dma_wait3A_43 : memref<64x128xf32, #tpu.memory_space<vmem_shared>>)
        tpu.yield
      }) : () -> ()
      %scan3A_37 = arith.constant 0 : i32
      scf.yield %scan3A_37 : i32
    }
    %scan3A_14 = arith.constant 10 : i32
    %barrier3A = arith.constant 0 : index
    tpu.barrier barrier_id(%barrier3A)
    %scan3A_15 = arith.constant 0 : i32
    %scan3A_16 = arith.constant 0 : i32
    %scan3A_17 = arith.constant 5 : i32
    %scan3A_18 = arith.addi %scan3A_16, %scan3A_17 : i32
    %scan3A_19 = arith.constant 1 : i32
    %scan3A_20 = scf.for %scan3A_30 = %scan3A_16 to %scan3A_18 step %scan3A_19 iter_args(%scan3A_31 = %scan3A_15) -> (i32)  : i32 {
      %mul3A_32 = arith.constant 320 : i32
      %mul3A_33 = arith.muli %add3A, %mul3A_32 : i32
      %mul3A_34 = arith.constant 64 : i32
      %mul3A_35 = arith.muli %scan3A_30, %mul3A_34 : i32
      %add3A_36 = arith.addi %mul3A_33, %mul3A_35 : i32
      "tpu.region"() ({
        %run_scoped3A = tpu.sem_alloc : memref<!tpu.dma_semaphore, #tpu.memory_space<semaphore_mem>>
        %dma_start3A_72 = arith.constant 0 : i32
        %dma_start3A_73 = tpu.memref_slice %arg3[%add3A_36, %dma_start3A_72] : memref<10240x64xi32, #tpu.memory_space<hbm>> -> memref<64x64xi32, #tpu.memory_space<hbm>>
        %dma_start3A_74 = arith.constant 0 : i32
        %dma_start3A_75 = tpu.memref_slice %arg3[%add3A_36, %dma_start3A_74] : memref<10240x64xi32, #tpu.memory_space<hbm>> -> memref<64x64xi32, #tpu.memory_space<hbm>>
        tpu.enqueue_dma source(%dma_start3A_75 : memref<64x64xi32, #tpu.memory_space<hbm>>) target(%arg6 : memref<64x64xi32, #tpu.memory_space<vmem>>) target_semaphore(%run_scoped3A : memref<!tpu.dma_semaphore, #tpu.memory_space<semaphore_mem>>)
        %dma_wait3A = arith.constant 0 : i32
        %dma_wait3A_76 = tpu.memref_slice %arg3[%add3A_36, %dma_wait3A] : memref<10240x64xi32, #tpu.memory_space<hbm>> -> memref<64x64xi32, #tpu.memory_space<hbm>>
        %dma_wait3A_77 = arith.constant 0 : i32
        %dma_wait3A_78 = tpu.memref_slice %arg3[%add3A_36, %dma_wait3A_77] : memref<10240x64xi32, #tpu.memory_space<hbm>> -> memref<64x64xi32, #tpu.memory_space<hbm>>
        tpu.wait_dma2 semaphore(%run_scoped3A : memref<!tpu.dma_semaphore, #tpu.memory_space<semaphore_mem>>) src(%dma_wait3A_78 : memref<64x64xi32, #tpu.memory_space<hbm>>) dst(%arg6 : memref<64x64xi32, #tpu.memory_space<vmem>>)
        tpu.yield
      }) : () -> ()
      "tpu.region"() ({
        %run_scoped3A = tpu.sem_alloc : memref<!tpu.dma_semaphore, #tpu.memory_space<semaphore_mem>>
        %dma_start3A_72 = arith.constant 0 : i32
        %dma_start3A_73 = tpu.memref_slice %arg4[%add3A_36, %dma_start3A_72] : memref<10240x64xi32, #tpu.memory_space<hbm>> -> memref<64x64xi32, #tpu.memory_space<hbm>>
        %dma_start3A_74 = arith.constant 0 : i32
        %dma_start3A_75 = tpu.memref_slice %arg4[%add3A_36, %dma_start3A_74] : memref<10240x64xi32, #tpu.memory_space<hbm>> -> memref<64x64xi32, #tpu.memory_space<hbm>>
        tpu.enqueue_dma source(%dma_start3A_75 : memref<64x64xi32, #tpu.memory_space<hbm>>) target(%arg7 : memref<64x64xi32, #tpu.memory_space<vmem>>) target_semaphore(%run_scoped3A : memref<!tpu.dma_semaphore, #tpu.memory_space<semaphore_mem>>)
        %dma_wait3A = arith.constant 0 : i32
        %dma_wait3A_76 = tpu.memref_slice %arg4[%add3A_36, %dma_wait3A] : memref<10240x64xi32, #tpu.memory_space<hbm>> -> memref<64x64xi32, #tpu.memory_space<hbm>>
        %dma_wait3A_77 = arith.constant 0 : i32
        %dma_wait3A_78 = tpu.memref_slice %arg4[%add3A_36, %dma_wait3A_77] : memref<10240x64xi32, #tpu.memory_space<hbm>> -> memref<64x64xi32, #tpu.memory_space<hbm>>
        tpu.wait_dma2 semaphore(%run_scoped3A : memref<!tpu.dma_semaphore, #tpu.memory_space<semaphore_mem>>) src(%dma_wait3A_78 : memref<64x64xi32, #tpu.memory_space<hbm>>) dst(%arg7 : memref<64x64xi32, #tpu.memory_space<vmem>>)
        tpu.yield
      }) : () -> ()
      %dma_start3A = arith.constant 0 : i32
      %dma_start3A_37 = arith.constant 0 : i32
      %dma_start3A_38 = tpu.memref_slice %arg6[%dma_start3A, %dma_start3A_37] : memref<64x64xi32, #tpu.memory_space<vmem>> -> memref<1x64xi32, #tpu.memory_space<vmem>>
      %dma_start3A_39 = tpu.memref_squeeze %dma_start3A_38 : memref<1x64xi32, #tpu.memory_space<vmem>> -> memref<64xi32, #tpu.memory_space<vmem>>
      %dma_start3A_40 = arith.constant 0 : i32
      %dma_start3A_41 = arith.constant 0 : i32
      %dma_start3A_42 = tpu.memref_slice %arg2[%dma_start3A_40, %dma_start3A_41] : memref<10000x128xf32, #tpu.memory_space<hbm>> -> memref<10000x128xf32, #tpu.memory_space<hbm>>
      tpu.enqueue_indirect_dma source(%dma_start3A_42 : memref<10000x128xf32, #tpu.memory_space<hbm>>) target(%arg8 : memref<64x128xf32, #tpu.memory_space<vmem>>) offsets(%dma_start3A_39 : memref<64xi32, #tpu.memory_space<vmem>>) semaphore(%arg13 : memref<!tpu.dma_semaphore, #tpu.memory_space<semaphore_mem>>)
      %dma_start3A_43 = arith.constant 1 : i32
      %dma_start3A_44 = arith.constant 0 : i32
      %dma_start3A_45 = tpu.memref_slice %arg6[%dma_start3A_43, %dma_start3A_44] : memref<64x64xi32, #tpu.memory_space<vmem>> -> memref<1x64xi32, #tpu.memory_space<vmem>>
      %dma_start3A_46 = tpu.memref_squeeze %dma_start3A_45 : memref<1x64xi32, #tpu.memory_space<vmem>> -> memref<64xi32, #tpu.memory_space<vmem>>
      %dma_start3A_47 = arith.constant 0 : i32
      %dma_start3A_48 = arith.constant 0 : i32
      %dma_start3A_49 = tpu.memref_slice %arg2[%dma_start3A_47, %dma_start3A_48] : memref<10000x128xf32, #tpu.memory_space<hbm>> -> memref<10000x128xf32, #tpu.memory_space<hbm>>
      tpu.enqueue_indirect_dma source(%dma_start3A_49 : memref<10000x128xf32, #tpu.memory_space<hbm>>) target(%arg9 : memref<64x128xf32, #tpu.memory_space<vmem>>) offsets(%dma_start3A_46 : memref<64xi32, #tpu.memory_space<vmem>>) semaphore(%arg14 : memref<!tpu.dma_semaphore, #tpu.memory_space<semaphore_mem>>)
      %dma_start3A_50 = arith.constant 2 : i32
      %dma_start3A_51 = arith.constant 0 : i32
      %dma_start3A_52 = tpu.memref_slice %arg6[%dma_start3A_50, %dma_start3A_51] : memref<64x64xi32, #tpu.memory_space<vmem>> -> memref<1x64xi32, #tpu.memory_space<vmem>>
      %dma_start3A_53 = tpu.memref_squeeze %dma_start3A_52 : memref<1x64xi32, #tpu.memory_space<vmem>> -> memref<64xi32, #tpu.memory_space<vmem>>
      %dma_start3A_54 = arith.constant 0 : i32
      %dma_start3A_55 = arith.constant 0 : i32
      %dma_start3A_56 = tpu.memref_slice %arg2[%dma_start3A_54, %dma_start3A_55] : memref<10000x128xf32, #tpu.memory_space<hbm>> -> memref<10000x128xf32, #tpu.memory_space<hbm>>
      tpu.enqueue_indirect_dma source(%dma_start3A_56 : memref<10000x128xf32, #tpu.memory_space<hbm>>) target(%arg10 : memref<64x128xf32, #tpu.memory_space<vmem>>) offsets(%dma_start3A_53 : memref<64xi32, #tpu.memory_space<vmem>>) semaphore(%arg15 : memref<!tpu.dma_semaphore, #tpu.memory_space<semaphore_mem>>)
      %dma_start3A_57 = arith.constant 3 : i32
      %dma_start3A_58 = arith.constant 0 : i32
      %dma_start3A_59 = tpu.memref_slice %arg6[%dma_start3A_57, %dma_start3A_58] : memref<64x64xi32, #tpu.memory_space<vmem>> -> memref<1x64xi32, #tpu.memory_space<vmem>>
      %dma_start3A_60 = tpu.memref_squeeze %dma_start3A_59 : memref<1x64xi32, #tpu.memory_space<vmem>> -> memref<64xi32, #tpu.memory_space<vmem>>
      %dma_start3A_61 = arith.constant 0 : i32
      %dma_start3A_62 = arith.constant 0 : i32
      %dma_start3A_63 = tpu.memref_slice %arg2[%dma_start3A_61, %dma_start3A_62] : memref<10000x128xf32, #tpu.memory_space<hbm>> -> memref<10000x128xf32, #tpu.memory_space<hbm>>
      tpu.enqueue_indirect_dma source(%dma_start3A_63 : memref<10000x128xf32, #tpu.memory_space<hbm>>) target(%arg11 : memref<64x128xf32, #tpu.memory_space<vmem>>) offsets(%dma_start3A_60 : memref<64xi32, #tpu.memory_space<vmem>>) semaphore(%arg16 : memref<!tpu.dma_semaphore, #tpu.memory_space<semaphore_mem>>)
      %scan3A_64 = arith.constant 0 : i32
      %scan3A_65 = arith.constant 0 : i32
      %scan3A_66 = arith.constant 16 : i32
      %scan3A_67 = arith.addi %scan3A_65, %scan3A_66 : i32
      %scan3A_68 = arith.constant 1 : i32
      %scan3A_69 = scf.for %scan3A_72 = %scan3A_65 to %scan3A_67 step %scan3A_68 iter_args(%scan3A_73 = %scan3A_64) -> (i32)  : i32 {
        %mul3A_74 = arith.constant 4 : i32
        %mul3A_75 = arith.muli %scan3A_72, %mul3A_74 : i32
        %add3A_76 = arith.constant 0 : i32
        %add3A_77 = arith.addi %mul3A_75, %add3A_76 : i32
        %dma_wait3A = arith.constant 0 : i32
        %dma_wait3A_78 = tpu.memref_slice %arg6[%add3A_77, %dma_wait3A] : memref<64x64xi32, #tpu.memory_space<vmem>> -> memref<1x64xi32, #tpu.memory_space<vmem>>
        %dma_wait3A_79 = tpu.memref_squeeze %dma_wait3A_78 : memref<1x64xi32, #tpu.memory_space<vmem>> -> memref<64xi32, #tpu.memory_space<vmem>>
        %dma_wait3A_80 = arith.constant 0 : i32
        %dma_wait3A_81 = arith.constant 0 : i32
        %dma_wait3A_82 = tpu.memref_slice %arg2[%dma_wait3A_80, %dma_wait3A_81] : memref<10000x128xf32, #tpu.memory_space<hbm>> -> memref<10000x128xf32, #tpu.memory_space<hbm>>
        tpu.wait_indirect_dma semaphore(%arg13 : memref<!tpu.dma_semaphore, #tpu.memory_space<semaphore_mem>>) src(%dma_wait3A_82 : memref<10000x128xf32, #tpu.memory_space<hbm>>) dst(%arg8 : memref<64x128xf32, #tpu.memory_space<vmem>>)
        "tpu.region"() ({
          %run_scoped3A = tpu.sem_alloc : memref<!tpu.dma_semaphore, #tpu.memory_space<semaphore_mem>>
          %dma_start3A_139 = arith.constant 0 : i32
          %dma_start3A_140 = tpu.memref_slice %arg7[%add3A_77, %dma_start3A_139] : memref<64x64xi32, #tpu.memory_space<vmem>> -> memref<1x64xi32, #tpu.memory_space<vmem>>
          %dma_start3A_141 = tpu.memref_squeeze %dma_start3A_140 : memref<1x64xi32, #tpu.memory_space<vmem>> -> memref<64xi32, #tpu.memory_space<vmem>>
          %dma_start3A_142 = arith.constant 0 : i32
          %dma_start3A_143 = arith.constant 0 : i32
          %dma_start3A_144 = tpu.memref_slice %arg12[%dma_start3A_142, %dma_start3A_143] : memref<10240x128xf32, #tpu.memory_space<vmem_shared>> -> memref<10240x128xf32, #tpu.memory_space<vmem_shared>>
          tpu.enqueue_indirect_dma source(%arg8 : memref<64x128xf32, #tpu.memory_space<vmem>>) target(%dma_start3A_144 : memref<10240x128xf32, #tpu.memory_space<vmem_shared>>) offsets(%dma_start3A_141 : memref<64xi32, #tpu.memory_space<vmem>>) semaphore(%run_scoped3A : memref<!tpu.dma_semaphore, #tpu.memory_space<semaphore_mem>>) {add = true}
          %dma_wait3A_145 = arith.constant 0 : i32
          %dma_wait3A_146 = tpu.memref_slice %arg7[%add3A_77, %dma_wait3A_145] : memref<64x64xi32, #tpu.memory_space<vmem>> -> memref<1x64xi32, #tpu.memory_space<vmem>>
          %dma_wait3A_147 = tpu.memref_squeeze %dma_wait3A_146 : memref<1x64xi32, #tpu.memory_space<vmem>> -> memref<64xi32, #tpu.memory_space<vmem>>
          %dma_wait3A_148 = arith.constant 0 : i32
          %dma_wait3A_149 = arith.constant 0 : i32
          %dma_wait3A_150 = tpu.memref_slice %arg12[%dma_wait3A_148, %dma_wait3A_149] : memref<10240x128xf32, #tpu.memory_space<vmem_shared>> -> memref<10240x128xf32, #tpu.memory_space<vmem_shared>>
          tpu.wait_indirect_dma semaphore(%run_scoped3A : memref<!tpu.dma_semaphore, #tpu.memory_space<semaphore_mem>>) src(%arg8 : memref<64x128xf32, #tpu.memory_space<vmem>>) dst(%dma_wait3A_150 : memref<10240x128xf32, #tpu.memory_space<vmem_shared>>)
          tpu.yield
        }) : () -> ()
        %add3A_83 = arith.constant 4 : i32
        %add3A_84 = arith.addi %add3A_77, %add3A_83 : i32
        %lt3A = arith.constant 64 : i32
        %lt3A_85 = arith.cmpi slt, %add3A_84, %lt3A : i32
        %convert_element_type3A = arith.extui %lt3A_85 : i1 to i32
        %cond3A = arith.constant 0 : i32
        %cond3A_86 = arith.cmpi ne, %convert_element_type3A, %cond3A : i32
        scf.if %cond3A_86 {
          %add3A_139 = arith.constant 4 : i32
          %add3A_140 = arith.addi %add3A_77, %add3A_139 : i32
          %dma_start3A_141 = arith.constant 0 : i32
          %dma_start3A_142 = tpu.memref_slice %arg6[%add3A_140, %dma_start3A_141] : memref<64x64xi32, #tpu.memory_space<vmem>> -> memref<1x64xi32, #tpu.memory_space<vmem>>
          %dma_start3A_143 = tpu.memref_squeeze %dma_start3A_142 : memref<1x64xi32, #tpu.memory_space<vmem>> -> memref<64xi32, #tpu.memory_space<vmem>>
          %dma_start3A_144 = arith.constant 0 : i32
          %dma_start3A_145 = arith.constant 0 : i32
          %dma_start3A_146 = tpu.memref_slice %arg2[%dma_start3A_144, %dma_start3A_145] : memref<10000x128xf32, #tpu.memory_space<hbm>> -> memref<10000x128xf32, #tpu.memory_space<hbm>>
          tpu.enqueue_indirect_dma source(%dma_start3A_146 : memref<10000x128xf32, #tpu.memory_space<hbm>>) target(%arg8 : memref<64x128xf32, #tpu.memory_space<vmem>>) offsets(%dma_start3A_143 : memref<64xi32, #tpu.memory_space<vmem>>) semaphore(%arg13 : memref<!tpu.dma_semaphore, #tpu.memory_space<semaphore_mem>>)
        } else {
        }
        %mul3A_87 = arith.constant 4 : i32
        %mul3A_88 = arith.muli %scan3A_72, %mul3A_87 : i32
        %add3A_89 = arith.constant 1 : i32
        %add3A_90 = arith.addi %mul3A_88, %add3A_89 : i32
        %dma_wait3A_91 = arith.constant 0 : i32
        %dma_wait3A_92 = tpu.memref_slice %arg6[%add3A_90, %dma_wait3A_91] : memref<64x64xi32, #tpu.memory_space<vmem>> -> memref<1x64xi32, #tpu.memory_space<vmem>>
        %dma_wait3A_93 = tpu.memref_squeeze %dma_wait3A_92 : memref<1x64xi32, #tpu.memory_space<vmem>> -> memref<64xi32, #tpu.memory_space<vmem>>
        %dma_wait3A_94 = arith.constant 0 : i32
        %dma_wait3A_95 = arith.constant 0 : i32
        %dma_wait3A_96 = tpu.memref_slice %arg2[%dma_wait3A_94, %dma_wait3A_95] : memref<10000x128xf32, #tpu.memory_space<hbm>> -> memref<10000x128xf32, #tpu.memory_space<hbm>>
        tpu.wait_indirect_dma semaphore(%arg14 : memref<!tpu.dma_semaphore, #tpu.memory_space<semaphore_mem>>) src(%dma_wait3A_96 : memref<10000x128xf32, #tpu.memory_space<hbm>>) dst(%arg9 : memref<64x128xf32, #tpu.memory_space<vmem>>)
        "tpu.region"() ({
          %run_scoped3A = tpu.sem_alloc : memref<!tpu.dma_semaphore, #tpu.memory_space<semaphore_mem>>
          %dma_start3A_139 = arith.constant 0 : i32
          %dma_start3A_140 = tpu.memref_slice %arg7[%add3A_90, %dma_start3A_139] : memref<64x64xi32, #tpu.memory_space<vmem>> -> memref<1x64xi32, #tpu.memory_space<vmem>>
          %dma_start3A_141 = tpu.memref_squeeze %dma_start3A_140 : memref<1x64xi32, #tpu.memory_space<vmem>> -> memref<64xi32, #tpu.memory_space<vmem>>
          %dma_start3A_142 = arith.constant 0 : i32
          %dma_start3A_143 = arith.constant 0 : i32
          %dma_start3A_144 = tpu.memref_slice %arg12[%dma_start3A_142, %dma_start3A_143] : memref<10240x128xf32, #tpu.memory_space<vmem_shared>> -> memref<10240x128xf32, #tpu.memory_space<vmem_shared>>
          tpu.enqueue_indirect_dma source(%arg9 : memref<64x128xf32, #tpu.memory_space<vmem>>) target(%dma_start3A_144 : memref<10240x128xf32, #tpu.memory_space<vmem_shared>>) offsets(%dma_start3A_141 : memref<64xi32, #tpu.memory_space<vmem>>) semaphore(%run_scoped3A : memref<!tpu.dma_semaphore, #tpu.memory_space<semaphore_mem>>) {add = true}
          %dma_wait3A_145 = arith.constant 0 : i32
          %dma_wait3A_146 = tpu.memref_slice %arg7[%add3A_90, %dma_wait3A_145] : memref<64x64xi32, #tpu.memory_space<vmem>> -> memref<1x64xi32, #tpu.memory_space<vmem>>
          %dma_wait3A_147 = tpu.memref_squeeze %dma_wait3A_146 : memref<1x64xi32, #tpu.memory_space<vmem>> -> memref<64xi32, #tpu.memory_space<vmem>>
          %dma_wait3A_148 = arith.constant 0 : i32
          %dma_wait3A_149 = arith.constant 0 : i32
          %dma_wait3A_150 = tpu.memref_slice %arg12[%dma_wait3A_148, %dma_wait3A_149] : memref<10240x128xf32, #tpu.memory_space<vmem_shared>> -> memref<10240x128xf32, #tpu.memory_space<vmem_shared>>
          tpu.wait_indirect_dma semaphore(%run_scoped3A : memref<!tpu.dma_semaphore, #tpu.memory_space<semaphore_mem>>) src(%arg9 : memref<64x128xf32, #tpu.memory_space<vmem>>) dst(%dma_wait3A_150 : memref<10240x128xf32, #tpu.memory_space<vmem_shared>>)
          tpu.yield
        }) : () -> ()
        %add3A_97 = arith.constant 4 : i32
        %add3A_98 = arith.addi %add3A_90, %add3A_97 : i32
        %lt3A_99 = arith.constant 64 : i32
        %lt3A_100 = arith.cmpi slt, %add3A_98, %lt3A_99 : i32
        %convert_element_type3A_101 = arith.extui %lt3A_100 : i1 to i32
        %cond3A_102 = arith.constant 0 : i32
        %cond3A_103 = arith.cmpi ne, %convert_element_type3A_101, %cond3A_102 : i32
        scf.if %cond3A_103 {
          %add3A_139 = arith.constant 4 : i32
          %add3A_140 = arith.addi %add3A_90, %add3A_139 : i32
          %dma_start3A_141 = arith.constant 0 : i32
          %dma_start3A_142 = tpu.memref_slice %arg6[%add3A_140, %dma_start3A_141] : memref<64x64xi32, #tpu.memory_space<vmem>> -> memref<1x64xi32, #tpu.memory_space<vmem>>
          %dma_start3A_143 = tpu.memref_squeeze %dma_start3A_142 : memref<1x64xi32, #tpu.memory_space<vmem>> -> memref<64xi32, #tpu.memory_space<vmem>>
          %dma_start3A_144 = arith.constant 0 : i32
          %dma_start3A_145 = arith.constant 0 : i32
          %dma_start3A_146 = tpu.memref_slice %arg2[%dma_start3A_144, %dma_start3A_145] : memref<10000x128xf32, #tpu.memory_space<hbm>> -> memref<10000x128xf32, #tpu.memory_space<hbm>>
          tpu.enqueue_indirect_dma source(%dma_start3A_146 : memref<10000x128xf32, #tpu.memory_space<hbm>>) target(%arg9 : memref<64x128xf32, #tpu.memory_space<vmem>>) offsets(%dma_start3A_143 : memref<64xi32, #tpu.memory_space<vmem>>) semaphore(%arg14 : memref<!tpu.dma_semaphore, #tpu.memory_space<semaphore_mem>>)
        } else {
        }
        %mul3A_104 = arith.constant 4 : i32
        %mul3A_105 = arith.muli %scan3A_72, %mul3A_104 : i32
        %add3A_106 = arith.constant 2 : i32
        %add3A_107 = arith.addi %mul3A_105, %add3A_106 : i32
        %dma_wait3A_108 = arith.constant 0 : i32
        %dma_wait3A_109 = tpu.memref_slice %arg6[%add3A_107, %dma_wait3A_108] : memref<64x64xi32, #tpu.memory_space<vmem>> -> memref<1x64xi32, #tpu.memory_space<vmem>>
        %dma_wait3A_110 = tpu.memref_squeeze %dma_wait3A_109 : memref<1x64xi32, #tpu.memory_space<vmem>> -> memref<64xi32, #tpu.memory_space<vmem>>
        %dma_wait3A_111 = arith.constant 0 : i32
        %dma_wait3A_112 = arith.constant 0 : i32
        %dma_wait3A_113 = tpu.memref_slice %arg2[%dma_wait3A_111, %dma_wait3A_112] : memref<10000x128xf32, #tpu.memory_space<hbm>> -> memref<10000x128xf32, #tpu.memory_space<hbm>>
        tpu.wait_indirect_dma semaphore(%arg15 : memref<!tpu.dma_semaphore, #tpu.memory_space<semaphore_mem>>) src(%dma_wait3A_113 : memref<10000x128xf32, #tpu.memory_space<hbm>>) dst(%arg10 : memref<64x128xf32, #tpu.memory_space<vmem>>)
        "tpu.region"() ({
          %run_scoped3A = tpu.sem_alloc : memref<!tpu.dma_semaphore, #tpu.memory_space<semaphore_mem>>
          %dma_start3A_139 = arith.constant 0 : i32
          %dma_start3A_140 = tpu.memref_slice %arg7[%add3A_107, %dma_start3A_139] : memref<64x64xi32, #tpu.memory_space<vmem>> -> memref<1x64xi32, #tpu.memory_space<vmem>>
          %dma_start3A_141 = tpu.memref_squeeze %dma_start3A_140 : memref<1x64xi32, #tpu.memory_space<vmem>> -> memref<64xi32, #tpu.memory_space<vmem>>
          %dma_start3A_142 = arith.constant 0 : i32
          %dma_start3A_143 = arith.constant 0 : i32
          %dma_start3A_144 = tpu.memref_slice %arg12[%dma_start3A_142, %dma_start3A_143] : memref<10240x128xf32, #tpu.memory_space<vmem_shared>> -> memref<10240x128xf32, #tpu.memory_space<vmem_shared>>
          tpu.enqueue_indirect_dma source(%arg10 : memref<64x128xf32, #tpu.memory_space<vmem>>) target(%dma_start3A_144 : memref<10240x128xf32, #tpu.memory_space<vmem_shared>>) offsets(%dma_start3A_141 : memref<64xi32, #tpu.memory_space<vmem>>) semaphore(%run_scoped3A : memref<!tpu.dma_semaphore, #tpu.memory_space<semaphore_mem>>) {add = true}
          %dma_wait3A_145 = arith.constant 0 : i32
          %dma_wait3A_146 = tpu.memref_slice %arg7[%add3A_107, %dma_wait3A_145] : memref<64x64xi32, #tpu.memory_space<vmem>> -> memref<1x64xi32, #tpu.memory_space<vmem>>
          %dma_wait3A_147 = tpu.memref_squeeze %dma_wait3A_146 : memref<1x64xi32, #tpu.memory_space<vmem>> -> memref<64xi32, #tpu.memory_space<vmem>>
          %dma_wait3A_148 = arith.constant 0 : i32
          %dma_wait3A_149 = arith.constant 0 : i32
          %dma_wait3A_150 = tpu.memref_slice %arg12[%dma_wait3A_148, %dma_wait3A_149] : memref<10240x128xf32, #tpu.memory_space<vmem_shared>> -> memref<10240x128xf32, #tpu.memory_space<vmem_shared>>
          tpu.wait_indirect_dma semaphore(%run_scoped3A : memref<!tpu.dma_semaphore, #tpu.memory_space<semaphore_mem>>) src(%arg10 : memref<64x128xf32, #tpu.memory_space<vmem>>) dst(%dma_wait3A_150 : memref<10240x128xf32, #tpu.memory_space<vmem_shared>>)
          tpu.yield
        }) : () -> ()
        %add3A_114 = arith.constant 4 : i32
        %add3A_115 = arith.addi %add3A_107, %add3A_114 : i32
        %lt3A_116 = arith.constant 64 : i32
        %lt3A_117 = arith.cmpi slt, %add3A_115, %lt3A_116 : i32
        %convert_element_type3A_118 = arith.extui %lt3A_117 : i1 to i32
        %cond3A_119 = arith.constant 0 : i32
        %cond3A_120 = arith.cmpi ne, %convert_element_type3A_118, %cond3A_119 : i32
        scf.if %cond3A_120 {
          %add3A_139 = arith.constant 4 : i32
          %add3A_140 = arith.addi %add3A_107, %add3A_139 : i32
          %dma_start3A_141 = arith.constant 0 : i32
          %dma_start3A_142 = tpu.memref_slice %arg6[%add3A_140, %dma_start3A_141] : memref<64x64xi32, #tpu.memory_space<vmem>> -> memref<1x64xi32, #tpu.memory_space<vmem>>
          %dma_start3A_143 = tpu.memref_squeeze %dma_start3A_142 : memref<1x64xi32, #tpu.memory_space<vmem>> -> memref<64xi32, #tpu.memory_space<vmem>>
          %dma_start3A_144 = arith.constant 0 : i32
          %dma_start3A_145 = arith.constant 0 : i32
          %dma_start3A_146 = tpu.memref_slice %arg2[%dma_start3A_144, %dma_start3A_145] : memref<10000x128xf32, #tpu.memory_space<hbm>> -> memref<10000x128xf32, #tpu.memory_space<hbm>>
          tpu.enqueue_indirect_dma source(%dma_start3A_146 : memref<10000x128xf32, #tpu.memory_space<hbm>>) target(%arg10 : memref<64x128xf32, #tpu.memory_space<vmem>>) offsets(%dma_start3A_143 : memref<64xi32, #tpu.memory_space<vmem>>) semaphore(%arg15 : memref<!tpu.dma_semaphore, #tpu.memory_space<semaphore_mem>>)
        } else {
        }
        %mul3A_121 = arith.constant 4 : i32
        %mul3A_122 = arith.muli %scan3A_72, %mul3A_121 : i32
        %add3A_123 = arith.constant 3 : i32
        %add3A_124 = arith.addi %mul3A_122, %add3A_123 : i32
        %dma_wait3A_125 = arith.constant 0 : i32
        %dma_wait3A_126 = tpu.memref_slice %arg6[%add3A_124, %dma_wait3A_125] : memref<64x64xi32, #tpu.memory_space<vmem>> -> memref<1x64xi32, #tpu.memory_space<vmem>>
        %dma_wait3A_127 = tpu.memref_squeeze %dma_wait3A_126 : memref<1x64xi32, #tpu.memory_space<vmem>> -> memref<64xi32, #tpu.memory_space<vmem>>
        %dma_wait3A_128 = arith.constant 0 : i32
        %dma_wait3A_129 = arith.constant 0 : i32
        %dma_wait3A_130 = tpu.memref_slice %arg2[%dma_wait3A_128, %dma_wait3A_129] : memref<10000x128xf32, #tpu.memory_space<hbm>> -> memref<10000x128xf32, #tpu.memory_space<hbm>>
        tpu.wait_indirect_dma semaphore(%arg16 : memref<!tpu.dma_semaphore, #tpu.memory_space<semaphore_mem>>) src(%dma_wait3A_130 : memref<10000x128xf32, #tpu.memory_space<hbm>>) dst(%arg11 : memref<64x128xf32, #tpu.memory_space<vmem>>)
        "tpu.region"() ({
          %run_scoped3A = tpu.sem_alloc : memref<!tpu.dma_semaphore, #tpu.memory_space<semaphore_mem>>
          %dma_start3A_139 = arith.constant 0 : i32
          %dma_start3A_140 = tpu.memref_slice %arg7[%add3A_124, %dma_start3A_139] : memref<64x64xi32, #tpu.memory_space<vmem>> -> memref<1x64xi32, #tpu.memory_space<vmem>>
          %dma_start3A_141 = tpu.memref_squeeze %dma_start3A_140 : memref<1x64xi32, #tpu.memory_space<vmem>> -> memref<64xi32, #tpu.memory_space<vmem>>
          %dma_start3A_142 = arith.constant 0 : i32
          %dma_start3A_143 = arith.constant 0 : i32
          %dma_start3A_144 = tpu.memref_slice %arg12[%dma_start3A_142, %dma_start3A_143] : memref<10240x128xf32, #tpu.memory_space<vmem_shared>> -> memref<10240x128xf32, #tpu.memory_space<vmem_shared>>
          tpu.enqueue_indirect_dma source(%arg11 : memref<64x128xf32, #tpu.memory_space<vmem>>) target(%dma_start3A_144 : memref<10240x128xf32, #tpu.memory_space<vmem_shared>>) offsets(%dma_start3A_141 : memref<64xi32, #tpu.memory_space<vmem>>) semaphore(%run_scoped3A : memref<!tpu.dma_semaphore, #tpu.memory_space<semaphore_mem>>) {add = true}
          %dma_wait3A_145 = arith.constant 0 : i32
          %dma_wait3A_146 = tpu.memref_slice %arg7[%add3A_124, %dma_wait3A_145] : memref<64x64xi32, #tpu.memory_space<vmem>> -> memref<1x64xi32, #tpu.memory_space<vmem>>
          %dma_wait3A_147 = tpu.memref_squeeze %dma_wait3A_146 : memref<1x64xi32, #tpu.memory_space<vmem>> -> memref<64xi32, #tpu.memory_space<vmem>>
          %dma_wait3A_148 = arith.constant 0 : i32
          %dma_wait3A_149 = arith.constant 0 : i32
          %dma_wait3A_150 = tpu.memref_slice %arg12[%dma_wait3A_148, %dma_wait3A_149] : memref<10240x128xf32, #tpu.memory_space<vmem_shared>> -> memref<10240x128xf32, #tpu.memory_space<vmem_shared>>
          tpu.wait_indirect_dma semaphore(%run_scoped3A : memref<!tpu.dma_semaphore, #tpu.memory_space<semaphore_mem>>) src(%arg11 : memref<64x128xf32, #tpu.memory_space<vmem>>) dst(%dma_wait3A_150 : memref<10240x128xf32, #tpu.memory_space<vmem_shared>>)
          tpu.yield
        }) : () -> ()
        %add3A_131 = arith.constant 4 : i32
        %add3A_132 = arith.addi %add3A_124, %add3A_131 : i32
        %lt3A_133 = arith.constant 64 : i32
        %lt3A_134 = arith.cmpi slt, %add3A_132, %lt3A_133 : i32
        %convert_element_type3A_135 = arith.extui %lt3A_134 : i1 to i32
        %cond3A_136 = arith.constant 0 : i32
        %cond3A_137 = arith.cmpi ne, %convert_element_type3A_135, %cond3A_136 : i32
        scf.if %cond3A_137 {
          %add3A_139 = arith.constant 4 : i32
          %add3A_140 = arith.addi %add3A_124, %add3A_139 : i32
          %dma_start3A_141 = arith.constant 0 : i32
          %dma_start3A_142 = tpu.memref_slice %arg6[%add3A_140, %dma_start3A_141] : memref<64x64xi32, #tpu.memory_space<vmem>> -> memref<1x64xi32, #tpu.memory_space<vmem>>
          %dma_start3A_143 = tpu.memref_squeeze %dma_start3A_142 : memref<1x64xi32, #tpu.memory_space<vmem>> -> memref<64xi32, #tpu.memory_space<vmem>>
          %dma_start3A_144 = arith.constant 0 : i32
          %dma_start3A_145 = arith.constant 0 : i32
          %dma_start3A_146 = tpu.memref_slice %arg2[%dma_start3A_144, %dma_start3A_145] : memref<10000x128xf32, #tpu.memory_space<hbm>> -> memref<10000x128xf32, #tpu.memory_space<hbm>>
          tpu.enqueue_indirect_dma source(%dma_start3A_146 : memref<10000x128xf32, #tpu.memory_space<hbm>>) target(%arg11 : memref<64x128xf32, #tpu.memory_space<vmem>>) offsets(%dma_start3A_143 : memref<64xi32, #tpu.memory_space<vmem>>) semaphore(%arg16 : memref<!tpu.dma_semaphore, #tpu.memory_space<semaphore_mem>>)
        } else {
        }
        %scan3A_138 = arith.constant 0 : i32
        scf.yield %scan3A_138 : i32
      }
      %scan3A_70 = arith.constant 16 : i32
      %scan3A_71 = arith.constant 0 : i32
      scf.yield %scan3A_71 : i32
    }
    %scan3A_21 = arith.constant 5 : i32
    %barrier3A_22 = arith.constant 0 : index
    tpu.barrier barrier_id(%barrier3A_22)
    %scan3A_23 = arith.constant 0 : i32
    %scan3A_24 = arith.constant 0 : i32
    %scan3A_25 = arith.constant 10 : i32
    %scan3A_26 = arith.addi %scan3A_24, %scan3A_25 : i32
    %scan3A_27 = arith.constant 1 : i32
    %scan3A_28 = scf.for %scan3A_30 = %scan3A_24 to %scan3A_26 step %scan3A_27 iter_args(%scan3A_31 = %scan3A_23) -> (i32)  : i32 {
      %mul3A_32 = arith.constant 640 : i32
      %mul3A_33 = arith.muli %arg1, %mul3A_32 : i32
      %mul3A_34 = arith.constant 64 : i32
      %mul3A_35 = arith.muli %scan3A_30, %mul3A_34 : i32
      %add3A_36 = arith.addi %mul3A_33, %mul3A_35 : i32
      "tpu.region"() ({
        %run_scoped3A = tpu.sem_alloc : memref<!tpu.dma_semaphore, #tpu.memory_space<semaphore_mem>>
        %dma_start3A = arith.constant 0 : i32
        %dma_start3A_38 = tpu.memref_slice %arg12[%add3A_36, %dma_start3A] : memref<10240x128xf32, #tpu.memory_space<vmem_shared>> -> memref<64x128xf32, #tpu.memory_space<vmem_shared>>
        %dma_start3A_39 = arith.constant 0 : i32
        %dma_start3A_40 = tpu.memref_slice %arg12[%add3A_36, %dma_start3A_39] : memref<10240x128xf32, #tpu.memory_space<vmem_shared>> -> memref<64x128xf32, #tpu.memory_space<vmem_shared>>
        tpu.enqueue_dma source(%dma_start3A_40 : memref<64x128xf32, #tpu.memory_space<vmem_shared>>) target(%arg8 : memref<64x128xf32, #tpu.memory_space<vmem>>) target_semaphore(%run_scoped3A : memref<!tpu.dma_semaphore, #tpu.memory_space<semaphore_mem>>)
        %dma_wait3A = arith.constant 0 : i32
        %dma_wait3A_41 = tpu.memref_slice %arg12[%add3A_36, %dma_wait3A] : memref<10240x128xf32, #tpu.memory_space<vmem_shared>> -> memref<64x128xf32, #tpu.memory_space<vmem_shared>>
        %dma_wait3A_42 = arith.constant 0 : i32
        %dma_wait3A_43 = tpu.memref_slice %arg12[%add3A_36, %dma_wait3A_42] : memref<10240x128xf32, #tpu.memory_space<vmem_shared>> -> memref<64x128xf32, #tpu.memory_space<vmem_shared>>
        tpu.wait_dma2 semaphore(%run_scoped3A : memref<!tpu.dma_semaphore, #tpu.memory_space<semaphore_mem>>) src(%dma_wait3A_43 : memref<64x128xf32, #tpu.memory_space<vmem_shared>>) dst(%arg8 : memref<64x128xf32, #tpu.memory_space<vmem>>)
        tpu.yield
      }) : () -> ()
      "tpu.region"() ({
        %run_scoped3A = tpu.sem_alloc : memref<!tpu.dma_semaphore, #tpu.memory_space<semaphore_mem>>
        %dma_start3A = arith.constant 0 : i32
        %dma_start3A_38 = tpu.memref_slice %arg5[%arg0, %add3A_36, %dma_start3A] : memref<2x10240x128xf32, #tpu.memory_space<hbm>> -> memref<1x64x128xf32, #tpu.memory_space<hbm>>
        %dma_start3A_39 = tpu.memref_squeeze %dma_start3A_38 : memref<1x64x128xf32, #tpu.memory_space<hbm>> -> memref<64x128xf32, #tpu.memory_space<hbm>>
        %dma_start3A_40 = arith.constant 0 : i32
        %dma_start3A_41 = tpu.memref_slice %arg5[%arg0, %add3A_36, %dma_start3A_40] : memref<2x10240x128xf32, #tpu.memory_space<hbm>> -> memref<1x64x128xf32, #tpu.memory_space<hbm>>
        %dma_start3A_42 = tpu.memref_squeeze %dma_start3A_41 : memref<1x64x128xf32, #tpu.memory_space<hbm>> -> memref<64x128xf32, #tpu.memory_space<hbm>>
        tpu.enqueue_dma source(%arg8 : memref<64x128xf32, #tpu.memory_space<vmem>>) target(%dma_start3A_42 : memref<64x128xf32, #tpu.memory_space<hbm>>) target_semaphore(%run_scoped3A : memref<!tpu.dma_semaphore, #tpu.memory_space<semaphore_mem>>)
        %dma_wait3A = arith.constant 0 : i32
        %dma_wait3A_43 = tpu.memref_slice %arg5[%arg0, %add3A_36, %dma_wait3A] : memref<2x10240x128xf32, #tpu.memory_space<hbm>> -> memref<1x64x128xf32, #tpu.memory_space<hbm>>
        %dma_wait3A_44 = tpu.memref_squeeze %dma_wait3A_43 : memref<1x64x128xf32, #tpu.memory_space<hbm>> -> memref<64x128xf32, #tpu.memory_space<hbm>>
        %dma_wait3A_45 = arith.constant 0 : i32
        %dma_wait3A_46 = tpu.memref_slice %arg5[%arg0, %add3A_36, %dma_wait3A_45] : memref<2x10240x128xf32, #tpu.memory_space<hbm>> -> memref<1x64x128xf32, #tpu.memory_space<hbm>>
        %dma_wait3A_47 = tpu.memref_squeeze %dma_wait3A_46 : memref<1x64x128xf32, #tpu.memory_space<hbm>> -> memref<64x128xf32, #tpu.memory_space<hbm>>
        tpu.wait_dma2 semaphore(%run_scoped3A : memref<!tpu.dma_semaphore, #tpu.memory_space<semaphore_mem>>) src(%arg8 : memref<64x128xf32, #tpu.memory_space<vmem>>) dst(%dma_wait3A_47 : memref<64x128xf32, #tpu.memory_space<hbm>>)
        tpu.yield
      }) : () -> ()
      %scan3A_37 = arith.constant 0 : i32
      scf.yield %scan3A_37 : i32
    }
    %scan3A_29 = arith.constant 10 : i32
    return
  }
}

#map = affine_map<(d0, d1) -> (0, 0)>
#map1 = affine_map<(d0, d1) -> (0, 0, 0)>
module attributes {stable_mosaic.version = 14 : i64} {
  func.func @_scatter_body(%arg0: i32, %arg1: i32, %arg2: memref<10000x128xf32, #tpu.memory_space<hbm>>, %arg3: memref<10240x64xi32, #tpu.memory_space<hbm>>, %arg4: memref<10240x64xi32, #tpu.memory_space<hbm>>, %arg5: memref<2x10240x128xf32, #tpu.memory_space<hbm>>, %arg6: memref<64x64xi32, #tpu.memory_space<vmem>>, %arg7: memref<64x64xi32, #tpu.memory_space<vmem>>, %arg8: memref<64x128xf32, #tpu.memory_space<vmem>>, %arg9: memref<64x128xf32, #tpu.memory_space<vmem>>, %arg10: memref<64x128xf32, #tpu.memory_space<vmem>>, %arg11: memref<64x128xf32, #tpu.memory_space<vmem>>, %arg12: memref<10240x128xf32, #tpu.memory_space<vmem_shared>>, %arg13: memref<!tpu.dma_semaphore, #tpu.memory_space<semaphore_mem>>, %arg14: memref<!tpu.dma_semaphore, #tpu.memory_space<semaphore_mem>>, %arg15: memref<!tpu.dma_semaphore, #tpu.memory_space<semaphore_mem>>, %arg16: memref<!tpu.dma_semaphore, #tpu.memory_space<semaphore_mem>>) attributes {dimension_semantics = [#tpu.dimension_semantics<core_parallel>, #tpu.dimension_semantics<subcore_parallel>], iteration_bounds = array<i64: 2, 16>, scalar_prefetch = 0 : i64, scratch_operands = 11 : i64, tpu.core_type = #tpu.core_type<sc_vector_subcore>, window_params = [{transform_indices = #map}, {transform_indices = #map}, {transform_indices = #map}, {transform_indices = #map1}]} {
    %mul3A = arith.constant 16 : i32
    %mul3A_0 = arith.muli %arg0, %mul3A : i32
    %add3A = arith.addi %mul3A_0, %arg1 : i32
    %broadcast_in_dim3A = arith.constant 0.000000e+00 : f32
    %broadcast_in_dim3A_1 = vector.broadcast %broadcast_in_dim3A : f32 to vector<16xf32>
    %scan3A = arith.constant 0 : i32
    %scan3A_2 = arith.constant 0 : i32
    %scan3A_3 = arith.constant 64 : i32
    %scan3A_4 = arith.addi %scan3A_2, %scan3A_3 : i32
    %scan3A_5 = arith.constant 1 : i32
    %scan3A_6 = scf.for %scan3A_30 = %scan3A_2 to %scan3A_4 step %scan3A_5 iter_args(%scan3A_31 = %scan3A) -> (i32)  : i32 {
      %swap3A = arith.index_cast %scan3A_30 : i32 to index
      %swap3A_32 = arith.constant 0 : index
      %swap3A_33 = tpu.vector_load %arg8[%swap3A, %swap3A_32] {strides = array<i32>} : memref<64x128xf32, #tpu.memory_space<vmem>>, vector<16xf32>,
      tpu.vector_store %arg8[%swap3A, %swap3A_32], %broadcast_in_dim3A_1 {strides = array<i32>} : memref<64x128xf32, #tpu.memory_space<vmem>>, vector<16xf32>,
      %swap3A_34 = arith.index_cast %scan3A_30 : i32 to index
      %swap3A_35 = arith.constant 16 : index
      %swap3A_36 = tpu.vector_load %arg8[%swap3A_34, %swap3A_35] {strides = array<i32>} : memref<64x128xf32, #tpu.memory_space<vmem>>, vector<16xf32>,
      tpu.vector_store %arg8[%swap3A_34, %swap3A_35], %broadcast_in_dim3A_1 {strides = array<i32>} : memref<64x128xf32, #tpu.memory_space<vmem>>, vector<16xf32>,
      %swap3A_37 = arith.index_cast %scan3A_30 : i32 to index
      %swap3A_38 = arith.constant 32 : index
      %swap3A_39 = tpu.vector_load %arg8[%swap3A_37, %swap3A_38] {strides = array<i32>} : memref<64x128xf32, #tpu.memory_space<vmem>>, vector<16xf32>,
      tpu.vector_store %arg8[%swap3A_37, %swap3A_38], %broadcast_in_dim3A_1 {strides = array<i32>} : memref<64x128xf32, #tpu.memory_space<vmem>>, vector<16xf32>,
      %swap3A_40 = arith.index_cast %scan3A_30 : i32 to index
      %swap3A_41 = arith.constant 48 : index
      %swap3A_42 = tpu.vector_load %arg8[%swap3A_40, %swap3A_41] {strides = array<i32>} : memref<64x128xf32, #tpu.memory_space<vmem>>, vector<16xf32>,
      tpu.vector_store %arg8[%swap3A_40, %swap3A_41], %broadcast_in_dim3A_1 {strides = array<i32>} : memref<64x128xf32, #tpu.memory_space<vmem>>, vector<16xf32>,
      %swap3A_43 = arith.index_cast %scan3A_30 : i32 to index
      %swap3A_44 = arith.constant 64 : index
      %swap3A_45 = tpu.vector_load %arg8[%swap3A_43, %swap3A_44] {strides = array<i32>} : memref<64x128xf32, #tpu.memory_space<vmem>>, vector<16xf32>,
      tpu.vector_store %arg8[%swap3A_43, %swap3A_44], %broadcast_in_dim3A_1 {strides = array<i32>} : memref<64x128xf32, #tpu.memory_space<vmem>>, vector<16xf32>,
      %swap3A_46 = arith.index_cast %scan3A_30 : i32 to index
      %swap3A_47 = arith.constant 80 : index
      %swap3A_48 = tpu.vector_load %arg8[%swap3A_46, %swap3A_47] {strides = array<i32>} : memref<64x128xf32, #tpu.memory_space<vmem>>, vector<16xf32>,
      tpu.vector_store %arg8[%swap3A_46, %swap3A_47], %broadcast_in_dim3A_1 {strides = array<i32>} : memref<64x128xf32, #tpu.memory_space<vmem>>, vector<16xf32>,
      %swap3A_49 = arith.index_cast %scan3A_30 : i32 to index
      %swap3A_50 = arith.constant 96 : index
      %swap3A_51 = tpu.vector_load %arg8[%swap3A_49, %swap3A_50] {strides = array<i32>} : memref<64x128xf32, #tpu.memory_space<vmem>>, vector<16xf32>,
      tpu.vector_store %arg8[%swap3A_49, %swap3A_50], %broadcast_in_dim3A_1 {strides = array<i32>} : memref<64x128xf32, #tpu.memory_space<vmem>>, vector<16xf32>,
      %swap3A_52 = arith.index_cast %scan3A_30 : i32 to index
      %swap3A_53 = arith.constant 112 : index
      %swap3A_54 = tpu.vector_load %arg8[%swap3A_52, %swap3A_53] {strides = array<i32>} : memref<64x128xf32, #tpu.memory_space<vmem>>, vector<16xf32>,
      tpu.vector_store %arg8[%swap3A_52, %swap3A_53], %broadcast_in_dim3A_1 {strides = array<i32>} : memref<64x128xf32, #tpu.memory_space<vmem>>, vector<16xf32>,
      %scan3A_55 = arith.constant 0 : i32
      scf.yield %scan3A_55 : i32
    }
    %scan3A_7 = arith.constant 64 : i32
    %scan3A_8 = arith.constant 0 : i32
    %scan3A_9 = arith.constant 0 : i32
    %scan3A_10 = arith.constant 10 : i32
    %scan3A_11 = arith.addi %scan3A_9, %scan3A_10 : i32
    %scan3A_12 = arith.constant 1 : i32
    %scan3A_13 = scf.for %scan3A_30 = %scan3A_9 to %scan3A_11 step %scan3A_12 iter_args(%scan3A_31 = %scan3A_8) -> (i32)  : i32 {
      %mul3A_32 = arith.constant 640 : i32
      %mul3A_33 = arith.muli %arg1, %mul3A_32 : i32
      %mul3A_34 = arith.constant 64 : i32
      %mul3A_35 = arith.muli %scan3A_30, %mul3A_34 : i32
      %add3A_36 = arith.addi %mul3A_33, %mul3A_35 : i32
      "tpu.region"() ({
        %run_scoped3A = tpu.sem_alloc : memref<!tpu.dma_semaphore, #tpu.memory_space<semaphore_mem>>
        %dma_start3A = arith.constant 0 : i32
        %dma_start3A_38 = tpu.memref_slice %arg12[%add3A_36, %dma_start3A] : memref<10240x128xf32, #tpu.memory_space<vmem_shared>> -> memref<64x128xf32, #tpu.memory_space<vmem_shared>>
        %dma_start3A_39 = arith.constant 0 : i32
        %dma_start3A_40 = tpu.memref_slice %arg12[%add3A_36, %dma_start3A_39] : memref<10240x128xf32, #tpu.memory_space<vmem_shared>> -> memref<64x128xf32, #tpu.memory_space<vmem_shared>>
        tpu.enqueue_dma source(%arg8 : memref<64x128xf32, #tpu.memory_space<vmem>>) target(%dma_start3A_40 : memref<64x128xf32, #tpu.memory_space<vmem_shared>>) target_semaphore(%run_scoped3A : memref<!tpu.dma_semaphore, #tpu.memory_space<semaphore_mem>>)
        %dma_wait3A = arith.constant 0 : i32
        %dma_wait3A_41 = tpu.memref_slice %arg12[%add3A_36, %dma_wait3A] : memref<10240x128xf32, #tpu.memory_space<vmem_shared>> -> memref<64x128xf32, #tpu.memory_space<vmem_shared>>
        %dma_wait3A_42 = arith.constant 0 : i32
        %dma_wait3A_43 = tpu.memref_slice %arg12[%add3A_36, %dma_wait3A_42] : memref<10240x128xf32, #tpu.memory_space<vmem_shared>> -> memref<64x128xf32, #tpu.memory_space<vmem_shared>>
        tpu.wait_dma2 semaphore(%run_scoped3A : memref<!tpu.dma_semaphore, #tpu.memory_space<semaphore_mem>>) src(%arg8 : memref<64x128xf32, #tpu.memory_space<vmem>>) dst(%dma_wait3A_43 : memref<64x128xf32, #tpu.memory_space<vmem_shared>>)
        tpu.yield
      }) : () -> ()
      %scan3A_37 = arith.constant 0 : i32
      scf.yield %scan3A_37 : i32
    }
    %scan3A_14 = arith.constant 10 : i32
    %barrier3A = arith.constant 0 : index
    tpu.barrier barrier_id(%barrier3A)
    %scan3A_15 = arith.constant 0 : i32
    %scan3A_16 = arith.constant 0 : i32
    %scan3A_17 = arith.constant 5 : i32
    %scan3A_18 = arith.addi %scan3A_16, %scan3A_17 : i32
    %scan3A_19 = arith.constant 1 : i32
    %scan3A_20 = scf.for %scan3A_30 = %scan3A_16 to %scan3A_18 step %scan3A_19 iter_args(%scan3A_31 = %scan3A_15) -> (i32)  : i32 {
      %mul3A_32 = arith.constant 320 : i32
      %mul3A_33 = arith.muli %add3A, %mul3A_32 : i32
      %mul3A_34 = arith.constant 64 : i32
      %mul3A_35 = arith.muli %scan3A_30, %mul3A_34 : i32
      %add3A_36 = arith.addi %mul3A_33, %mul3A_35 : i32
      "tpu.region"() ({
        %run_scoped3A = tpu.sem_alloc : memref<!tpu.dma_semaphore, #tpu.memory_space<semaphore_mem>>
        %dma_start3A_72 = arith.constant 0 : i32
        %dma_start3A_73 = tpu.memref_slice %arg3[%add3A_36, %dma_start3A_72] : memref<10240x64xi32, #tpu.memory_space<hbm>> -> memref<64x64xi32, #tpu.memory_space<hbm>>
        %dma_start3A_74 = arith.constant 0 : i32
        %dma_start3A_75 = tpu.memref_slice %arg3[%add3A_36, %dma_start3A_74] : memref<10240x64xi32, #tpu.memory_space<hbm>> -> memref<64x64xi32, #tpu.memory_space<hbm>>
        tpu.enqueue_dma source(%dma_start3A_75 : memref<64x64xi32, #tpu.memory_space<hbm>>) target(%arg6 : memref<64x64xi32, #tpu.memory_space<vmem>>) target_semaphore(%run_scoped3A : memref<!tpu.dma_semaphore, #tpu.memory_space<semaphore_mem>>)
        %dma_wait3A = arith.constant 0 : i32
        %dma_wait3A_76 = tpu.memref_slice %arg3[%add3A_36, %dma_wait3A] : memref<10240x64xi32, #tpu.memory_space<hbm>> -> memref<64x64xi32, #tpu.memory_space<hbm>>
        %dma_wait3A_77 = arith.constant 0 : i32
        %dma_wait3A_78 = tpu.memref_slice %arg3[%add3A_36, %dma_wait3A_77] : memref<10240x64xi32, #tpu.memory_space<hbm>> -> memref<64x64xi32, #tpu.memory_space<hbm>>
        tpu.wait_dma2 semaphore(%run_scoped3A : memref<!tpu.dma_semaphore, #tpu.memory_space<semaphore_mem>>) src(%dma_wait3A_78 : memref<64x64xi32, #tpu.memory_space<hbm>>) dst(%arg6 : memref<64x64xi32, #tpu.memory_space<vmem>>)
        tpu.yield
      }) : () -> ()
      "tpu.region"() ({
        %run_scoped3A = tpu.sem_alloc : memref<!tpu.dma_semaphore, #tpu.memory_space<semaphore_mem>>
        %dma_start3A_72 = arith.constant 0 : i32
        %dma_start3A_73 = tpu.memref_slice %arg4[%add3A_36, %dma_start3A_72] : memref<10240x64xi32, #tpu.memory_space<hbm>> -> memref<64x64xi32, #tpu.memory_space<hbm>>
        %dma_start3A_74 = arith.constant 0 : i32
        %dma_start3A_75 = tpu.memref_slice %arg4[%add3A_36, %dma_start3A_74] : memref<10240x64xi32, #tpu.memory_space<hbm>> -> memref<64x64xi32, #tpu.memory_space<hbm>>
        tpu.enqueue_dma source(%dma_start3A_75 : memref<64x64xi32, #tpu.memory_space<hbm>>) target(%arg7 : memref<64x64xi32, #tpu.memory_space<vmem>>) target_semaphore(%run_scoped3A : memref<!tpu.dma_semaphore, #tpu.memory_space<semaphore_mem>>)
        %dma_wait3A = arith.constant 0 : i32
        %dma_wait3A_76 = tpu.memref_slice %arg4[%add3A_36, %dma_wait3A] : memref<10240x64xi32, #tpu.memory_space<hbm>> -> memref<64x64xi32, #tpu.memory_space<hbm>>
        %dma_wait3A_77 = arith.constant 0 : i32
        %dma_wait3A_78 = tpu.memref_slice %arg4[%add3A_36, %dma_wait3A_77] : memref<10240x64xi32, #tpu.memory_space<hbm>> -> memref<64x64xi32, #tpu.memory_space<hbm>>
        tpu.wait_dma2 semaphore(%run_scoped3A : memref<!tpu.dma_semaphore, #tpu.memory_space<semaphore_mem>>) src(%dma_wait3A_78 : memref<64x64xi32, #tpu.memory_space<hbm>>) dst(%arg7 : memref<64x64xi32, #tpu.memory_space<vmem>>)
        tpu.yield
      }) : () -> ()
      %dma_start3A = arith.constant 0 : i32
      %dma_start3A_37 = arith.constant 0 : i32
      %dma_start3A_38 = tpu.memref_slice %arg6[%dma_start3A, %dma_start3A_37] : memref<64x64xi32, #tpu.memory_space<vmem>> -> memref<1x64xi32, #tpu.memory_space<vmem>>
      %dma_start3A_39 = tpu.memref_squeeze %dma_start3A_38 : memref<1x64xi32, #tpu.memory_space<vmem>> -> memref<64xi32, #tpu.memory_space<vmem>>
      %dma_start3A_40 = arith.constant 0 : i32
      %dma_start3A_41 = arith.constant 0 : i32
      %dma_start3A_42 = tpu.memref_slice %arg2[%dma_start3A_40, %dma_start3A_41] : memref<10000x128xf32, #tpu.memory_space<hbm>> -> memref<10000x128xf32, #tpu.memory_space<hbm>>
      tpu.enqueue_indirect_dma source(%dma_start3A_42 : memref<10000x128xf32, #tpu.memory_space<hbm>>) target(%arg8 : memref<64x128xf32, #tpu.memory_space<vmem>>) offsets(%dma_start3A_39 : memref<64xi32, #tpu.memory_space<vmem>>) semaphore(%arg13 : memref<!tpu.dma_semaphore, #tpu.memory_space<semaphore_mem>>)
      %dma_start3A_43 = arith.constant 1 : i32
      %dma_start3A_44 = arith.constant 0 : i32
      %dma_start3A_45 = tpu.memref_slice %arg6[%dma_start3A_43, %dma_start3A_44] : memref<64x64xi32, #tpu.memory_space<vmem>> -> memref<1x64xi32, #tpu.memory_space<vmem>>
      %dma_start3A_46 = tpu.memref_squeeze %dma_start3A_45 : memref<1x64xi32, #tpu.memory_space<vmem>> -> memref<64xi32, #tpu.memory_space<vmem>>
      %dma_start3A_47 = arith.constant 0 : i32
      %dma_start3A_48 = arith.constant 0 : i32
      %dma_start3A_49 = tpu.memref_slice %arg2[%dma_start3A_47, %dma_start3A_48] : memref<10000x128xf32, #tpu.memory_space<hbm>> -> memref<10000x128xf32, #tpu.memory_space<hbm>>
      tpu.enqueue_indirect_dma source(%dma_start3A_49 : memref<10000x128xf32, #tpu.memory_space<hbm>>) target(%arg9 : memref<64x128xf32, #tpu.memory_space<vmem>>) offsets(%dma_start3A_46 : memref<64xi32, #tpu.memory_space<vmem>>) semaphore(%arg14 : memref<!tpu.dma_semaphore, #tpu.memory_space<semaphore_mem>>)
      %dma_start3A_50 = arith.constant 2 : i32
      %dma_start3A_51 = arith.constant 0 : i32
      %dma_start3A_52 = tpu.memref_slice %arg6[%dma_start3A_50, %dma_start3A_51] : memref<64x64xi32, #tpu.memory_space<vmem>> -> memref<1x64xi32, #tpu.memory_space<vmem>>
      %dma_start3A_53 = tpu.memref_squeeze %dma_start3A_52 : memref<1x64xi32, #tpu.memory_space<vmem>> -> memref<64xi32, #tpu.memory_space<vmem>>
      %dma_start3A_54 = arith.constant 0 : i32
      %dma_start3A_55 = arith.constant 0 : i32
      %dma_start3A_56 = tpu.memref_slice %arg2[%dma_start3A_54, %dma_start3A_55] : memref<10000x128xf32, #tpu.memory_space<hbm>> -> memref<10000x128xf32, #tpu.memory_space<hbm>>
      tpu.enqueue_indirect_dma source(%dma_start3A_56 : memref<10000x128xf32, #tpu.memory_space<hbm>>) target(%arg10 : memref<64x128xf32, #tpu.memory_space<vmem>>) offsets(%dma_start3A_53 : memref<64xi32, #tpu.memory_space<vmem>>) semaphore(%arg15 : memref<!tpu.dma_semaphore, #tpu.memory_space<semaphore_mem>>)
      %dma_start3A_57 = arith.constant 3 : i32
      %dma_start3A_58 = arith.constant 0 : i32
      %dma_start3A_59 = tpu.memref_slice %arg6[%dma_start3A_57, %dma_start3A_58] : memref<64x64xi32, #tpu.memory_space<vmem>> -> memref<1x64xi32, #tpu.memory_space<vmem>>
      %dma_start3A_60 = tpu.memref_squeeze %dma_start3A_59 : memref<1x64xi32, #tpu.memory_space<vmem>> -> memref<64xi32, #tpu.memory_space<vmem>>
      %dma_start3A_61 = arith.constant 0 : i32
      %dma_start3A_62 = arith.constant 0 : i32
      %dma_start3A_63 = tpu.memref_slice %arg2[%dma_start3A_61, %dma_start3A_62] : memref<10000x128xf32, #tpu.memory_space<hbm>> -> memref<10000x128xf32, #tpu.memory_space<hbm>>
      tpu.enqueue_indirect_dma source(%dma_start3A_63 : memref<10000x128xf32, #tpu.memory_space<hbm>>) target(%arg11 : memref<64x128xf32, #tpu.memory_space<vmem>>) offsets(%dma_start3A_60 : memref<64xi32, #tpu.memory_space<vmem>>) semaphore(%arg16 : memref<!tpu.dma_semaphore, #tpu.memory_space<semaphore_mem>>)
      %scan3A_64 = arith.constant 0 : i32
      %scan3A_65 = arith.constant 0 : i32
      %scan3A_66 = arith.constant 16 : i32
      %scan3A_67 = arith.addi %scan3A_65, %scan3A_66 : i32
      %scan3A_68 = arith.constant 1 : i32
      %scan3A_69 = scf.for %scan3A_72 = %scan3A_65 to %scan3A_67 step %scan3A_68 iter_args(%scan3A_73 = %scan3A_64) -> (i32)  : i32 {
        %mul3A_74 = arith.constant 4 : i32
        %mul3A_75 = arith.muli %scan3A_72, %mul3A_74 : i32
        %add3A_76 = arith.constant 0 : i32
        %add3A_77 = arith.addi %mul3A_75, %add3A_76 : i32
        %dma_wait3A = arith.constant 0 : i32
        %dma_wait3A_78 = tpu.memref_slice %arg6[%add3A_77, %dma_wait3A] : memref<64x64xi32, #tpu.memory_space<vmem>> -> memref<1x64xi32, #tpu.memory_space<vmem>>
        %dma_wait3A_79 = tpu.memref_squeeze %dma_wait3A_78 : memref<1x64xi32, #tpu.memory_space<vmem>> -> memref<64xi32, #tpu.memory_space<vmem>>
        %dma_wait3A_80 = arith.constant 0 : i32
        %dma_wait3A_81 = arith.constant 0 : i32
        %dma_wait3A_82 = tpu.memref_slice %arg2[%dma_wait3A_80, %dma_wait3A_81] : memref<10000x128xf32, #tpu.memory_space<hbm>> -> memref<10000x128xf32, #tpu.memory_space<hbm>>
        tpu.wait_indirect_dma semaphore(%arg13 : memref<!tpu.dma_semaphore, #tpu.memory_space<semaphore_mem>>) src(%dma_wait3A_82 : memref<10000x128xf32, #tpu.memory_space<hbm>>) dst(%arg8 : memref<64x128xf32, #tpu.memory_space<vmem>>)
        "tpu.region"() ({
          %run_scoped3A = tpu.sem_alloc : memref<!tpu.dma_semaphore, #tpu.memory_space<semaphore_mem>>
          %dma_start3A_139 = arith.constant 0 : i32
          %dma_start3A_140 = tpu.memref_slice %arg7[%add3A_77, %dma_start3A_139] : memref<64x64xi32, #tpu.memory_space<vmem>> -> memref<1x64xi32, #tpu.memory_space<vmem>>
          %dma_start3A_141 = tpu.memref_squeeze %dma_start3A_140 : memref<1x64xi32, #tpu.memory_space<vmem>> -> memref<64xi32, #tpu.memory_space<vmem>>
          %dma_start3A_142 = arith.constant 0 : i32
          %dma_start3A_143 = arith.constant 0 : i32
          %dma_start3A_144 = tpu.memref_slice %arg12[%dma_start3A_142, %dma_start3A_143] : memref<10240x128xf32, #tpu.memory_space<vmem_shared>> -> memref<10240x128xf32, #tpu.memory_space<vmem_shared>>
          tpu.enqueue_indirect_dma source(%arg8 : memref<64x128xf32, #tpu.memory_space<vmem>>) target(%dma_start3A_144 : memref<10240x128xf32, #tpu.memory_space<vmem_shared>>) offsets(%dma_start3A_141 : memref<64xi32, #tpu.memory_space<vmem>>) semaphore(%run_scoped3A : memref<!tpu.dma_semaphore, #tpu.memory_space<semaphore_mem>>) {add = true}
          %dma_wait3A_145 = arith.constant 0 : i32
          %dma_wait3A_146 = tpu.memref_slice %arg7[%add3A_77, %dma_wait3A_145] : memref<64x64xi32, #tpu.memory_space<vmem>> -> memref<1x64xi32, #tpu.memory_space<vmem>>
          %dma_wait3A_147 = tpu.memref_squeeze %dma_wait3A_146 : memref<1x64xi32, #tpu.memory_space<vmem>> -> memref<64xi32, #tpu.memory_space<vmem>>
          %dma_wait3A_148 = arith.constant 0 : i32
          %dma_wait3A_149 = arith.constant 0 : i32
          %dma_wait3A_150 = tpu.memref_slice %arg12[%dma_wait3A_148, %dma_wait3A_149] : memref<10240x128xf32, #tpu.memory_space<vmem_shared>> -> memref<10240x128xf32, #tpu.memory_space<vmem_shared>>
          tpu.wait_indirect_dma semaphore(%run_scoped3A : memref<!tpu.dma_semaphore, #tpu.memory_space<semaphore_mem>>) src(%arg8 : memref<64x128xf32, #tpu.memory_space<vmem>>) dst(%dma_wait3A_150 : memref<10240x128xf32, #tpu.memory_space<vmem_shared>>)
          tpu.yield
        }) : () -> ()
        %add3A_83 = arith.constant 4 : i32
        %add3A_84 = arith.addi %add3A_77, %add3A_83 : i32
        %lt3A = arith.constant 64 : i32
        %lt3A_85 = arith.cmpi slt, %add3A_84, %lt3A : i32
        %convert_element_type3A = arith.extui %lt3A_85 : i1 to i32
        %cond3A = arith.constant 0 : i32
        %cond3A_86 = arith.cmpi ne, %convert_element_type3A, %cond3A : i32
        scf.if %cond3A_86 {
          %add3A_139 = arith.constant 4 : i32
          %add3A_140 = arith.addi %add3A_77, %add3A_139 : i32
          %dma_start3A_141 = arith.constant 0 : i32
          %dma_start3A_142 = tpu.memref_slice %arg6[%add3A_140, %dma_start3A_141] : memref<64x64xi32, #tpu.memory_space<vmem>> -> memref<1x64xi32, #tpu.memory_space<vmem>>
          %dma_start3A_143 = tpu.memref_squeeze %dma_start3A_142 : memref<1x64xi32, #tpu.memory_space<vmem>> -> memref<64xi32, #tpu.memory_space<vmem>>
          %dma_start3A_144 = arith.constant 0 : i32
          %dma_start3A_145 = arith.constant 0 : i32
          %dma_start3A_146 = tpu.memref_slice %arg2[%dma_start3A_144, %dma_start3A_145] : memref<10000x128xf32, #tpu.memory_space<hbm>> -> memref<10000x128xf32, #tpu.memory_space<hbm>>
          tpu.enqueue_indirect_dma source(%dma_start3A_146 : memref<10000x128xf32, #tpu.memory_space<hbm>>) target(%arg8 : memref<64x128xf32, #tpu.memory_space<vmem>>) offsets(%dma_start3A_143 : memref<64xi32, #tpu.memory_space<vmem>>) semaphore(%arg13 : memref<!tpu.dma_semaphore, #tpu.memory_space<semaphore_mem>>)
        } else {
        }
        %mul3A_87 = arith.constant 4 : i32
        %mul3A_88 = arith.muli %scan3A_72, %mul3A_87 : i32
        %add3A_89 = arith.constant 1 : i32
        %add3A_90 = arith.addi %mul3A_88, %add3A_89 : i32
        %dma_wait3A_91 = arith.constant 0 : i32
        %dma_wait3A_92 = tpu.memref_slice %arg6[%add3A_90, %dma_wait3A_91] : memref<64x64xi32, #tpu.memory_space<vmem>> -> memref<1x64xi32, #tpu.memory_space<vmem>>
        %dma_wait3A_93 = tpu.memref_squeeze %dma_wait3A_92 : memref<1x64xi32, #tpu.memory_space<vmem>> -> memref<64xi32, #tpu.memory_space<vmem>>
        %dma_wait3A_94 = arith.constant 0 : i32
        %dma_wait3A_95 = arith.constant 0 : i32
        %dma_wait3A_96 = tpu.memref_slice %arg2[%dma_wait3A_94, %dma_wait3A_95] : memref<10000x128xf32, #tpu.memory_space<hbm>> -> memref<10000x128xf32, #tpu.memory_space<hbm>>
        tpu.wait_indirect_dma semaphore(%arg14 : memref<!tpu.dma_semaphore, #tpu.memory_space<semaphore_mem>>) src(%dma_wait3A_96 : memref<10000x128xf32, #tpu.memory_space<hbm>>) dst(%arg9 : memref<64x128xf32, #tpu.memory_space<vmem>>)
        "tpu.region"() ({
          %run_scoped3A = tpu.sem_alloc : memref<!tpu.dma_semaphore, #tpu.memory_space<semaphore_mem>>
          %dma_start3A_139 = arith.constant 0 : i32
          %dma_start3A_140 = tpu.memref_slice %arg7[%add3A_90, %dma_start3A_139] : memref<64x64xi32, #tpu.memory_space<vmem>> -> memref<1x64xi32, #tpu.memory_space<vmem>>
          %dma_start3A_141 = tpu.memref_squeeze %dma_start3A_140 : memref<1x64xi32, #tpu.memory_space<vmem>> -> memref<64xi32, #tpu.memory_space<vmem>>
          %dma_start3A_142 = arith.constant 0 : i32
          %dma_start3A_143 = arith.constant 0 : i32
          %dma_start3A_144 = tpu.memref_slice %arg12[%dma_start3A_142, %dma_start3A_143] : memref<10240x128xf32, #tpu.memory_space<vmem_shared>> -> memref<10240x128xf32, #tpu.memory_space<vmem_shared>>
          tpu.enqueue_indirect_dma source(%arg9 : memref<64x128xf32, #tpu.memory_space<vmem>>) target(%dma_start3A_144 : memref<10240x128xf32, #tpu.memory_space<vmem_shared>>) offsets(%dma_start3A_141 : memref<64xi32, #tpu.memory_space<vmem>>) semaphore(%run_scoped3A : memref<!tpu.dma_semaphore, #tpu.memory_space<semaphore_mem>>) {add = true}
          %dma_wait3A_145 = arith.constant 0 : i32
          %dma_wait3A_146 = tpu.memref_slice %arg7[%add3A_90, %dma_wait3A_145] : memref<64x64xi32, #tpu.memory_space<vmem>> -> memref<1x64xi32, #tpu.memory_space<vmem>>
          %dma_wait3A_147 = tpu.memref_squeeze %dma_wait3A_146 : memref<1x64xi32, #tpu.memory_space<vmem>> -> memref<64xi32, #tpu.memory_space<vmem>>
          %dma_wait3A_148 = arith.constant 0 : i32
          %dma_wait3A_149 = arith.constant 0 : i32
          %dma_wait3A_150 = tpu.memref_slice %arg12[%dma_wait3A_148, %dma_wait3A_149] : memref<10240x128xf32, #tpu.memory_space<vmem_shared>> -> memref<10240x128xf32, #tpu.memory_space<vmem_shared>>
          tpu.wait_indirect_dma semaphore(%run_scoped3A : memref<!tpu.dma_semaphore, #tpu.memory_space<semaphore_mem>>) src(%arg9 : memref<64x128xf32, #tpu.memory_space<vmem>>) dst(%dma_wait3A_150 : memref<10240x128xf32, #tpu.memory_space<vmem_shared>>)
          tpu.yield
        }) : () -> ()
        %add3A_97 = arith.constant 4 : i32
        %add3A_98 = arith.addi %add3A_90, %add3A_97 : i32
        %lt3A_99 = arith.constant 64 : i32
        %lt3A_100 = arith.cmpi slt, %add3A_98, %lt3A_99 : i32
        %convert_element_type3A_101 = arith.extui %lt3A_100 : i1 to i32
        %cond3A_102 = arith.constant 0 : i32
        %cond3A_103 = arith.cmpi ne, %convert_element_type3A_101, %cond3A_102 : i32
        scf.if %cond3A_103 {
          %add3A_139 = arith.constant 4 : i32
          %add3A_140 = arith.addi %add3A_90, %add3A_139 : i32
          %dma_start3A_141 = arith.constant 0 : i32
          %dma_start3A_142 = tpu.memref_slice %arg6[%add3A_140, %dma_start3A_141] : memref<64x64xi32, #tpu.memory_space<vmem>> -> memref<1x64xi32, #tpu.memory_space<vmem>>
          %dma_start3A_143 = tpu.memref_squeeze %dma_start3A_142 : memref<1x64xi32, #tpu.memory_space<vmem>> -> memref<64xi32, #tpu.memory_space<vmem>>
          %dma_start3A_144 = arith.constant 0 : i32
          %dma_start3A_145 = arith.constant 0 : i32
          %dma_start3A_146 = tpu.memref_slice %arg2[%dma_start3A_144, %dma_start3A_145] : memref<10000x128xf32, #tpu.memory_space<hbm>> -> memref<10000x128xf32, #tpu.memory_space<hbm>>
          tpu.enqueue_indirect_dma source(%dma_start3A_146 : memref<10000x128xf32, #tpu.memory_space<hbm>>) target(%arg9 : memref<64x128xf32, #tpu.memory_space<vmem>>) offsets(%dma_start3A_143 : memref<64xi32, #tpu.memory_space<vmem>>) semaphore(%arg14 : memref<!tpu.dma_semaphore, #tpu.memory_space<semaphore_mem>>)
        } else {
        }
        %mul3A_104 = arith.constant 4 : i32
        %mul3A_105 = arith.muli %scan3A_72, %mul3A_104 : i32
        %add3A_106 = arith.constant 2 : i32
        %add3A_107 = arith.addi %mul3A_105, %add3A_106 : i32
        %dma_wait3A_108 = arith.constant 0 : i32
        %dma_wait3A_109 = tpu.memref_slice %arg6[%add3A_107, %dma_wait3A_108] : memref<64x64xi32, #tpu.memory_space<vmem>> -> memref<1x64xi32, #tpu.memory_space<vmem>>
        %dma_wait3A_110 = tpu.memref_squeeze %dma_wait3A_109 : memref<1x64xi32, #tpu.memory_space<vmem>> -> memref<64xi32, #tpu.memory_space<vmem>>
        %dma_wait3A_111 = arith.constant 0 : i32
        %dma_wait3A_112 = arith.constant 0 : i32
        %dma_wait3A_113 = tpu.memref_slice %arg2[%dma_wait3A_111, %dma_wait3A_112] : memref<10000x128xf32, #tpu.memory_space<hbm>> -> memref<10000x128xf32, #tpu.memory_space<hbm>>
        tpu.wait_indirect_dma semaphore(%arg15 : memref<!tpu.dma_semaphore, #tpu.memory_space<semaphore_mem>>) src(%dma_wait3A_113 : memref<10000x128xf32, #tpu.memory_space<hbm>>) dst(%arg10 : memref<64x128xf32, #tpu.memory_space<vmem>>)
        "tpu.region"() ({
          %run_scoped3A = tpu.sem_alloc : memref<!tpu.dma_semaphore, #tpu.memory_space<semaphore_mem>>
          %dma_start3A_139 = arith.constant 0 : i32
          %dma_start3A_140 = tpu.memref_slice %arg7[%add3A_107, %dma_start3A_139] : memref<64x64xi32, #tpu.memory_space<vmem>> -> memref<1x64xi32, #tpu.memory_space<vmem>>
          %dma_start3A_141 = tpu.memref_squeeze %dma_start3A_140 : memref<1x64xi32, #tpu.memory_space<vmem>> -> memref<64xi32, #tpu.memory_space<vmem>>
          %dma_start3A_142 = arith.constant 0 : i32
          %dma_start3A_143 = arith.constant 0 : i32
          %dma_start3A_144 = tpu.memref_slice %arg12[%dma_start3A_142, %dma_start3A_143] : memref<10240x128xf32, #tpu.memory_space<vmem_shared>> -> memref<10240x128xf32, #tpu.memory_space<vmem_shared>>
          tpu.enqueue_indirect_dma source(%arg10 : memref<64x128xf32, #tpu.memory_space<vmem>>) target(%dma_start3A_144 : memref<10240x128xf32, #tpu.memory_space<vmem_shared>>) offsets(%dma_start3A_141 : memref<64xi32, #tpu.memory_space<vmem>>) semaphore(%run_scoped3A : memref<!tpu.dma_semaphore, #tpu.memory_space<semaphore_mem>>) {add = true}
          %dma_wait3A_145 = arith.constant 0 : i32
          %dma_wait3A_146 = tpu.memref_slice %arg7[%add3A_107, %dma_wait3A_145] : memref<64x64xi32, #tpu.memory_space<vmem>> -> memref<1x64xi32, #tpu.memory_space<vmem>>
          %dma_wait3A_147 = tpu.memref_squeeze %dma_wait3A_146 : memref<1x64xi32, #tpu.memory_space<vmem>> -> memref<64xi32, #tpu.memory_space<vmem>>
          %dma_wait3A_148 = arith.constant 0 : i32
          %dma_wait3A_149 = arith.constant 0 : i32
          %dma_wait3A_150 = tpu.memref_slice %arg12[%dma_wait3A_148, %dma_wait3A_149] : memref<10240x128xf32, #tpu.memory_space<vmem_shared>> -> memref<10240x128xf32, #tpu.memory_space<vmem_shared>>
          tpu.wait_indirect_dma semaphore(%run_scoped3A : memref<!tpu.dma_semaphore, #tpu.memory_space<semaphore_mem>>) src(%arg10 : memref<64x128xf32, #tpu.memory_space<vmem>>) dst(%dma_wait3A_150 : memref<10240x128xf32, #tpu.memory_space<vmem_shared>>)
          tpu.yield
        }) : () -> ()
        %add3A_114 = arith.constant 4 : i32
        %add3A_115 = arith.addi %add3A_107, %add3A_114 : i32
        %lt3A_116 = arith.constant 64 : i32
        %lt3A_117 = arith.cmpi slt, %add3A_115, %lt3A_116 : i32
        %convert_element_type3A_118 = arith.extui %lt3A_117 : i1 to i32
        %cond3A_119 = arith.constant 0 : i32
        %cond3A_120 = arith.cmpi ne, %convert_element_type3A_118, %cond3A_119 : i32
        scf.if %cond3A_120 {
          %add3A_139 = arith.constant 4 : i32
          %add3A_140 = arith.addi %add3A_107, %add3A_139 : i32
          %dma_start3A_141 = arith.constant 0 : i32
          %dma_start3A_142 = tpu.memref_slice %arg6[%add3A_140, %dma_start3A_141] : memref<64x64xi32, #tpu.memory_space<vmem>> -> memref<1x64xi32, #tpu.memory_space<vmem>>
          %dma_start3A_143 = tpu.memref_squeeze %dma_start3A_142 : memref<1x64xi32, #tpu.memory_space<vmem>> -> memref<64xi32, #tpu.memory_space<vmem>>
          %dma_start3A_144 = arith.constant 0 : i32
          %dma_start3A_145 = arith.constant 0 : i32
          %dma_start3A_146 = tpu.memref_slice %arg2[%dma_start3A_144, %dma_start3A_145] : memref<10000x128xf32, #tpu.memory_space<hbm>> -> memref<10000x128xf32, #tpu.memory_space<hbm>>
          tpu.enqueue_indirect_dma source(%dma_start3A_146 : memref<10000x128xf32, #tpu.memory_space<hbm>>) target(%arg10 : memref<64x128xf32, #tpu.memory_space<vmem>>) offsets(%dma_start3A_143 : memref<64xi32, #tpu.memory_space<vmem>>) semaphore(%arg15 : memref<!tpu.dma_semaphore, #tpu.memory_space<semaphore_mem>>)
        } else {
        }
        %mul3A_121 = arith.constant 4 : i32
        %mul3A_122 = arith.muli %scan3A_72, %mul3A_121 : i32
        %add3A_123 = arith.constant 3 : i32
        %add3A_124 = arith.addi %mul3A_122, %add3A_123 : i32
        %dma_wait3A_125 = arith.constant 0 : i32
        %dma_wait3A_126 = tpu.memref_slice %arg6[%add3A_124, %dma_wait3A_125] : memref<64x64xi32, #tpu.memory_space<vmem>> -> memref<1x64xi32, #tpu.memory_space<vmem>>
        %dma_wait3A_127 = tpu.memref_squeeze %dma_wait3A_126 : memref<1x64xi32, #tpu.memory_space<vmem>> -> memref<64xi32, #tpu.memory_space<vmem>>
        %dma_wait3A_128 = arith.constant 0 : i32
        %dma_wait3A_129 = arith.constant 0 : i32
        %dma_wait3A_130 = tpu.memref_slice %arg2[%dma_wait3A_128, %dma_wait3A_129] : memref<10000x128xf32, #tpu.memory_space<hbm>> -> memref<10000x128xf32, #tpu.memory_space<hbm>>
        tpu.wait_indirect_dma semaphore(%arg16 : memref<!tpu.dma_semaphore, #tpu.memory_space<semaphore_mem>>) src(%dma_wait3A_130 : memref<10000x128xf32, #tpu.memory_space<hbm>>) dst(%arg11 : memref<64x128xf32, #tpu.memory_space<vmem>>)
        "tpu.region"() ({
          %run_scoped3A = tpu.sem_alloc : memref<!tpu.dma_semaphore, #tpu.memory_space<semaphore_mem>>
          %dma_start3A_139 = arith.constant 0 : i32
          %dma_start3A_140 = tpu.memref_slice %arg7[%add3A_124, %dma_start3A_139] : memref<64x64xi32, #tpu.memory_space<vmem>> -> memref<1x64xi32, #tpu.memory_space<vmem>>
          %dma_start3A_141 = tpu.memref_squeeze %dma_start3A_140 : memref<1x64xi32, #tpu.memory_space<vmem>> -> memref<64xi32, #tpu.memory_space<vmem>>
          %dma_start3A_142 = arith.constant 0 : i32
          %dma_start3A_143 = arith.constant 0 : i32
          %dma_start3A_144 = tpu.memref_slice %arg12[%dma_start3A_142, %dma_start3A_143] : memref<10240x128xf32, #tpu.memory_space<vmem_shared>> -> memref<10240x128xf32, #tpu.memory_space<vmem_shared>>
          tpu.enqueue_indirect_dma source(%arg11 : memref<64x128xf32, #tpu.memory_space<vmem>>) target(%dma_start3A_144 : memref<10240x128xf32, #tpu.memory_space<vmem_shared>>) offsets(%dma_start3A_141 : memref<64xi32, #tpu.memory_space<vmem>>) semaphore(%run_scoped3A : memref<!tpu.dma_semaphore, #tpu.memory_space<semaphore_mem>>) {add = true}
          %dma_wait3A_145 = arith.constant 0 : i32
          %dma_wait3A_146 = tpu.memref_slice %arg7[%add3A_124, %dma_wait3A_145] : memref<64x64xi32, #tpu.memory_space<vmem>> -> memref<1x64xi32, #tpu.memory_space<vmem>>
          %dma_wait3A_147 = tpu.memref_squeeze %dma_wait3A_146 : memref<1x64xi32, #tpu.memory_space<vmem>> -> memref<64xi32, #tpu.memory_space<vmem>>
          %dma_wait3A_148 = arith.constant 0 : i32
          %dma_wait3A_149 = arith.constant 0 : i32
          %dma_wait3A_150 = tpu.memref_slice %arg12[%dma_wait3A_148, %dma_wait3A_149] : memref<10240x128xf32, #tpu.memory_space<vmem_shared>> -> memref<10240x128xf32, #tpu.memory_space<vmem_shared>>
          tpu.wait_indirect_dma semaphore(%run_scoped3A : memref<!tpu.dma_semaphore, #tpu.memory_space<semaphore_mem>>) src(%arg11 : memref<64x128xf32, #tpu.memory_space<vmem>>) dst(%dma_wait3A_150 : memref<10240x128xf32, #tpu.memory_space<vmem_shared>>)
          tpu.yield
        }) : () -> ()
        %add3A_131 = arith.constant 4 : i32
        %add3A_132 = arith.addi %add3A_124, %add3A_131 : i32
        %lt3A_133 = arith.constant 64 : i32
        %lt3A_134 = arith.cmpi slt, %add3A_132, %lt3A_133 : i32
        %convert_element_type3A_135 = arith.extui %lt3A_134 : i1 to i32
        %cond3A_136 = arith.constant 0 : i32
        %cond3A_137 = arith.cmpi ne, %convert_element_type3A_135, %cond3A_136 : i32
        scf.if %cond3A_137 {
          %add3A_139 = arith.constant 4 : i32
          %add3A_140 = arith.addi %add3A_124, %add3A_139 : i32
          %dma_start3A_141 = arith.constant 0 : i32
          %dma_start3A_142 = tpu.memref_slice %arg6[%add3A_140, %dma_start3A_141] : memref<64x64xi32, #tpu.memory_space<vmem>> -> memref<1x64xi32, #tpu.memory_space<vmem>>
          %dma_start3A_143 = tpu.memref_squeeze %dma_start3A_142 : memref<1x64xi32, #tpu.memory_space<vmem>> -> memref<64xi32, #tpu.memory_space<vmem>>
          %dma_start3A_144 = arith.constant 0 : i32
          %dma_start3A_145 = arith.constant 0 : i32
          %dma_start3A_146 = tpu.memref_slice %arg2[%dma_start3A_144, %dma_start3A_145] : memref<10000x128xf32, #tpu.memory_space<hbm>> -> memref<10000x128xf32, #tpu.memory_space<hbm>>
          tpu.enqueue_indirect_dma source(%dma_start3A_146 : memref<10000x128xf32, #tpu.memory_space<hbm>>) target(%arg11 : memref<64x128xf32, #tpu.memory_space<vmem>>) offsets(%dma_start3A_143 : memref<64xi32, #tpu.memory_space<vmem>>) semaphore(%arg16 : memref<!tpu.dma_semaphore, #tpu.memory_space<semaphore_mem>>)
        } else {
        }
        %scan3A_138 = arith.constant 0 : i32
        scf.yield %scan3A_138 : i32
      }
      %scan3A_70 = arith.constant 16 : i32
      %scan3A_71 = arith.constant 0 : i32
      scf.yield %scan3A_71 : i32
    }
    %scan3A_21 = arith.constant 5 : i32
    %barrier3A_22 = arith.constant 0 : index
    tpu.barrier barrier_id(%barrier3A_22)
    %scan3A_23 = arith.constant 0 : i32
    %scan3A_24 = arith.constant 0 : i32
    %scan3A_25 = arith.constant 10 : i32
    %scan3A_26 = arith.addi %scan3A_24, %scan3A_25 : i32
    %scan3A_27 = arith.constant 1 : i32
    %scan3A_28 = scf.for %scan3A_30 = %scan3A_24 to %scan3A_26 step %scan3A_27 iter_args(%scan3A_31 = %scan3A_23) -> (i32)  : i32 {
      %mul3A_32 = arith.constant 640 : i32
      %mul3A_33 = arith.muli %arg1, %mul3A_32 : i32
      %mul3A_34 = arith.constant 64 : i32
      %mul3A_35 = arith.muli %scan3A_30, %mul3A_34 : i32
      %add3A_36 = arith.addi %mul3A_33, %mul3A_35 : i32
      "tpu.region"() ({
        %run_scoped3A = tpu.sem_alloc : memref<!tpu.dma_semaphore, #tpu.memory_space<semaphore_mem>>
        %dma_start3A = arith.constant 0 : i32
        %dma_start3A_38 = tpu.memref_slice %arg12[%add3A_36, %dma_start3A] : memref<10240x128xf32, #tpu.memory_space<vmem_shared>> -> memref<64x128xf32, #tpu.memory_space<vmem_shared>>
        %dma_start3A_39 = arith.constant 0 : i32
        %dma_start3A_40 = tpu.memref_slice %arg12[%add3A_36, %dma_start3A_39] : memref<10240x128xf32, #tpu.memory_space<vmem_shared>> -> memref<64x128xf32, #tpu.memory_space<vmem_shared>>
        tpu.enqueue_dma source(%dma_start3A_40 : memref<64x128xf32, #tpu.memory_space<vmem_shared>>) target(%arg8 : memref<64x128xf32, #tpu.memory_space<vmem>>) target_semaphore(%run_scoped3A : memref<!tpu.dma_semaphore, #tpu.memory_space<semaphore_mem>>)
        %dma_wait3A = arith.constant 0 : i32
        %dma_wait3A_41 = tpu.memref_slice %arg12[%add3A_36, %dma_wait3A] : memref<10240x128xf32, #tpu.memory_space<vmem_shared>> -> memref<64x128xf32, #tpu.memory_space<vmem_shared>>
        %dma_wait3A_42 = arith.constant 0 : i32
        %dma_wait3A_43 = tpu.memref_slice %arg12[%add3A_36, %dma_wait3A_42] : memref<10240x128xf32, #tpu.memory_space<vmem_shared>> -> memref<64x128xf32, #tpu.memory_space<vmem_shared>>
        tpu.wait_dma2 semaphore(%run_scoped3A : memref<!tpu.dma_semaphore, #tpu.memory_space<semaphore_mem>>) src(%dma_wait3A_43 : memref<64x128xf32, #tpu.memory_space<vmem_shared>>) dst(%arg8 : memref<64x128xf32, #tpu.memory_space<vmem>>)
        tpu.yield
      }) : () -> ()
      "tpu.region"() ({
        %run_scoped3A = tpu.sem_alloc : memref<!tpu.dma_semaphore, #tpu.memory_space<semaphore_mem>>
        %dma_start3A = arith.constant 0 : i32
        %dma_start3A_38 = tpu.memref_slice %arg5[%arg0, %add3A_36, %dma_start3A] : memref<2x10240x128xf32, #tpu.memory_space<hbm>> -> memref<1x64x128xf32, #tpu.memory_space<hbm>>
        %dma_start3A_39 = tpu.memref_squeeze %dma_start3A_38 : memref<1x64x128xf32, #tpu.memory_space<hbm>> -> memref<64x128xf32, #tpu.memory_space<hbm>>
        %dma_start3A_40 = arith.constant 0 : i32
        %dma_start3A_41 = tpu.memref_slice %arg5[%arg0, %add3A_36, %dma_start3A_40] : memref<2x10240x128xf32, #tpu.memory_space<hbm>> -> memref<1x64x128xf32, #tpu.memory_space<hbm>>
        %dma_start3A_42 = tpu.memref_squeeze %dma_start3A_41 : memref<1x64x128xf32, #tpu.memory_space<hbm>> -> memref<64x128xf32, #tpu.memory_space<hbm>>
        tpu.enqueue_dma source(%arg8 : memref<64x128xf32, #tpu.memory_space<vmem>>) target(%dma_start3A_42 : memref<64x128xf32, #tpu.memory_space<hbm>>) target_semaphore(%run_scoped3A : memref<!tpu.dma_semaphore, #tpu.memory_space<semaphore_mem>>)
        %dma_wait3A = arith.constant 0 : i32
        %dma_wait3A_43 = tpu.memref_slice %arg5[%arg0, %add3A_36, %dma_wait3A] : memref<2x10240x128xf32, #tpu.memory_space<hbm>> -> memref<1x64x128xf32, #tpu.memory_space<hbm>>
        %dma_wait3A_44 = tpu.memref_squeeze %dma_wait3A_43 : memref<1x64x128xf32, #tpu.memory_space<hbm>> -> memref<64x128xf32, #tpu.memory_space<hbm>>
        %dma_wait3A_45 = arith.constant 0 : i32
        %dma_wait3A_46 = tpu.memref_slice %arg5[%arg0, %add3A_36, %dma_wait3A_45] : memref<2x10240x128xf32, #tpu.memory_space<hbm>> -> memref<1x64x128xf32, #tpu.memory_space<hbm>>
        %dma_wait3A_47 = tpu.memref_squeeze %dma_wait3A_46 : memref<1x64x128xf32, #tpu.memory_space<hbm>> -> memref<64x128xf32, #tpu.memory_space<hbm>>
        tpu.wait_dma2 semaphore(%run_scoped3A : memref<!tpu.dma_semaphore, #tpu.memory_space<semaphore_mem>>) src(%arg8 : memref<64x128xf32, #tpu.memory_space<vmem>>) dst(%dma_wait3A_47 : memref<64x128xf32, #tpu.memory_space<hbm>>)
        tpu.yield
      }) : () -> ()
      %scan3A_37 = arith.constant 0 : i32
      scf.yield %scan3A_37 : i32
    }
    %scan3A_29 = arith.constant 10 : i32
    return
  }
}

module attributes {stable_mosaic.version = 14 : i64} {
  func.func @_tc1_body(%arg0: i32, %arg1: memref<1000x128xf32, #tpu.memory_space<vmem>>, %arg2: memref<128x128xf32, #tpu.memory_space<vmem>>, %arg3: memref<1x128xf32, #tpu.memory_space<vmem>>, %arg4: memref<128x128xf32, #tpu.memory_space<vmem>>, %arg5: memref<1000x32xf32, #tpu.memory_space<vmem>>, %arg6: memref<1000x128xf32, #tpu.memory_space<vmem>>) attributes {dimension_semantics = [#tpu.dimension_semantics<arbitrary>], iteration_bounds = array<i64: 10>, scalar_prefetch = 0 : i64, scratch_operands = 0 : i64, tpu.core_type = #tpu.core_type<tc>, window_params = [{transform_indices = @transform_0, window_bounds = array<i64: 1000, 128>}, {pipeline_mode = #tpu.pipeline_mode<synchronous>, transform_indices = @transform_1, window_bounds = array<i64: 128, 128>}, {pipeline_mode = #tpu.pipeline_mode<synchronous>, transform_indices = @transform_2, window_bounds = array<i64: 1, 128>}, {pipeline_mode = #tpu.pipeline_mode<synchronous>, transform_indices = @transform_3, window_bounds = array<i64: 128, 128>}, {transform_indices = @transform_4, window_bounds = array<i64: 1000, 32>}, {transform_indices = @transform_5, window_bounds = array<i64: 1000, 128>}]} {
    %get3A = arith.constant 0 : index
    %get3A_0 = arith.constant 0 : index
    %get3A_1 = vector.load %arg1[%get3A, %get3A_0] : memref<1000x128xf32, #tpu.memory_space<vmem>>, vector<1000x128xf32>
    %get3A_2 = arith.constant 0 : index
    %get3A_3 = arith.constant 0 : index
    %get3A_4 = vector.load %arg2[%get3A_2, %get3A_3] : memref<128x128xf32, #tpu.memory_space<vmem>>, vector<128x128xf32>
    %dot_general3A = arith.constant dense<0.000000e+00> : vector<1000x128xf32>
    %dot_general3A_5 = tpu.matmul %get3A_1, %get3A_4, %dot_general3A {dimension_numbers = #tpu.dot_dimension_numbers<[1], [0], [0], [1], [0, 0, 1, 1], [], []>, transpose_lhs_hint = false} : vector<1000x128xf32>, vector<128x128xf32>, vector<1000x128xf32> -> vector<1000x128xf32>
    %get3A_6 = arith.constant 0 : index
    %get3A_7 = arith.constant 0 : index
    %get3A_8 = vector.load %arg3[%get3A_6, %get3A_7] : memref<1x128xf32, #tpu.memory_space<vmem>>, vector<1x128xf32>
    %add3A = vector.broadcast %get3A_8 : vector<1x128xf32> to vector<1000x128xf32>
    %add3A_9 = arith.addf %dot_general3A_5, %add3A : vector<1000x128xf32>
    %get3A_10 = arith.constant 0 : index
    %get3A_11 = arith.constant 0 : index
    %get3A_12 = vector.load %arg5[%get3A_10, %get3A_11] : memref<1000x32xf32, #tpu.memory_space<vmem>>, vector<1000x32xf32>
    %reduce_sum3A = arith.constant dense<0.000000e+00> : vector<1000xf32>
    %reduce_sum3A_13 = vector.multi_reduction <add>, %get3A_12, %reduce_sum3A [1] : vector<1000x32xf32> to vector<1000xf32>
    %broadcast_in_dim3A = vector.shape_cast %reduce_sum3A_13 : vector<1000xf32> to vector<1000x1xf32>
    %add3A_14 = arith.constant 1.000000e+00 : f32
    %add3A_15 = vector.broadcast %add3A_14 : f32 to vector<1000x1xf32>
    %add3A_16 = arith.addf %add3A_15, %broadcast_in_dim3A : vector<1000x1xf32>
    %rsqrt3A = math.rsqrt %add3A_16 : vector<1000x1xf32>
    %get3A_17 = arith.constant 0 : index
    %get3A_18 = arith.constant 0 : index
    %get3A_19 = vector.load %arg4[%get3A_17, %get3A_18] : memref<128x128xf32, #tpu.memory_space<vmem>>, vector<128x128xf32>
    %dot_general3A_20 = arith.constant dense<0.000000e+00> : vector<1000x128xf32>
    %dot_general3A_21 = tpu.matmul %add3A_9, %get3A_19, %dot_general3A_20 {dimension_numbers = #tpu.dot_dimension_numbers<[1], [0], [0], [1], [0, 0, 1, 1], [], []>, transpose_lhs_hint = false} : vector<1000x128xf32>, vector<128x128xf32>, vector<1000x128xf32> -> vector<1000x128xf32>
    %mul3A = vector.broadcast %rsqrt3A : vector<1000x1xf32> to vector<1000x128xf32>
    %mul3A_22 = arith.mulf %dot_general3A_21, %mul3A : vector<1000x128xf32>
    %swap3A = arith.constant 0 : index
    %swap3A_23 = arith.constant 0 : index
    %swap3A_24 = vector.load %arg6[%swap3A, %swap3A_23] : memref<1000x128xf32, #tpu.memory_space<vmem>>, vector<1000x128xf32>
    tpu.vector_store %arg6[%swap3A, %swap3A_23], %mul3A_22 {strides = array<i32>} : memref<1000x128xf32, #tpu.memory_space<vmem>>, vector<1000x128xf32>,
    return
  }
  func.func @transform_0(%arg0: i32) -> (i32, i32) {
    %c0_i32 = arith.constant 0 : i32
    %c0_i32_0 = arith.constant 0 : i32
    return %arg0, %c0_i32 : i32, i32
  }
  func.func @transform_1(%arg0: i32) -> (i32, i32) {
    %c0_i32 = arith.constant 0 : i32
    %c0_i32_0 = arith.constant 0 : i32
    %c0_i32_1 = arith.constant 0 : i32
    return %c0_i32, %c0_i32_0 : i32, i32
  }
  func.func @transform_2(%arg0: i32) -> (i32, i32) {
    %c0_i32 = arith.constant 0 : i32
    %c0_i32_0 = arith.constant 0 : i32
    %c0_i32_1 = arith.constant 0 : i32
    return %c0_i32, %c0_i32_0 : i32, i32
  }
  func.func @transform_3(%arg0: i32) -> (i32, i32) {
    %c0_i32 = arith.constant 0 : i32
    %c0_i32_0 = arith.constant 0 : i32
    %c0_i32_1 = arith.constant 0 : i32
    return %c0_i32, %c0_i32_0 : i32, i32
  }
  func.func @transform_4(%arg0: i32) -> (i32, i32) {
    %c0_i32 = arith.constant 0 : i32
    %c0_i32_0 = arith.constant 0 : i32
    return %arg0, %c0_i32 : i32, i32
  }
  func.func @transform_5(%arg0: i32) -> (i32, i32) {
    %c0_i32 = arith.constant 0 : i32
    %c0_i32_0 = arith.constant 0 : i32
    return %arg0, %c0_i32 : i32, i32
  }
}

module attributes {stable_mosaic.version = 14 : i64} {
  func.func @_tc_mid_body(%arg0: i32, %arg1: memref<1000x128xf32, #tpu.memory_space<vmem>>, %arg2: memref<2x1000x128xf32, #tpu.memory_space<vmem>>, %arg3: memref<1000x32xf32, #tpu.memory_space<vmem>>, %arg4: memref<128x128xf32, #tpu.memory_space<vmem>>, %arg5: memref<1x128xf32, #tpu.memory_space<vmem>>, %arg6: memref<1x128xf32, #tpu.memory_space<vmem>>, %arg7: memref<1x128xf32, #tpu.memory_space<vmem>>, %arg8: memref<1000x128xf32, #tpu.memory_space<vmem>>) attributes {dimension_semantics = [#tpu.dimension_semantics<arbitrary>], iteration_bounds = array<i64: 10>, scalar_prefetch = 0 : i64, scratch_operands = 0 : i64, tpu.core_type = #tpu.core_type<tc>, window_params = [{transform_indices = @transform_0, window_bounds = array<i64: 1000, 128>}, {transform_indices = @transform_1, window_bounds = array<i64: 2, 1000, 128>}, {transform_indices = @transform_2, window_bounds = array<i64: 1000, 32>}, {pipeline_mode = #tpu.pipeline_mode<synchronous>, transform_indices = @transform_3, window_bounds = array<i64: 128, 128>}, {pipeline_mode = #tpu.pipeline_mode<synchronous>, transform_indices = @transform_4, window_bounds = array<i64: 1, 128>}, {pipeline_mode = #tpu.pipeline_mode<synchronous>, transform_indices = @transform_5, window_bounds = array<i64: 1, 128>}, {pipeline_mode = #tpu.pipeline_mode<synchronous>, transform_indices = @transform_6, window_bounds = array<i64: 1, 128>}, {transform_indices = @transform_7, window_bounds = array<i64: 1000, 128>}]} {
    %get3A = arith.constant 0 : index
    %get3A_0 = arith.constant 0 : index
    %get3A_1 = vector.load %arg3[%get3A, %get3A_0] : memref<1000x32xf32, #tpu.memory_space<vmem>>, vector<1000x32xf32>
    %reduce_sum3A = arith.constant dense<0.000000e+00> : vector<1000xf32>
    %reduce_sum3A_2 = vector.multi_reduction <add>, %get3A_1, %reduce_sum3A [1] : vector<1000x32xf32> to vector<1000xf32>
    %broadcast_in_dim3A = vector.shape_cast %reduce_sum3A_2 : vector<1000xf32> to vector<1000x1xf32>
    %add3A = arith.constant 1.000000e+00 : f32
    %add3A_3 = vector.broadcast %add3A : f32 to vector<1000x1xf32>
    %add3A_4 = arith.addf %add3A_3, %broadcast_in_dim3A : vector<1000x1xf32>
    %rsqrt3A = math.rsqrt %add3A_4 : vector<1000x1xf32>
    %get3A_5 = arith.constant 0 : index
    %get3A_6 = arith.constant 0 : index
    %get3A_7 = arith.constant 0 : index
    %get3A_8 = vector.load %arg2[%get3A_5, %get3A_6, %get3A_7] : memref<2x1000x128xf32, #tpu.memory_space<vmem>>, vector<1x1000x128xf32>
    %get3A_9 = vector.shape_cast %get3A_8 : vector<1x1000x128xf32> to vector<1000x128xf32>
    %get3A_10 = arith.constant 1 : index
    %get3A_11 = arith.constant 0 : index
    %get3A_12 = arith.constant 0 : index
    %get3A_13 = vector.load %arg2[%get3A_10, %get3A_11, %get3A_12] : memref<2x1000x128xf32, #tpu.memory_space<vmem>>, vector<1x1000x128xf32>
    %get3A_14 = vector.shape_cast %get3A_13 : vector<1x1000x128xf32> to vector<1000x128xf32>
    %add3A_15 = arith.addf %get3A_9, %get3A_14 : vector<1000x128xf32>
    %get3A_16 = arith.constant 0 : index
    %get3A_17 = arith.constant 0 : index
    %get3A_18 = vector.load %arg5[%get3A_16, %get3A_17] : memref<1x128xf32, #tpu.memory_space<vmem>>, vector<1x128xf32>
    %mul3A = arith.constant 0.999994993 : f32
    %mul3A_19 = vector.broadcast %mul3A : f32 to vector<1x128xf32>
    %mul3A_20 = arith.mulf %get3A_18, %mul3A_19 : vector<1x128xf32>
    %get3A_21 = arith.constant 0 : index
    %get3A_22 = arith.constant 0 : index
    %get3A_23 = vector.load %arg7[%get3A_21, %get3A_22] : memref<1x128xf32, #tpu.memory_space<vmem>>, vector<1x128xf32>
    %mul3A_24 = arith.mulf %get3A_23, %mul3A_20 : vector<1x128xf32>
    %get3A_25 = arith.constant 0 : index
    %get3A_26 = arith.constant 0 : index
    %get3A_27 = vector.load %arg6[%get3A_25, %get3A_26] : memref<1x128xf32, #tpu.memory_space<vmem>>, vector<1x128xf32>
    %add3A_28 = arith.addf %mul3A_24, %get3A_27 : vector<1x128xf32>
    %get3A_29 = arith.constant 0 : index
    %get3A_30 = arith.constant 0 : index
    %get3A_31 = vector.load %arg1[%get3A_29, %get3A_30] : memref<1000x128xf32, #tpu.memory_space<vmem>>, vector<1000x128xf32>
    %add3A_32 = arith.addf %get3A_31, %add3A_15 : vector<1000x128xf32>
    %mul3A_33 = vector.broadcast %rsqrt3A : vector<1000x1xf32> to vector<1000x128xf32>
    %mul3A_34 = arith.mulf %mul3A_33, %add3A_32 : vector<1000x128xf32>
    %mul3A_35 = vector.broadcast %mul3A_20 : vector<1x128xf32> to vector<1000x128xf32>
    %mul3A_36 = arith.mulf %mul3A_34, %mul3A_35 : vector<1000x128xf32>
    %add3A_37 = vector.broadcast %add3A_28 : vector<1x128xf32> to vector<1000x128xf32>
    %add3A_38 = arith.addf %mul3A_36, %add3A_37 : vector<1000x128xf32>
    %max3A = arith.constant 0.000000e+00 : f32
    %max3A_39 = vector.broadcast %max3A : f32 to vector<1000x128xf32>
    %max3A_40 = arith.maximumf %add3A_38, %max3A_39 : vector<1000x128xf32>
    %get3A_41 = arith.constant 0 : index
    %get3A_42 = arith.constant 0 : index
    %get3A_43 = vector.load %arg4[%get3A_41, %get3A_42] : memref<128x128xf32, #tpu.memory_space<vmem>>, vector<128x128xf32>
    %dot_general3A = arith.constant dense<0.000000e+00> : vector<1000x128xf32>
    %dot_general3A_44 = tpu.matmul %max3A_40, %get3A_43, %dot_general3A {dimension_numbers = #tpu.dot_dimension_numbers<[1], [0], [0], [1], [0, 0, 1, 1], [], []>, transpose_lhs_hint = false} : vector<1000x128xf32>, vector<128x128xf32>, vector<1000x128xf32> -> vector<1000x128xf32>
    %mul3A_45 = vector.broadcast %rsqrt3A : vector<1000x1xf32> to vector<1000x128xf32>
    %mul3A_46 = arith.mulf %dot_general3A_44, %mul3A_45 : vector<1000x128xf32>
    %swap3A = arith.constant 0 : index
    %swap3A_47 = arith.constant 0 : index
    %swap3A_48 = vector.load %arg8[%swap3A, %swap3A_47] : memref<1000x128xf32, #tpu.memory_space<vmem>>, vector<1000x128xf32>
    tpu.vector_store %arg8[%swap3A, %swap3A_47], %mul3A_46 {strides = array<i32>} : memref<1000x128xf32, #tpu.memory_space<vmem>>, vector<1000x128xf32>,
    return
  }
  func.func @transform_0(%arg0: i32) -> (i32, i32) {
    %c0_i32 = arith.constant 0 : i32
    %c0_i32_0 = arith.constant 0 : i32
    return %arg0, %c0_i32 : i32, i32
  }
  func.func @transform_1(%arg0: i32) -> (i32, i32, i32) {
    %c0_i32 = arith.constant 0 : i32
    %c0_i32_0 = arith.constant 0 : i32
    %c0_i32_1 = arith.constant 0 : i32
    return %c0_i32, %arg0, %c0_i32_0 : i32, i32, i32
  }
  func.func @transform_2(%arg0: i32) -> (i32, i32) {
    %c0_i32 = arith.constant 0 : i32
    %c0_i32_0 = arith.constant 0 : i32
    return %arg0, %c0_i32 : i32, i32
  }
  func.func @transform_3(%arg0: i32) -> (i32, i32) {
    %c0_i32 = arith.constant 0 : i32
    %c0_i32_0 = arith.constant 0 : i32
    %c0_i32_1 = arith.constant 0 : i32
    return %c0_i32, %c0_i32_0 : i32, i32
  }
  func.func @transform_4(%arg0: i32) -> (i32, i32) {
    %c0_i32 = arith.constant 0 : i32
    %c0_i32_0 = arith.constant 0 : i32
    %c0_i32_1 = arith.constant 0 : i32
    return %c0_i32, %c0_i32_0 : i32, i32
  }
  func.func @transform_5(%arg0: i32) -> (i32, i32) {
    %c0_i32 = arith.constant 0 : i32
    %c0_i32_0 = arith.constant 0 : i32
    %c0_i32_1 = arith.constant 0 : i32
    return %c0_i32, %c0_i32_0 : i32, i32
  }
  func.func @transform_6(%arg0: i32) -> (i32, i32) {
    %c0_i32 = arith.constant 0 : i32
    %c0_i32_0 = arith.constant 0 : i32
    %c0_i32_1 = arith.constant 0 : i32
    return %c0_i32, %c0_i32_0 : i32, i32
  }
  func.func @transform_7(%arg0: i32) -> (i32, i32) {
    %c0_i32 = arith.constant 0 : i32
    %c0_i32_0 = arith.constant 0 : i32
    return %arg0, %c0_i32 : i32, i32
  }
}

module attributes {stable_mosaic.version = 14 : i64} {
  func.func @_tc3_body(%arg0: i32, %arg1: memref<1000x128xf32, #tpu.memory_space<vmem>>, %arg2: memref<2x1000x128xf32, #tpu.memory_space<vmem>>, %arg3: memref<1000x32xf32, #tpu.memory_space<vmem>>, %arg4: memref<1x128xf32, #tpu.memory_space<vmem>>, %arg5: memref<1x128xf32, #tpu.memory_space<vmem>>, %arg6: memref<1x128xf32, #tpu.memory_space<vmem>>, %arg7: memref<1x1x1000xi32, #tpu.memory_space<vmem>>, %arg8: memref<64x16xf32, #tpu.memory_space<vmem>>, %arg9: memref<128x64xf32, #tpu.memory_space<vmem>>, %arg10: memref<16x64xf32, #tpu.memory_space<vmem>>, %arg11: memref<1x64xf32, #tpu.memory_space<vmem>>, %arg12: memref<64x1xf32, #tpu.memory_space<vmem>>, %arg13: memref<1x1xf32, #tpu.memory_space<vmem>>, %arg14: memref<1x64xf32, #tpu.memory_space<vmem>>, %arg15: memref<64x128xf32, #tpu.memory_space<vmem>>, %arg16: memref<64x1xf32, #tpu.memory_space<vmem>>) attributes {dimension_semantics = [#tpu.dimension_semantics<arbitrary>], iteration_bounds = array<i64: 10>, scalar_prefetch = 0 : i64, scratch_operands = 2 : i64, tpu.core_type = #tpu.core_type<tc>, window_params = [{transform_indices = @transform_0, window_bounds = array<i64: 1000, 128>}, {transform_indices = @transform_1, window_bounds = array<i64: 2, 1000, 128>}, {transform_indices = @transform_2, window_bounds = array<i64: 1000, 32>}, {pipeline_mode = #tpu.pipeline_mode<synchronous>, transform_indices = @transform_3, window_bounds = array<i64: 1, 128>}, {pipeline_mode = #tpu.pipeline_mode<synchronous>, transform_indices = @transform_4, window_bounds = array<i64: 1, 128>}, {pipeline_mode = #tpu.pipeline_mode<synchronous>, transform_indices = @transform_5, window_bounds = array<i64: 1, 128>}, {transform_indices = @transform_6, window_bounds = array<i64: 1, 1, 1000>}, {pipeline_mode = #tpu.pipeline_mode<synchronous>, transform_indices = @transform_7, window_bounds = array<i64: 64, 16>}, {pipeline_mode = #tpu.pipeline_mode<synchronous>, transform_indices = @transform_8, window_bounds = array<i64: 128, 64>}, {pipeline_mode = #tpu.pipeline_mode<synchronous>, transform_indices = @transform_9, window_bounds = array<i64: 16, 64>}, {pipeline_mode = #tpu.pipeline_mode<synchronous>, transform_indices = @transform_10, window_bounds = array<i64: 1, 64>}, {pipeline_mode = #tpu.pipeline_mode<synchronous>, transform_indices = @transform_11, window_bounds = array<i64: 64, 1>}, {pipeline_mode = #tpu.pipeline_mode<synchronous>, transform_indices = @transform_12, window_bounds = array<i64: 1, 1>}, {pipeline_mode = #tpu.pipeline_mode<synchronous>, transform_indices = @transform_13, window_bounds = array<i64: 1, 64>}]} {
    %get3A = arith.constant 0 : index
    %get3A_0 = arith.constant 0 : index
    %get3A_1 = vector.load %arg3[%get3A, %get3A_0] : memref<1000x32xf32, #tpu.memory_space<vmem>>, vector<1000x32xf32>
    %reduce_sum3A = arith.constant dense<0.000000e+00> : vector<1000xf32>
    %reduce_sum3A_2 = vector.multi_reduction <add>, %get3A_1, %reduce_sum3A [1] : vector<1000x32xf32> to vector<1000xf32>
    %broadcast_in_dim3A = vector.shape_cast %reduce_sum3A_2 : vector<1000xf32> to vector<1000x1xf32>
    %add3A = arith.constant 1.000000e+00 : f32
    %add3A_3 = vector.broadcast %add3A : f32 to vector<1000x1xf32>
    %add3A_4 = arith.addf %add3A_3, %broadcast_in_dim3A : vector<1000x1xf32>
    %rsqrt3A = math.rsqrt %add3A_4 : vector<1000x1xf32>
    %get3A_5 = arith.constant 0 : index
    %get3A_6 = arith.constant 0 : index
    %get3A_7 = arith.constant 0 : index
    %get3A_8 = vector.load %arg2[%get3A_5, %get3A_6, %get3A_7] : memref<2x1000x128xf32, #tpu.memory_space<vmem>>, vector<1x1000x128xf32>
    %get3A_9 = vector.shape_cast %get3A_8 : vector<1x1000x128xf32> to vector<1000x128xf32>
    %get3A_10 = arith.constant 1 : index
    %get3A_11 = arith.constant 0 : index
    %get3A_12 = arith.constant 0 : index
    %get3A_13 = vector.load %arg2[%get3A_10, %get3A_11, %get3A_12] : memref<2x1000x128xf32, #tpu.memory_space<vmem>>, vector<1x1000x128xf32>
    %get3A_14 = vector.shape_cast %get3A_13 : vector<1x1000x128xf32> to vector<1000x128xf32>
    %add3A_15 = arith.addf %get3A_9, %get3A_14 : vector<1000x128xf32>
    %get3A_16 = arith.constant 0 : index
    %get3A_17 = arith.constant 0 : index
    %get3A_18 = vector.load %arg4[%get3A_16, %get3A_17] : memref<1x128xf32, #tpu.memory_space<vmem>>, vector<1x128xf32>
    %mul3A = arith.constant 0.999994993 : f32
    %mul3A_19 = vector.broadcast %mul3A : f32 to vector<1x128xf32>
    %mul3A_20 = arith.mulf %get3A_18, %mul3A_19 : vector<1x128xf32>
    %get3A_21 = arith.constant 0 : index
    %get3A_22 = arith.constant 0 : index
    %get3A_23 = vector.load %arg6[%get3A_21, %get3A_22] : memref<1x128xf32, #tpu.memory_space<vmem>>, vector<1x128xf32>
    %mul3A_24 = arith.mulf %get3A_23, %mul3A_20 : vector<1x128xf32>
    %get3A_25 = arith.constant 0 : index
    %get3A_26 = arith.constant 0 : index
    %get3A_27 = vector.load %arg5[%get3A_25, %get3A_26] : memref<1x128xf32, #tpu.memory_space<vmem>>, vector<1x128xf32>
    %add3A_28 = arith.addf %mul3A_24, %get3A_27 : vector<1x128xf32>
    %get3A_29 = arith.constant 0 : index
    %get3A_30 = arith.constant 0 : index
    %get3A_31 = vector.load %arg1[%get3A_29, %get3A_30] : memref<1000x128xf32, #tpu.memory_space<vmem>>, vector<1000x128xf32>
    %add3A_32 = arith.addf %get3A_31, %add3A_15 : vector<1000x128xf32>
    %mul3A_33 = vector.broadcast %rsqrt3A : vector<1000x1xf32> to vector<1000x128xf32>
    %mul3A_34 = arith.mulf %mul3A_33, %add3A_32 : vector<1000x128xf32>
    %mul3A_35 = vector.broadcast %mul3A_20 : vector<1x128xf32> to vector<1000x128xf32>
    %mul3A_36 = arith.mulf %mul3A_34, %mul3A_35 : vector<1000x128xf32>
    %add3A_37 = vector.broadcast %add3A_28 : vector<1x128xf32> to vector<1000x128xf32>
    %add3A_38 = arith.addf %mul3A_36, %add3A_37 : vector<1000x128xf32>
    %max3A = arith.constant 0.000000e+00 : f32
    %max3A_39 = vector.broadcast %max3A : f32 to vector<1000x128xf32>
    %max3A_40 = arith.maximumf %add3A_38, %max3A_39 : vector<1000x128xf32>
    %get3A_41 = arith.constant 0 : index
    %get3A_42 = arith.constant 0 : index
    %get3A_43 = arith.constant 0 : index
    %get3A_44 = vector.load %arg7[%get3A_41, %get3A_42, %get3A_43] : memref<1x1x1000xi32, #tpu.memory_space<vmem>>, vector<1x1x1000xi32>
    %get3A_45 = vector.shape_cast %get3A_44 : vector<1x1x1000xi32> to vector<1000xi32>
    %iota3A = tpu.iota {dimensions = array<i32: 0>} : vector<64x1000xi32>
    %broadcast_in_dim3A_46 = vector.shape_cast %get3A_45 : vector<1000xi32> to vector<1x1000xi32>
    %eq3A = vector.broadcast %broadcast_in_dim3A_46 : vector<1x1000xi32> to vector<64x1000xi32>
    %eq3A_47 = arith.cmpi eq, %iota3A, %eq3A : vector<64x1000xi32>
    %convert_element_type3A = arith.extui %eq3A_47 : vector<64x1000xi1> to vector<64x1000xi32>
    %convert_element_type3A_48 = arith.sitofp %convert_element_type3A : vector<64x1000xi32> to vector<64x1000xf32>
    %dot_general3A = arith.constant dense<0.000000e+00> : vector<64x128xf32>
    %dot_general3A_49 = tpu.matmul %convert_element_type3A_48, %max3A_40, %dot_general3A {dimension_numbers = #tpu.dot_dimension_numbers<[1], [0], [0], [1], [0, 0, 1, 1], [], []>, transpose_lhs_hint = false} : vector<64x1000xf32>, vector<1000x128xf32>, vector<64x128xf32> -> vector<64x128xf32>
    %reduce_sum3A_50 = arith.constant dense<0.000000e+00> : vector<64xf32>
    %reduce_sum3A_51 = vector.multi_reduction <add>, %convert_element_type3A_48, %reduce_sum3A_50 [1] : vector<64x1000xf32> to vector<64xf32>
    %broadcast_in_dim3A_52 = vector.shape_cast %reduce_sum3A_51 : vector<64xf32> to vector<64x1xf32>
    %eq3A_53 = arith.constant 0 : i32
    %eq3A_54 = arith.cmpi eq, %arg0, %eq3A_53 : i32
    %convert_element_type3A_55 = arith.extui %eq3A_54 : i1 to i32
    %cond3A = arith.constant 0 : i32
    %cond3A_56 = arith.cmpi ne, %convert_element_type3A_55, %cond3A : i32
    scf.if %cond3A_56 {
      %broadcast_in_dim3A_75 = arith.constant 0.000000e+00 : f32
      %broadcast_in_dim3A_76 = vector.broadcast %broadcast_in_dim3A_75 : f32 to vector<64x128xf32>
      %swap3A_77 = arith.constant 0 : index
      %swap3A_78 = arith.constant 0 : index
      %swap3A_79 = vector.load %arg15[%swap3A_77, %swap3A_78] : memref<64x128xf32, #tpu.memory_space<vmem>>, vector<64x128xf32>
      tpu.vector_store %arg15[%swap3A_77, %swap3A_78], %broadcast_in_dim3A_76 {strides = array<i32>} : memref<64x128xf32, #tpu.memory_space<vmem>>, vector<64x128xf32>,
      %broadcast_in_dim3A_80 = arith.constant 0.000000e+00 : f32
      %broadcast_in_dim3A_81 = vector.broadcast %broadcast_in_dim3A_80 : f32 to vector<64x1xf32>
      %swap3A_82 = arith.constant 0 : index
      %swap3A_83 = arith.constant 0 : index
      %swap3A_84 = vector.load %arg16[%swap3A_82, %swap3A_83] : memref<64x1xf32, #tpu.memory_space<vmem>>, vector<64x1xf32>
      tpu.vector_store %arg16[%swap3A_82, %swap3A_83], %broadcast_in_dim3A_81 {strides = array<i32>} : memref<64x1xf32, #tpu.memory_space<vmem>>, vector<64x1xf32>,
    } else {
    }
    %get3A_57 = arith.constant 0 : index
    %get3A_58 = arith.constant 0 : index
    %get3A_59 = vector.load %arg15[%get3A_57, %get3A_58] : memref<64x128xf32, #tpu.memory_space<vmem>>, vector<64x128xf32>
    %add3A_60 = arith.addf %get3A_59, %dot_general3A_49 : vector<64x128xf32>
    %swap3A = arith.constant 0 : index
    %swap3A_61 = arith.constant 0 : index
    %swap3A_62 = vector.load %arg15[%swap3A, %swap3A_61] : memref<64x128xf32, #tpu.memory_space<vmem>>, vector<64x128xf32>
    tpu.vector_store %arg15[%swap3A, %swap3A_61], %add3A_60 {strides = array<i32>} : memref<64x128xf32, #tpu.memory_space<vmem>>, vector<64x128xf32>,
    %get3A_63 = arith.constant 0 : index
    %get3A_64 = arith.constant 0 : index
    %get3A_65 = vector.load %arg16[%get3A_63, %get3A_64] : memref<64x1xf32, #tpu.memory_space<vmem>>, vector<64x1xf32>
    %add3A_66 = arith.addf %get3A_65, %broadcast_in_dim3A_52 : vector<64x1xf32>
    %swap3A_67 = arith.constant 0 : index
    %swap3A_68 = arith.constant 0 : index
    %swap3A_69 = vector.load %arg16[%swap3A_67, %swap3A_68] : memref<64x1xf32, #tpu.memory_space<vmem>>, vector<64x1xf32>
    tpu.vector_store %arg16[%swap3A_67, %swap3A_68], %add3A_66 {strides = array<i32>} : memref<64x1xf32, #tpu.memory_space<vmem>>, vector<64x1xf32>,
    %eq3A_70 = arith.constant 9 : i32
    %eq3A_71 = arith.cmpi eq, %arg0, %eq3A_70 : i32
    %convert_element_type3A_72 = arith.extui %eq3A_71 : i1 to i32
    %cond3A_73 = arith.constant 0 : i32
    %cond3A_74 = arith.cmpi ne, %convert_element_type3A_72, %cond3A_73 : i32
    scf.if %cond3A_74 {
      %get3A_75 = arith.constant 0 : index
      %get3A_76 = arith.constant 0 : index
      %get3A_77 = vector.load %arg15[%get3A_75, %get3A_76] : memref<64x128xf32, #tpu.memory_space<vmem>>, vector<64x128xf32>
      %get3A_78 = arith.constant 0 : index
      %get3A_79 = arith.constant 0 : index
      %get3A_80 = vector.load %arg16[%get3A_78, %get3A_79] : memref<64x1xf32, #tpu.memory_space<vmem>>, vector<64x1xf32>
      %max3A_81 = arith.constant 1.000000e+00 : f32
      %max3A_82 = vector.broadcast %max3A_81 : f32 to vector<64x1xf32>
      %max3A_83 = arith.maximumf %get3A_80, %max3A_82 : vector<64x1xf32>
      %div3A = vector.broadcast %max3A_83 : vector<64x1xf32> to vector<64x128xf32>
      %div3A_84 = arith.divf %get3A_77, %div3A : vector<64x128xf32>
      %get3A_85 = arith.constant 0 : index
      %get3A_86 = arith.constant 0 : index
      %get3A_87 = vector.load %arg9[%get3A_85, %get3A_86] : memref<128x64xf32, #tpu.memory_space<vmem>>, vector<128x64xf32>
      %dot_general3A_88 = arith.constant dense<0.000000e+00> : vector<64x64xf32>
      %dot_general3A_89 = tpu.matmul %div3A_84, %get3A_87, %dot_general3A_88 {dimension_numbers = #tpu.dot_dimension_numbers<[1], [0], [0], [1], [0, 0, 1, 1], [], []>, transpose_lhs_hint = false} : vector<64x128xf32>, vector<128x64xf32>, vector<64x64xf32> -> vector<64x64xf32>
      %get3A_90 = arith.constant 0 : index
      %get3A_91 = arith.constant 0 : index
      %get3A_92 = vector.load %arg8[%get3A_90, %get3A_91] : memref<64x16xf32, #tpu.memory_space<vmem>>, vector<64x16xf32>
      %get3A_93 = arith.constant 0 : index
      %get3A_94 = arith.constant 0 : index
      %get3A_95 = vector.load %arg10[%get3A_93, %get3A_94] : memref<16x64xf32, #tpu.memory_space<vmem>>, vector<16x64xf32>
      %dot_general3A_96 = arith.constant dense<0.000000e+00> : vector<64x64xf32>
      %dot_general3A_97 = tpu.matmul %get3A_92, %get3A_95, %dot_general3A_96 {dimension_numbers = #tpu.dot_dimension_numbers<[1], [0], [0], [1], [0, 0, 1, 1], [], []>, transpose_lhs_hint = false} : vector<64x16xf32>, vector<16x64xf32>, vector<64x64xf32> -> vector<64x64xf32>
      %add3A_98 = arith.addf %dot_general3A_89, %dot_general3A_97 : vector<64x64xf32>
      %get3A_99 = arith.constant 0 : index
      %get3A_100 = arith.constant 0 : index
      %get3A_101 = vector.load %arg11[%get3A_99, %get3A_100] : memref<1x64xf32, #tpu.memory_space<vmem>>, vector<1x64xf32>
      %add3A_102 = vector.broadcast %get3A_101 : vector<1x64xf32> to vector<64x64xf32>
      %add3A_103 = arith.addf %add3A_98, %add3A_102 : vector<64x64xf32>
      %max3A_104 = arith.constant 0.000000e+00 : f32
      %max3A_105 = vector.broadcast %max3A_104 : f32 to vector<64x64xf32>
      %max3A_106 = arith.maximumf %add3A_103, %max3A_105 : vector<64x64xf32>
      %get3A_107 = arith.constant 0 : index
      %get3A_108 = arith.constant 0 : index
      %get3A_109 = vector.load %arg12[%get3A_107, %get3A_108] : memref<64x1xf32, #tpu.memory_space<vmem>>, vector<64x1xf32>
      %dot_general3A_110 = arith.constant dense<0.000000e+00> : vector<1x64xf32>
      %dot_general3A_111 = tpu.matmul %get3A_109, %max3A_106, %dot_general3A_110 {dimension_numbers = #tpu.dot_dimension_numbers<[0], [1], [1], [0], [0, 1, 1, 0], [], []>, transpose_lhs_hint = false} : vector<64x1xf32>, vector<64x64xf32>, vector<1x64xf32> -> vector<1x64xf32>
      %get3A_112 = arith.constant 0 : index
      %get3A_113 = arith.constant 0 : index
      %get3A_114 = vector.load %arg13[%get3A_112, %get3A_113] : memref<1x1xf32, #tpu.memory_space<vmem>>, vector<1x1xf32>
      %add3A_115 = vector.broadcast %get3A_114 : vector<1x1xf32> to vector<1x64xf32>
      %add3A_116 = arith.addf %dot_general3A_111, %add3A_115 : vector<1x64xf32>
      %logistic3A = arith.negf %add3A_116 : vector<1x64xf32>
      %logistic3A_117 = math.exp %logistic3A : vector<1x64xf32>
      %logistic3A_118 = arith.constant 1.000000e+00 : f32
      %logistic3A_119 = vector.broadcast %logistic3A_118 : f32 to vector<1x64xf32>
      %logistic3A_120 = arith.addf %logistic3A_119, %logistic3A_117 : vector<1x64xf32>
      %logistic3A_121 = arith.divf %logistic3A_119, %logistic3A_120 : vector<1x64xf32>
      %swap3A_122 = arith.constant 0 : index
      %swap3A_123 = arith.constant 0 : index
      %swap3A_124 = vector.load %arg14[%swap3A_122, %swap3A_123] : memref<1x64xf32, #tpu.memory_space<vmem>>, vector<1x64xf32>
      tpu.vector_store %arg14[%swap3A_122, %swap3A_123], %logistic3A_121 {strides = array<i32>} : memref<1x64xf32, #tpu.memory_space<vmem>>, vector<1x64xf32>,
    } else {
    }
    return
  }
  func.func @transform_0(%arg0: i32) -> (i32, i32) {
    %c0_i32 = arith.constant 0 : i32
    %c0_i32_0 = arith.constant 0 : i32
    return %arg0, %c0_i32 : i32, i32
  }
  func.func @transform_1(%arg0: i32) -> (i32, i32, i32) {
    %c0_i32 = arith.constant 0 : i32
    %c0_i32_0 = arith.constant 0 : i32
    %c0_i32_1 = arith.constant 0 : i32
    return %c0_i32, %arg0, %c0_i32_0 : i32, i32, i32
  }
  func.func @transform_2(%arg0: i32) -> (i32, i32) {
    %c0_i32 = arith.constant 0 : i32
    %c0_i32_0 = arith.constant 0 : i32
    return %arg0, %c0_i32 : i32, i32
  }
  func.func @transform_3(%arg0: i32) -> (i32, i32) {
    %c0_i32 = arith.constant 0 : i32
    %c0_i32_0 = arith.constant 0 : i32
    %c0_i32_1 = arith.constant 0 : i32
    return %c0_i32, %c0_i32_0 : i32, i32
  }
  func.func @transform_4(%arg0: i32) -> (i32, i32) {
    %c0_i32 = arith.constant 0 : i32
    %c0_i32_0 = arith.constant 0 : i32
    %c0_i32_1 = arith.constant 0 : i32
    return %c0_i32, %c0_i32_0 : i32, i32
  }
  func.func @transform_5(%arg0: i32) -> (i32, i32) {
    %c0_i32 = arith.constant 0 : i32
    %c0_i32_0 = arith.constant 0 : i32
    %c0_i32_1 = arith.constant 0 : i32
    return %c0_i32, %c0_i32_0 : i32, i32
  }
  func.func @transform_6(%arg0: i32) -> (i32, i32, i32) {
    %c0_i32 = arith.constant 0 : i32
    %c0_i32_0 = arith.constant 0 : i32
    %c0_i32_1 = arith.constant 0 : i32
    return %arg0, %c0_i32, %c0_i32_0 : i32, i32, i32
  }
  func.func @transform_7(%arg0: i32) -> (i32, i32) {
    %c0_i32 = arith.constant 0 : i32
    %c0_i32_0 = arith.constant 0 : i32
    %c0_i32_1 = arith.constant 0 : i32
    return %c0_i32, %c0_i32_0 : i32, i32
  }
  func.func @transform_8(%arg0: i32) -> (i32, i32) {
    %c0_i32 = arith.constant 0 : i32
    %c0_i32_0 = arith.constant 0 : i32
    %c0_i32_1 = arith.constant 0 : i32
    return %c0_i32, %c0_i32_0 : i32, i32
  }
  func.func @transform_9(%arg0: i32) -> (i32, i32) {
    %c0_i32 = arith.constant 0 : i32
    %c0_i32_0 = arith.constant 0 : i32
    %c0_i32_1 = arith.constant 0 : i32
    return %c0_i32, %c0_i32_0 : i32, i32
  }
  func.func @transform_10(%arg0: i32) -> (i32, i32) {
    %c0_i32 = arith.constant 0 : i32
    %c0_i32_0 = arith.constant 0 : i32
    %c0_i32_1 = arith.constant 0 : i32
    return %c0_i32, %c0_i32_0 : i32, i32
  }
  func.func @transform_11(%arg0: i32) -> (i32, i32) {
    %c0_i32 = arith.constant 0 : i32
    %c0_i32_0 = arith.constant 0 : i32
    %c0_i32_1 = arith.constant 0 : i32
    return %c0_i32, %c0_i32_0 : i32, i32
  }
  func.func @transform_12(%arg0: i32) -> (i32, i32) {
    %c0_i32 = arith.constant 0 : i32
    %c0_i32_0 = arith.constant 0 : i32
    %c0_i32_1 = arith.constant 0 : i32
    return %c0_i32, %c0_i32_0 : i32, i32
  }
  func.func @transform_13(%arg0: i32) -> (i32, i32) {
    %c0_i32 = arith.constant 0 : i32
    %c0_i32_0 = arith.constant 0 : i32
    %c0_i32_1 = arith.constant 0 : i32
    return %c0_i32, %c0_i32_0 : i32, i32
  }
}

</mosaic_0001>

<sc_bundles>
// kernel: kernel.11.cloned.1.call-start
scs
__scs_entry_jumppad:
0x0: {  	(pc) =	sbr.rel $0x88, $3  }
0x1: {  	(tag) =	ssettag $0x0;
	lr =	simm.s32 $0x1  }
0x2: {  	[smem:$0x3F8F] =	sst lr;
	_ =	strace $0xD0000000  }
0x3: {  	_ = 	snop  }
0x4: {  	_ = 	snop  }
0x5: {  	_ = 	snop  }
0x6: {  	_ = 	snop  }
0x7: {  	_ = 	snop  }
__scs_overlays_trampoline_lowered:
0x8: {  	[smem:$0x3F9E] =	sst s0  }
0x9: {  	[smem:$0x3F9F] =	sst s1  }
0xa: {  	[smem:$0x3FA0] =	sst s2  }
0xb: {  	[smem:$0x3FA1] =	sst s3  }
0xc: {  	[smem:$0x3FA2] =	sst s4  }
0xd: {  	[smem:$0x3FA3] =	sst s5  }
0xe: {  	[smem:$0x3FA4] =	sst s6  }
0xf: {  	[smem:$0x3FA5] =	sst s7  }
0x10: {  	[smem:$0x3FA6] =	sst s8  }
0x11: {  	[smem:$0x3FA7] =	sst s9;
	s0 =	simm.s32 @!p0 $0x0  }
0x12: {  	s1 =	sld [smem:$0x3F8D];
	s0 =	simm.s32 @p0 $0x1  }
0x13: {  	[smem:$0x3FA8] =	sst s0;
	s0 =	simm.s32 @!p1 $0x0  }
0x14: {  	s2 =	sld [smem:$0x3F8C];
	s0 =	simm.s32 @p1 $0x1  }
0x15: {  	[smem:$0x3FA9] =	sst s0;
	s0 =	simm.s32 @!p2 $0x0  }
0x16: {  	s3 =	sld [smem:$0x3FDB];
	s0 =	simm.s32 @p2 $0x1  }
0x17: {  	s4 =	simm.s32 $0x1BF5;
	[smem:$0x3FAB] =	sst s0  }
0x18: {  	s0 =	sld [smem:$0x3F8E];
	_ =	swait.ge [sflag:s4], $0x0  }
0x19: {  	s7 =	sld [smem:$0x3F8F]  }
0x1a: {  	s8 =	sadd.s32 $0xFFFFE003, lr  }
0x1b: {  	s9 =	sadd.s32 $0xFFFFFEF7, lr;
	s5 =	simm.s32 $0xFFFFFFFF;
	p2 =	slt.u32 s8, $0xFFFFF086  }
0x1c: {  	p1 =	slt.u32 s9, $0xF7A;
	s5 =	simm.s32 @!p2 $0x0  }
0x1d: {  	s5 =	simm.s32 @p1 $0x1;
	p0 =	seq.s32 s7, s2  }
0x1e: {  	s7 =	smul.u32 @!p0 $0xF7A, s2;
	p2 =	seq.s32 @!p0 s5, $0x0  }
0x1f: {  	s9 =	smul.u32 $0xF7A, s1;
	s8 =	simm.s32 @!p0 $0x1BF5;
	p2 =	por !p2, p0  }
0x20: {  	[sflag:s8] =	ssyncset.s32 @!p0 $0xFFFFF086;
	s6 =	sadd.s32 @!p0 s3, s7;
	s7 =	simm.s32 @!p0 $0x108  }
0x21: {  	s3 =	sadd.s32 s3, s9;
	s6 =	sadd.s32 @!p0 $0x88, s6;
	s7 =	simm.s32 @p2 $0x1082  }
0x22: {  	[simem:s7], [sflag:s8] =	dma.local @!p0 [hbm:s6], $0xF7A  }
0x23: {  	s9 =	sor.u32 $0xD0000000, s2;
	s6 =	simm.s32 $0x108;
	_ =	swait.ge @!p0 [sflag:s8], $0x0  }
0x24: {  	s3 =	sadd.s32 $0x88, s3;
	s6 =	simm.s32 @!p1 $0x1082;
	[sflag:s4] =	ssyncset.s32 $0xFFFFF086  }
0x25: {  	[simem:s6], [sflag:s4] =	dma.local [hbm:s3], $0xF7A  }
0x26: {  	[smem:$0x3F8F] =	sst s1;
	(tag) =	ssettag s2;
	_ =	strace s9  }
0x27: {  	s1 =	sld [smem:$0x3F9F]  }
0x28: {  	s2 =	sld [smem:$0x3FA0]  }
0x29: {  	s4 =	sld [smem:$0x3FA2]  }
0x2a: {  	p0 =	seq.s32 s5, $0x0;
	s5 =	sld [smem:$0x3FA3]  }
0x2b: {  	s6 =	sld [smem:$0x3FA4]  }
0x2c: {  	s7 =	sld [smem:$0x3FA5]  }
0x2d: {  	s3 =	simm.s32 $0x108;
	s8 =	sld [smem:$0x3FA6]  }
0x2e: {  	s3 =	simm.s32 @!p0 $0x1082;
	s9 =	sld [smem:$0x3FA7]  }
0x2f: {  	lr =	sadd.s32 s0, s3;
	s0 =	sld [smem:$0x3F9E]  }
0x30: {  	s3 =	sld [smem:$0x3FA1]  }
0x31: {  	[smem:$0x3FAA] =	sst s10  }
0x32: {  	s10 =	sld [smem:$0x3FA8];
	_ =	sdelay $0x3  }
0x33: {  	p0 =	seq.s32 s10, $0x1;
	s10 =	sld [smem:$0x3FAA];
	_ =	sdelay $0x3  }
0x34: {  	[smem:$0x3FAA] =	sst s10  }
0x35: {  	s10 =	sld [smem:$0x3FA9];
	_ =	sdelay $0x3  }
0x36: {  	p1 =	seq.s32 s10, $0x1;
	s10 =	sld [smem:$0x3FAA];
	_ =	sdelay $0x3  }
0x37: {  	[smem:$0x3FAA] =	sst s10  }
0x38: {  	s10 =	sld [smem:$0x3FAB]  }
0x39: {  	_ = 	snop;
	(pc) =	sbr.ind lr, $3  }
0x3a: {  	_ = 	snop  }
0x3b: {  	_ = 	snop  }
0x3c: {  	p2 =	seq.s32 s10, $0x1;
	s10 =	sld [smem:$0x3FAA]  }
0x3d: {  	_ =	shalt  }
0x3e: {  	_ =	shalt  }
0x3f: {  	_ =	shalt  }
0x40: {  	_ =	shalt  }
0x41: {  	_ =	shalt  }
0x42: {  	_ =	shalt  }
0x43: {  	_ =	shalt  }
0x44: {  	_ =	shalt  }
0x45: {  	_ =	shalt  }
0x46: {  	_ =	shalt  }
0x47: {  	_ =	shalt  }
0x48: {  	_ =	shalt  }
0x49: {  	_ =	shalt  }
0x4a: {  	_ =	shalt  }
0x4b: {  	_ =	shalt  }
0x4c: {  	_ =	shalt  }
0x4d: {  	_ =	shalt  }
0x4e: {  	_ =	shalt  }
0x4f: {  	_ =	shalt  }
0x50: {  	_ =	shalt  }
0x51: {  	_ =	shalt  }
0x52: {  	_ =	shalt  }
0x53: {  	_ =	shalt  }
0x54: {  	_ =	shalt  }
0x55: {  	_ =	shalt  }
0x56: {  	_ =	shalt  }
0x57: {  	_ =	shalt  }
0x58: {  	_ =	shalt  }
0x59: {  	_ =	shalt  }
0x5a: {  	_ =	shalt  }
0x5b: {  	_ =	shalt  }
0x5c: {  	_ =	shalt  }
0x5d: {  	_ =	shalt  }
0x5e: {  	_ =	shalt  }
0x5f: {  	_ =	shalt  }
0x60: {  	_ =	shalt  }
0x61: {  	_ =	shalt  }
0x62: {  	_ =	shalt  }
0x63: {  	_ =	shalt  }
0x64: {  	_ =	shalt  }
0x65: {  	_ =	shalt  }
0x66: {  	_ =	shalt  }
0x67: {  	_ =	shalt  }
0x68: {  	_ =	shalt  }
0x69: {  	_ =	shalt  }
0x6a: {  	_ =	shalt  }
0x6b: {  	_ =	shalt  }
0x6c: {  	_ =	shalt  }
0x6d: {  	_ =	shalt  }
0x6e: {  	_ =	shalt  }
0x6f: {  	_ =	shalt  }
0x70: {  	_ =	shalt  }
0x71: {  	_ =	shalt  }
0x72: {  	_ =	shalt  }
0x73: {  	_ =	shalt  }
0x74: {  	_ =	shalt  }
0x75: {  	_ =	shalt  }
0x76: {  	_ =	shalt  }
0x77: {  	_ =	shalt  }
0x78: {  	_ =	shalt  }
0x79: {  	_ =	shalt  }
0x7a: {  	_ =	shalt  }
0x7b: {  	_ =	shalt  }
0x7c: {  	_ =	shalt  }
0x7d: {  	_ =	shalt  }
0x7e: {  	_ =	shalt  }
0x7f: {  	_ =	shalt  }
0x80: {  	_ =	shalt  }
0x81: {  	_ =	shalt  }
0x82: {  	_ =	shalt  }
0x83: {  	_ =	shalt  }
0x84: {  	_ =	shalt  }
0x85: {  	_ =	shalt  }
0x86: {  	_ =	shalt  }
0x87: {  	_ =	shalt  }
.Lfunc_end0:
.L_simem_size_0:
called_computation.1_lowered:
.L_overlay_start_0:
0x88: {  	s2 =	sld [smem:$0x3FD9]  }
0x89: {  	s3 =	sld [smem:$0x3FFE];
	_ =	sdelay $0x1  }
0x8a: {  	s1 =	srdreg.scid  }
0x8b: {  	s0 =	sand.u32 $0x1, s1  }
0x8c: {  	s16 =	sshll.u32 s0, $0xA;
	s2 =	sadd.s32 s3, s2  }
0x8d: {  	s2 =	sadd.s32 s2, s16  }
0x8e: {  	[smem:$0x3FB6] =	sst s2  }
0x8f: {  	_ = 	snop  }
0x90: {  	(tm) =	ssettm $0x1  }
0x91: {  	s17 =	sld [smem:$0x3FFB];
	_ =	sdelay $0x3  }
0x92: {  	_ =	strace s17  }
0x93: {  	s2 =	sld [smem:$0x3FFC];
	_ =	sdelay $0x3  }
0x94: {  	_ =	strace s2  }
0x95: {  	s2 =	sld [smem:$0x3FFD];
	_ =	sdelay $0x3  }
0x96: {  	_ =	strace s2  }
0x97: {  	_ =	strace $0x8FFFFFFF  }
0x98: {  	s18 =	sld [smem:$0x3FDB];
	_ =	sdelay $0x1  }
0x99: {  	s19 =	simm.s32 $_scs_section_size  }
0x9a: {  	s4 =	simm.s32 $_size__tile_overlayer_lowered;
	s5 =	simm.s32 $_tile_overlayer_lowered  }
0x9b: {  	s22 =	simm.s32 $0x1BFF;
	s21 =	sshll.u32 s5, $0x1;
	s2 =	sadd.s32 s19, s18  }
0x9c: {  	s6 =	simm.s32 $0x0;
	s20 =	sshll.u32 s4, $0x1;
	s4 =	sadd.s32 s21, s2  }
0x9d: {  	[timem:s6], [sflag:s22] =	dma.local [hbm:s4], s20  }
0x9e: {  	_ =	swait.ge [sflag:s22], s20  }
0x9f: {  	s3 =	ssub.s32 $0x0, s20;
	[sflag:s22] =	ssyncset.done $0x0  }
0xa0: {  	[sflag:s22] =	ssyncadd.s32 s3;
	_ =	sdelay $0x1  }
0xa1: {  	s23 =	simm.s32 $0x1B8B  }
0xa2: {  	_ =	swait.ge [sflag:s23], $0x1  }
0xa3: {  	[sflag:s23] =	ssyncset.done $0x0  }
0xa4: {  	s25 =	simm.s32 $0x1B8E;
	s24 =	sld [smem:$0x3FFE];
	[sflag:s23] =	ssyncadd.s32 $0xFFFFFFFF  }
0xa5: {  	s26 =	simm.s32 $execute0_lowered;
	[smem:$0x3FD2] =	sst s25  }
0xa6: {  	s4 =	sshll.u32 s26, $0x1;
	_ =	strace $0x80000049;
	[dreg:$0x1] =	wrdreg $0xFFFFFFFF  }
0xa7: {  	s28 =	simm.s32 $_size_execute0_lowered;
	s2 =	sadd.s32 s2, s4;
	[dreg:$0x0] =	wrdreg $0x0  }
0xa8: {  	s4 =	sshll.u32 s28, $0x1;
	[dreg:$0x2] =	wrdreg s2  }
0xa9: {  	[dreg:$0x3] =	wrdreg s4  }
0xaa: {  	[dreg:$0x4] =	wrdreg $0xC0  }
0xab: {  	_ =	task [dreg:s6], $0x5FFFF  }
0xac: {  	[dreg:$0x1] =	wrdreg $0xFFFFFFFF  }
0xad: {  	[dreg:$0x0] =	wrdreg $0x60  }
0xae: {  	[dreg:$0x2] =	wrdreg s24  }
0xaf: {  	[dreg:$0x3] =	wrdreg $0xC0000  }
0xb0: {  	[dreg:$0x4] =	wrdreg $0x9  }
0xb1: {  	_ =	task.clear_ibuf [dreg:s6], $0x5FFFF;
	_ =	strace $0x90000049  }
0xb2: {  	s29 =	simm.s32 $0x9;
	_ =	strace $0x8000004B  }
0xb3: {  	_ =	swait.ge [sflag:s29], $0x1  }
0xb4: {  	[sflag:s29] =	ssyncadd.s32 $0xFFFFFFFF  }
0xb5: {  	_ =	strace $0x9000004B  }
0xb6: {  	_ =	sfence  }
0xb7: {  	s30 =	sld [smem:$0x0];
	_ =	sdelay $0x2  }
0xb8: {  	s31 =	sshll.u32 s1, $0xD;
	s1 =	sshrl.u32 s1, $0x2  }
0xb9: {  	s3 =	sand.u32 $0x4000, s31;
	s1 =	sadd.s32 s1, s30  }
0xba: {  	s0 =	sor.u32 s3, s0;
	s1 =	sshll.u32 s1, $0x11  }
0xbb: {  	s0 =	sor.u32 s1, s0  }
0xbc: {  	s0 =	sadd.s32 $0x8F2B, s0  }
0xbd: {  	[sflag:s0] =	ssyncadd.remote.s32 $0x1  }
0xbe: {  	_ =	sfence.sel $0xFFFF  }
0xbf: {  	[dreg:$0x0] =	wrdreg $0xFFFFFFFF;
	(pc) =	sbr.abs _section_cstart, $3  }
0xc0: {  	[dreg:$0x1] =	wrdreg $0xFFFFFFFF  }
0xc1: {  	_ =	task.clear_ibuf [dreg:s6], $0x2FFFF;
	_ =	strace $0x9FFFFFFF  }
0xc2: {  	(tm) =	ssettm $0x7FFFFFFF  }
0xc3: {  	_ =	shalt  }
tec
execute0_lowered:
.L_overlay_start_1:
0x0: {  	(tag) =	ssettag $0x1  }
0x1: {  	s0 =	rddreg [dreg:$0x0];
	s2 =	srdreg.scid  }
0x2: {  	s1 =	rddreg [dreg:$0x1];
	s17 =	stileid.u32;
	s3 =	sand.u32 $0x1, s2  }
0x3: {  	s2 =	simm.s32 $0x0;
	s6 =	smul.u32 $0x14000, s17;
	s8 =	sadd.s32 $0x85600, s0  }
0x4: {  	s4 =	smul.u32 $0x140000, s3;
	s5 =	ssub.s32 $0x2, s3;
	[smem:$0x7FF] =	sst s2  }
0x5: {  	s7 =	sshrl.u32 s5, $0x1;
	s9 =	sor.u32 $0x2000, s6;
	s10 =	sadd.s32 $0x4000, s6  }
0x6: {  	s12 =	sadd.s32 $0x6000, s6;
	s13 =	sadd.s32 $0xA000, s6;
	s19 =	sadd.s32 $0xC000, s6  }
0x7: {  	s20 =	sadd.s32 $0xE000, s6;
	s21 =	sadd.s32 $0x10000, s6;
	s5 =	ssub.s32 s5, s7  }
0x8: {  	s22 =	sadd.s32 s4, s6;
	s23 =	sadd.s32 s4, s9;
	s11 =	sadd.s32 s4, s10  }
0x9: {  	s25 =	sadd.s32 s4, s12;
	s14 =	sadd.s32 s4, s13;
	s15 =	sadd.s32 s4, s19  }
0xa: {  	s16 =	sadd.s32 s4, s20;
	s18 =	sadd.s32 s4, s21;
	s7 =	sshrl.u32 s22, $0x3  }
0xb: {  	s11 =	sshrl.u32 s11, $0x3;
	s14 =	sshrl.u32 s14, $0x3;
	s7 =	sadd.s32 s8, s7  }
0xc: {  	s24 =	sadd.s32 s8, s11;
	[dreg:$0x3] =	wrdreg s7;
	s7 =	sshrl.u32 s23, $0x3  }
0xd: {  	s11 =	sadd.s32 $0x8000, s6;
	[dreg:$0x5] =	wrdreg s24;
	s7 =	sadd.s32 s8, s7  }
0xe: {  	s14 =	sadd.s32 s8, s14;
	[dreg:$0x4] =	wrdreg s7;
	s7 =	sshrl.u32 s25, $0x3  }
0xf: {  	s26 =	sadd.s32 s4, s11;
	[dreg:$0x8] =	wrdreg s14;
	s7 =	sadd.s32 s8, s7  }
0x10: {  	s6 =	sadd.s32 $0x12000, s6;
	[dreg:$0x6] =	wrdreg s7;
	s7 =	sshrl.u32 s26, $0x3  }
0x11: {  	s14 =	sshrl.u32 s18, $0x3;
	s4 =	sadd.s32 s4, s6;
	s7 =	sadd.s32 s8, s7  }
0x12: {  	s22 =	sadd.s32 s8, s14;
	[dreg:$0x7] =	wrdreg s7;
	s7 =	sshrl.u32 s15, $0x3  }
0x13: {  	s4 =	sshrl.u32 s4, $0x3;
	[dreg:$0xb] =	wrdreg s22;
	s7 =	sadd.s32 s8, s7  }
0x14: {  	s4 =	sadd.s32 s8, s4;
	[dreg:$0x9] =	wrdreg s7;
	s7 =	sshrl.u32 s16, $0x3  }
0x15: {  	s3 =	sshll.u32 s3, $0x4;
	[dreg:$0xc] =	wrdreg s4;
	s7 =	sadd.s32 s8, s7  }
0x16: {  	s25 =	sor.u32 s17, s3;
	s26 =	smax.u32 s5, $0x1;
	[dreg:$0xa] =	wrdreg s7  }
0x17: {  	s3 =	sadd.s32 s9, s1;
	_ =	strace $0x8000004A;
	[dreg:$0xd] =	wrdreg s26  }
0x18: {  	s4 =	sadd.s32 s10, s1;
	[dreg:$0xe] =	wrdreg s3  }
0x19: {  	s5 =	sadd.s32 s12, s1;
	[dreg:$0xf] =	wrdreg s4  }
0x1a: {  	s7 =	sadd.s32 s11, s1;
	[dreg:$0x10] =	wrdreg s5  }
0x1b: {  	s8 =	sadd.s32 s13, s1;
	[dreg:$0x11] =	wrdreg s7  }
0x1c: {  	s23 =	smul.u32 $0x50000, s17;
	s9 =	sadd.s32 s19, s1;
	[dreg:$0x12] =	wrdreg s8  }
0x1d: {  	s10 =	sadd.s32 s20, s1;
	[dreg:$0x13] =	wrdreg s9  }
0x1e: {  	s24 =	sshrl.u32 s23, $0x2;
	s11 =	sadd.s32 s21, s1;
	[dreg:$0x14] =	wrdreg s10  }
0x1f: {  	s17 =	sadd.s32 s24, s1;
	s12 =	sadd.s32 s6, s1;
	[dreg:$0x15] =	wrdreg s11  }
0x20: {  	s28 =	simm.s32 $0x4;
	s13 =	sadd.s32 $0x2000, s17;
	[dreg:$0x16] =	wrdreg s12  }
0x21: {  	s29 =	simm.s32 $0x3E00;
	s19 =	sadd.s32 $0x4000, s17;
	[dreg:$0x17] =	wrdreg s13  }
0x22: {  	s30 =	simm.s32 $0x3E80;
	s20 =	sadd.s32 $0x6000, s17;
	[dreg:$0x18] =	wrdreg s19  }
0x23: {  	s31 =	simm.s32 $0x3F00;
	s21 =	sadd.s32 $0x8000, s17;
	[dreg:$0x19] =	wrdreg s20  }
0x24: {  	s14 =	sadd.s32 $0x5E400, s0;
	s22 =	sadd.s32 $0xA000, s17;
	[dreg:$0x1a] =	wrdreg s21  }
0x25: {  	s18 =	smul.u32 $0xA000, s25;
	s23 =	sadd.s32 $0xC000, s17;
	[dreg:$0x1b] =	wrdreg s22  }
0x26: {  	s24 =	sadd.s32 $0xE000, s17;
	s25 =	sadd.s32 $0x10000, s17;
	[dreg:$0x1c] =	wrdreg s23  }
0x27: {  	s15 =	sadd.s32 $0x36400, s0;
	s16 =	sadd.s32 $0x4400, s0;
	[dreg:$0x1d] =	wrdreg s24  }
0x28: {  	s0 =	simm.s32 $0x0;
	[dreg:$0x1e] =	wrdreg s25;
	s26 =	sadd.s32 $0x12000, s17  }
0x29: {  	s8 =	simm.s32 $0x4000;
	s9 =	simm.s32 $0x5;
	s11 =	simm.s32 $0x2000  }
0x2a: {  	s12 =	simm.s32 $0x40;
	s13 =	simm.s32 $0x80;
	s19 =	simm.s32 $0x6000  }
0x2b: {  	s20 =	simm.s32 $0x100;
	s21 =	simm.s32 $0x8000;
	s22 =	simm.s32 $0x180  }
0x2c: {  	s23 =	simm.s32 $0xA000;
	s24 =	simm.s32 $0x1;
	s25 =	simm.s32 $0x2  }
0x2d: {  	v0 =	vimm.f32 $0.0e+00;
	s10 =	simm.s32 $0x3F80;
	[dreg:$0x1f] =	wrdreg s26;
	s26 =	simm.s32 $0x3  }
.LBB2_1:
0x2e: {  	s3 =	simm.s32 $0x0;
	s4 =	simm.s32 $0x200  }
.LBB2_2:
0x2f: {  	p0 =	sne.s32 s4, $0x7E00;
	[tilespmem:s3+$0x4070] =	vst v0  }
0x30: {  	[tilespmem:s3+$0x4000] =	vst v0  }
0x31: {  	[tilespmem:s3+$0x4010] =	vst v0  }
.Ltmp0:
0x32: {  	[tilespmem:s3+$0x4020] =	vst v0;
	(pc) =	sbr.rel @p0 .LBB2_2-.Ltmp0, $4  }
0x33: {  	[tilespmem:s3+$0x4030] =	vst v0  }
0x34: {  	[tilespmem:s3+$0x4040] =	vst v0  }
0x35: {  	[tilespmem:s3+$0x4050] =	vst v0  }
0x36: {  	[tilespmem:s3+$0x4060] =	vst v0;
	s3 =	sshra.s32 s4, $0x2;
	s4 =	sadd.s32 $0x200, s4  }
0x37: {  	[tilespmem:s3+$0x4070] =	vst v0  }
0x38: {  	[tilespmem:s3+$0x4000] =	vst v0  }
0x39: {  	[tilespmem:s3+$0x4010] =	vst v0  }
0x3a: {  	[tilespmem:s3+$0x4020] =	vst v0  }
0x3b: {  	[tilespmem:s3+$0x4030] =	vst v0  }
0x3c: {  	[tilespmem:s3+$0x4040] =	vst v0  }
0x3d: {  	[tilespmem:s3+$0x4050] =	vst v0  }
0x3e: {  	[tilespmem:s3+$0x4060] =	vst v0  }
0x3f: {  	[spmem:s17] =	stream.linear.scatter [tilespmem:s8], [sflag:$0x5], $0x2000, $0x38;
	v63 =	vld [tilespmem:$0x0]  }
0x40: {  	_ =	swait.ge [sflag:s9], $0x2000  }
0x41: {  	[sflag:s9] =	ssyncset.done $0x0  }
0x42: {  	s7 =	rddreg [dreg:$0x17];
	[sflag:s9] =	ssyncadd.s32 $0xFFFFE000  }
0x43: {  	[spmem:s7] =	stream.linear.scatter [tilespmem:s8], [sflag:$0x5], $0x2000, $0x38;
	v63 =	vld [tilespmem:$0x0]  }
0x44: {  	_ =	swait.ge [sflag:s9], $0x2000  }
0x45: {  	[sflag:s9] =	ssyncset.done $0x0  }
0x46: {  	s4 =	rddreg [dreg:$0x18];
	[sflag:s9] =	ssyncadd.s32 $0xFFFFE000  }
0x47: {  	[spmem:s4] =	stream.linear.scatter [tilespmem:s8], [sflag:$0x5], $0x2000, $0x38;
	v63 =	vld [tilespmem:$0x0]  }
0x48: {  	_ =	swait.ge [sflag:s9], $0x2000  }
0x49: {  	[sflag:s9] =	ssyncset.done $0x0  }
0x4a: {  	s5 =	rddreg [dreg:$0x19];
	[sflag:s9] =	ssyncadd.s32 $0xFFFFE000  }
0x4b: {  	[spmem:s5] =	stream.linear.scatter [tilespmem:s8], [sflag:$0x5], $0x2000, $0x38;
	v63 =	vld [tilespmem:$0x0]  }
0x4c: {  	_ =	swait.ge [sflag:s9], $0x2000  }
0x4d: {  	[sflag:s9] =	ssyncset.done $0x0  }
0x4e: {  	s6 =	rddreg [dreg:$0x1a];
	[sflag:s9] =	ssyncadd.s32 $0xFFFFE000  }
0x4f: {  	[spmem:s6] =	stream.linear.scatter [tilespmem:s8], [sflag:$0x5], $0x2000, $0x38;
	v63 =	vld [tilespmem:$0x0]  }
0x50: {  	_ =	swait.ge [sflag:s9], $0x2000  }
0x51: {  	[sflag:s9] =	ssyncset.done $0x0  }
0x52: {  	s7 =	rddreg [dreg:$0x1b];
	[sflag:s9] =	ssyncadd.s32 $0xFFFFE000  }
0x53: {  	[spmem:s7] =	stream.linear.scatter [tilespmem:s8], [sflag:$0x5], $0x2000, $0x38;
	v63 =	vld [tilespmem:$0x0]  }
0x54: {  	_ =	swait.ge [sflag:s9], $0x2000  }
0x55: {  	[sflag:s9] =	ssyncset.done $0x0  }
0x56: {  	s4 =	rddreg [dreg:$0x1c];
	[sflag:s9] =	ssyncadd.s32 $0xFFFFE000  }
0x57: {  	[spmem:s4] =	stream.linear.scatter [tilespmem:s8], [sflag:$0x5], $0x2000, $0x38;
	v63 =	vld [tilespmem:$0x0]  }
0x58: {  	_ =	swait.ge [sflag:s9], $0x2000  }
0x59: {  	[sflag:s9] =	ssyncset.done $0x0  }
0x5a: {  	s5 =	rddreg [dreg:$0x1d];
	[sflag:s9] =	ssyncadd.s32 $0xFFFFE000  }
0x5b: {  	[spmem:s5] =	stream.linear.scatter [tilespmem:s8], [sflag:$0x5], $0x2000, $0x38;
	v63 =	vld [tilespmem:$0x0]  }
0x5c: {  	_ =	swait.ge [sflag:s9], $0x2000  }
0x5d: {  	[sflag:s9] =	ssyncset.done $0x0  }
0x5e: {  	s6 =	rddreg [dreg:$0x1e];
	[sflag:s9] =	ssyncadd.s32 $0xFFFFE000  }
0x5f: {  	[spmem:s6] =	stream.linear.scatter [tilespmem:s8], [sflag:$0x5], $0x2000, $0x38;
	v63 =	vld [tilespmem:$0x0]  }
0x60: {  	_ =	swait.ge [sflag:s9], $0x2000  }
0x61: {  	[sflag:s9] =	ssyncset.done $0x0  }
0x62: {  	s7 =	rddreg [dreg:$0x1f];
	[sflag:s9] =	ssyncadd.s32 $0xFFFFE000  }
0x63: {  	[spmem:s7] =	stream.linear.scatter [tilespmem:s8], [sflag:$0x5], $0x2000, $0x38;
	v63 =	vld [tilespmem:$0x0]  }
0x64: {  	_ =	swait.ge [sflag:s9], $0x2000  }
0x65: {  	[sflag:s9] =	ssyncset.done $0x0  }
0x66: {  	[sflag:s9] =	ssyncadd.s32 $0xFFFFE000  }
0x67: {  	s3 =	simm.s32 $0x0;
	s4 =	simm.s32 $0x0;
	[bflag:$0x0] =	sbarrier.arrive $0xFFFF  }
.LBB2_4:
0x68: {  	s5 =	sshll.u32 s4, $0xD  }
0x69: {  	s5 =	sadd.s32 s18, s5  }
0x6a: {  	s5 =	sshrl.u32 s5, $0x3  }
0x6b: {  	s6 =	sadd.s32 s15, s5  }
0x6c: {  	[tilespmem:s3], [sflag:$0x5] =	stream.linear.gather [hbm4b:s6+s3], $0x2000, $0x38;
	v63 =	vld [tilespmem:$0x0]  }
0x6d: {  	_ =	swait.ge [sflag:s9], $0x2000  }
0x6e: {  	[sflag:s9] =	ssyncset.done $0x0  }
0x6f: {  	s5 =	sadd.s32 s16, s5;
	[sflag:s9] =	ssyncadd.s32 $0xFFFFE000  }
0x70: {  	[tilespmem:s11], [sflag:$0x5] =	stream.linear.gather [hbm4b:s5+s3], $0x2000, $0x38;
	v63 =	vld [tilespmem:$0x0]  }
0x71: {  	_ =	swait.ge [sflag:s9], $0x2000  }
0x72: {  	[sflag:s9] =	ssyncset.done $0x0  }
0x73: {  	[sflag:s9] =	ssyncadd.s32 $0xFFFFE000  }
0x74: {  	[tilespmem:s8], [sflag:$0x1] =	stream.indirect.gather [hbm4b:s14+s12], $0x80, s3, s12, $0xb8;
	v63 =	vld [tilespmem:$0x0]  }
0x75: {  	_ = 	snop  }
0x76: {  	[tilespmem:s19], [sflag:$0x2] =	stream.indirect.gather [hbm4b:s14+s12], $0x80, s13, s12, $0xb8;
	v63 =	vld [tilespmem:$0x0]  }
0x77: {  	_ = 	snop  }
0x78: {  	[tilespmem:s21], [sflag:$0x3] =	stream.indirect.gather [hbm4b:s14+s12], $0x80, s20, s12, $0xb8;
	v63 =	vld [tilespmem:$0x0]  }
0x79: {  	_ = 	snop  }
0x7a: {  	[tilespmem:s23], [sflag:$0x4] =	stream.indirect.gather [hbm4b:s14+s12], $0x80, s22, s12, $0xb8;
	v63 =	vld [tilespmem:$0x0]  }
0x7b: {  	_ =	swait.ge [sflag:s24], $0x2000  }
0x7c: {  	[sflag:s24] =	ssyncset.done $0x0  }
0x7d: {  	s7 =	simm.s32 $0x2000;
	[sflag:s24] =	ssyncadd.s32 $0xFFFFE000  }
0x7e: {  	[spmem:s1] =	stream.indirect.scatter.add.f32 [tilespmem:s8], [sflag:$0x5], $0x80, s7, s12, $0xb8;
	v63 =	vld [tilespmem:$0x0]  }
0x7f: {  	_ =	swait.ge [sflag:s9], $0x2000  }
0x80: {  	[sflag:s9] =	ssyncset.done $0x0  }
0x81: {  	s6 =	simm.s32 $0x200;
	[sflag:s9] =	ssyncadd.s32 $0xFFFFE000  }
0x82: {  	[tilespmem:s8], [sflag:$0x1] =	stream.indirect.gather [hbm4b:s14+s12], $0x80, s6, s12, $0xb8;
	v63 =	vld [tilespmem:$0x0]  }
0x83: {  	_ =	swait.ge [sflag:s25], $0x2000  }
0x84: {  	[sflag:s25] =	ssyncset.done $0x0  }
0x85: {  	s7 =	simm.s32 $0x2080;
	[sflag:s25] =	ssyncadd.s32 $0xFFFFE000  }
0x86: {  	[spmem:s1] =	stream.indirect.scatter.add.f32 [tilespmem:s19], [sflag:$0x5], $0x80, s7, s12, $0xb8;
	v63 =	vld [tilespmem:$0x0]  }
0x87: {  	_ =	swait.ge [sflag:s9], $0x2000  }
0x88: {  	[sflag:s9] =	ssyncset.done $0x0  }
0x89: {  	s6 =	simm.s32 $0x280;
	[sflag:s9] =	ssyncadd.s32 $0xFFFFE000  }
0x8a: {  	[tilespmem:s19], [sflag:$0x2] =	stream.indirect.gather [hbm4b:s14+s12], $0x80, s6, s12, $0xb8;
	v63 =	vld [tilespmem:$0x0]  }
0x8b: {  	_ =	swait.ge [sflag:s26], $0x2000  }
0x8c: {  	[sflag:s26] =	ssyncset.done $0x0  }
0x8d: {  	s7 =	simm.s32 $0x2100;
	[sflag:s26] =	ssyncadd.s32 $0xFFFFE000  }
0x8e: {  	[spmem:s1] =	stream.indirect.scatter.add.f32 [tilespmem:s21], [sflag:$0x5], $0x80, s7, s12, $0xb8;
	v63 =	vld [tilespmem:$0x0]  }
0x8f: {  	_ =	swait.ge [sflag:s9], $0x2000  }
0x90: {  	[sflag:s9] =	ssyncset.done $0x0  }
0x91: {  	s6 =	simm.s32 $0x300;
	[sflag:s9] =	ssyncadd.s32 $0xFFFFE000  }
0x92: {  	[tilespmem:s21], [sflag:$0x3] =	stream.indirect.gather [hbm4b:s14+s12], $0x80, s6, s12, $0xb8;
	v63 =	vld [tilespmem:$0x0]  }
0x93: {  	_ =	swait.ge [sflag:s28], $0x2000  }
0x94: {  	[sflag:s28] =	ssyncset.done $0x0  }
0x95: {  	s7 =	simm.s32 $0x2180;
	[sflag:s28] =	ssyncadd.s32 $0xFFFFE000  }
0x96: {  	[spmem:s1] =	stream.indirect.scatter.add.f32 [tilespmem:s23], [sflag:$0x5], $0x80, s7, s12, $0xb8;
	v63 =	vld [tilespmem:$0x0]  }
0x97: {  	_ =	swait.ge [sflag:s9], $0x2000  }
0x98: {  	[sflag:s9] =	ssyncset.done $0x0  }
0x99: {  	s5 =	simm.s32 $0x800;
	s6 =	simm.s32 $0x380;
	[sflag:s9] =	ssyncadd.s32 $0xFFFFE000  }
.LBB2_5:
0x9a: {  	[tilespmem:s23], [sflag:$0x4] =	stream.indirect.gather [hbm4b:s14+s12], $0x80, s6, s12, $0xb8;
	v63 =	vld [tilespmem:$0x0]  }
0x9b: {  	s6 =	smov.u32 s5  }
0x9c: {  	p0 =	sne.s32 s5, $0x7000;
	s5 =	sadd.s32 $0x800, s5;
	_ =	swait.ge [sflag:s24], $0x2000  }
0x9d: {  	s6 =	sshra.s32 s6, $0x2;
	[sflag:s24] =	ssyncset.done $0x0  }
0x9e: {  	s7 =	sadd.s32 $0x2000, s6;
	[sflag:s24] =	ssyncadd.s32 $0xFFFFE000  }
0x9f: {  	[spmem:s1] =	stream.indirect.scatter.add.f32 [tilespmem:s8], [sflag:$0x5], $0x80, s7, s12, $0xb8;
	v63 =	vld [tilespmem:$0x0]  }
0xa0: {  	_ =	swait.ge [sflag:s9], $0x2000  }
0xa1: {  	[sflag:s9] =	ssyncset.done $0x0  }
0xa2: {  	s7 =	sadd.s32 $0x200, s6;
	[sflag:s9] =	ssyncadd.s32 $0xFFFFE000  }
0xa3: {  	[tilespmem:s8], [sflag:$0x1] =	stream.indirect.gather [hbm4b:s14+s12], $0x80, s7, s12, $0xb8;
	v63 =	vld [tilespmem:$0x0]  }
0xa4: {  	_ =	swait.ge [sflag:s25], $0x2000  }
0xa5: {  	[sflag:s25] =	ssyncset.done $0x0  }
0xa6: {  	s7 =	sadd.s32 $0x2080, s6;
	[sflag:s25] =	ssyncadd.s32 $0xFFFFE000  }
0xa7: {  	[spmem:s1] =	stream.indirect.scatter.add.f32 [tilespmem:s19], [sflag:$0x5], $0x80, s7, s12, $0xb8;
	v63 =	vld [tilespmem:$0x0]  }
0xa8: {  	_ =	swait.ge [sflag:s9], $0x2000  }
0xa9: {  	[sflag:s9] =	ssyncset.done $0x0  }
0xaa: {  	s7 =	sadd.s32 $0x280, s6;
	[sflag:s9] =	ssyncadd.s32 $0xFFFFE000  }
0xab: {  	[tilespmem:s19], [sflag:$0x2] =	stream.indirect.gather [hbm4b:s14+s12], $0x80, s7, s12, $0xb8;
	v63 =	vld [tilespmem:$0x0]  }
0xac: {  	_ =	swait.ge [sflag:s26], $0x2000  }
0xad: {  	[sflag:s26] =	ssyncset.done $0x0  }
0xae: {  	s7 =	sadd.s32 $0x2100, s6;
	[sflag:s26] =	ssyncadd.s32 $0xFFFFE000  }
0xaf: {  	[spmem:s1] =	stream.indirect.scatter.add.f32 [tilespmem:s21], [sflag:$0x5], $0x80, s7, s12, $0xb8;
	v63 =	vld [tilespmem:$0x0]  }
0xb0: {  	_ =	swait.ge [sflag:s9], $0x2000  }
0xb1: {  	[sflag:s9] =	ssyncset.done $0x0  }
0xb2: {  	s7 =	sadd.s32 $0x300, s6;
	[sflag:s9] =	ssyncadd.s32 $0xFFFFE000  }
0xb3: {  	[tilespmem:s21], [sflag:$0x3] =	stream.indirect.gather [hbm4b:s14+s12], $0x80, s7, s12, $0xb8;
	v63 =	vld [tilespmem:$0x0]  }
0xb4: {  	_ =	swait.ge [sflag:s28], $0x2000  }
0xb5: {  	[sflag:s28] =	ssyncset.done $0x0  }
.Ltmp1:
0xb6: {  	s7 =	sadd.s32 $0x2180, s6;
	[sflag:s28] =	ssyncadd.s32 $0xFFFFE000;
	(pc) =	sbr.rel @p0 .LBB2_5-.Ltmp1, $4  }
0xb7: {  	[spmem:s1] =	stream.indirect.scatter.add.f32 [tilespmem:s23], [sflag:$0x5], $0x80, s7, s12, $0xb8;
	v63 =	vld [tilespmem:$0x0]  }
0xb8: {  	_ =	swait.ge [sflag:s9], $0x2000  }
0xb9: {  	[sflag:s9] =	ssyncset.done $0x0  }
0xba: {  	s6 =	sadd.s32 $0x380, s6;
	[sflag:s9] =	ssyncadd.s32 $0xFFFFE000  }
0xbb: {  	[tilespmem:s23], [sflag:$0x4] =	stream.indirect.gather [hbm4b:s14+s12], $0x80, s6, s12, $0xb8;
	v63 =	vld [tilespmem:$0x0]  }
0xbc: {  	_ =	swait.ge [sflag:s24], $0x2000  }
0xbd: {  	[sflag:s24] =	ssyncset.done $0x0  }
0xbe: {  	[sflag:s24] =	ssyncadd.s32 $0xFFFFE000  }
0xbf: {  	[spmem:s1] =	stream.indirect.scatter.add.f32 [tilespmem:s8], [sflag:$0x5], $0x80, s29, s12, $0xb8;
	v63 =	vld [tilespmem:$0x0]  }
0xc0: {  	_ =	swait.ge [sflag:s9], $0x2000  }
0xc1: {  	[sflag:s9] =	ssyncset.done $0x0  }
0xc2: {  	[sflag:s9] =	ssyncadd.s32 $0xFFFFE000  }
0xc3: {  	_ =	swait.ge [sflag:s25], $0x2000  }
0xc4: {  	[sflag:s25] =	ssyncset.done $0x0  }
0xc5: {  	[sflag:s25] =	ssyncadd.s32 $0xFFFFE000  }
0xc6: {  	[spmem:s1] =	stream.indirect.scatter.add.f32 [tilespmem:s19], [sflag:$0x5], $0x80, s30, s12, $0xb8;
	v63 =	vld [tilespmem:$0x0]  }
0xc7: {  	_ =	swait.ge [sflag:s9], $0x2000  }
0xc8: {  	[sflag:s9] =	ssyncset.done $0x0  }
0xc9: {  	[sflag:s9] =	ssyncadd.s32 $0xFFFFE000  }
0xca: {  	_ =	swait.ge [sflag:s26], $0x2000  }
0xcb: {  	[sflag:s26] =	ssyncset.done $0x0  }
0xcc: {  	[sflag:s26] =	ssyncadd.s32 $0xFFFFE000  }
0xcd: {  	[spmem:s1] =	stream.indirect.scatter.add.f32 [tilespmem:s21], [sflag:$0x5], $0x80, s31, s12, $0xb8;
	v63 =	vld [tilespmem:$0x0]  }
0xce: {  	_ =	swait.ge [sflag:s9], $0x2000  }
0xcf: {  	[sflag:s9] =	ssyncset.done $0x0  }
0xd0: {  	[sflag:s9] =	ssyncadd.s32 $0xFFFFE000  }
0xd1: {  	s4 =	sadd.s32 $0x1, s4;
	_ =	swait.ge [sflag:s28], $0x2000  }
0xd2: {  	p0 =	sne.s32 s4, $0x5;
	[sflag:s28] =	ssyncset.done $0x0  }
.Ltmp2:
0xd3: {  	[sflag:s28] =	ssyncadd.s32 $0xFFFFE000;
	(pc) =	sbr.rel @p0 .LBB2_4-.Ltmp2, $4  }
0xd4: {  	[spmem:s1] =	stream.indirect.scatter.add.f32 [tilespmem:s23], [sflag:$0x5], $0x80, s10, s12, $0xb8;
	v63 =	vld [tilespmem:$0x0]  }
0xd5: {  	_ =	swait.ge [sflag:s9], $0x2000  }
0xd6: {  	[sflag:s9] =	ssyncset.done $0x0  }
0xd7: {  	[sflag:s9] =	ssyncadd.s32 $0xFFFFE000  }
0xd8: {  	[bflag:$0x0] =	sbarrier.arrive $0xFFFF  }
0xd9: {  	[tilespmem:s8], [sflag:$0x5] =	stream.linear.gather [spmem:s17], $0x2000, $0x38;
	v63 =	vld [tilespmem:$0x0]  }
0xda: {  	_ =	swait.ge [sflag:s9], $0x2000  }
0xdb: {  	[sflag:s9] =	ssyncset.done $0x0  }
0xdc: {  	s3 =	rddreg [dreg:$0x3];
	[sflag:s9] =	ssyncadd.s32 $0xFFFFE000  }
0xdd: {  	[hbm4b:s3+s2] =	stream.linear.scatter [tilespmem:s8], [sflag:$0x5], $0x2000, $0x38;
	v63 =	vld [tilespmem:$0x0]  }
0xde: {  	_ =	swait.ge [sflag:s9], $0x2000  }
0xdf: {  	[sflag:s9] =	ssyncset.done $0x0  }
0xe0: {  	s5 =	rddreg [dreg:$0xe];
	[sflag:s9] =	ssyncadd.s32 $0xFFFFE000  }
0xe1: {  	[tilespmem:s8], [sflag:$0x5] =	stream.linear.gather [spmem:s5], $0x2000, $0x38;
	v63 =	vld [tilespmem:$0x0]  }
0xe2: {  	_ =	swait.ge [sflag:s9], $0x2000  }
0xe3: {  	[sflag:s9] =	ssyncset.done $0x0  }
0xe4: {  	s6 =	rddreg [dreg:$0x4];
	[sflag:s9] =	ssyncadd.s32 $0xFFFFE000  }
0xe5: {  	[hbm4b:s6+s2] =	stream.linear.scatter [tilespmem:s8], [sflag:$0x5], $0x2000, $0x38;
	v63 =	vld [tilespmem:$0x0]  }
0xe6: {  	_ =	swait.ge [sflag:s9], $0x2000  }
0xe7: {  	[sflag:s9] =	ssyncset.done $0x0  }
0xe8: {  	s7 =	rddreg [dreg:$0xf];
	[sflag:s9] =	ssyncadd.s32 $0xFFFFE000  }
0xe9: {  	[tilespmem:s8], [sflag:$0x5] =	stream.linear.gather [spmem:s7], $0x2000, $0x38;
	v63 =	vld [tilespmem:$0x0]  }
0xea: {  	_ =	swait.ge [sflag:s9], $0x2000  }
0xeb: {  	[sflag:s9] =	ssyncset.done $0x0  }
0xec: {  	s4 =	rddreg [dreg:$0x5];
	[sflag:s9] =	ssyncadd.s32 $0xFFFFE000  }
0xed: {  	[hbm4b:s4+s2] =	stream.linear.scatter [tilespmem:s8], [sflag:$0x5], $0x2000, $0x38;
	v63 =	vld [tilespmem:$0x0]  }
0xee: {  	_ =	swait.ge [sflag:s9], $0x2000  }
0xef: {  	[sflag:s9] =	ssyncset.done $0x0  }
0xf0: {  	s5 =	rddreg [dreg:$0x10];
	[sflag:s9] =	ssyncadd.s32 $0xFFFFE000  }
0xf1: {  	[tilespmem:s8], [sflag:$0x5] =	stream.linear.gather [spmem:s5], $0x2000, $0x38;
	v63 =	vld [tilespmem:$0x0]  }
0xf2: {  	_ =	swait.ge [sflag:s9], $0x2000  }
0xf3: {  	[sflag:s9] =	ssyncset.done $0x0  }
0xf4: {  	s6 =	rddreg [dreg:$0x6];
	[sflag:s9] =	ssyncadd.s32 $0xFFFFE000  }
0xf5: {  	[hbm4b:s6+s2] =	stream.linear.scatter [tilespmem:s8], [sflag:$0x5], $0x2000, $0x38;
	v63 =	vld [tilespmem:$0x0]  }
0xf6: {  	_ =	swait.ge [sflag:s9], $0x2000  }
0xf7: {  	[sflag:s9] =	ssyncset.done $0x0  }
0xf8: {  	s7 =	rddreg [dreg:$0x11];
	[sflag:s9] =	ssyncadd.s32 $0xFFFFE000  }
0xf9: {  	[tilespmem:s8], [sflag:$0x5] =	stream.linear.gather [spmem:s7], $0x2000, $0x38;
	v63 =	vld [tilespmem:$0x0]  }
0xfa: {  	_ =	swait.ge [sflag:s9], $0x2000  }
0xfb: {  	[sflag:s9] =	ssyncset.done $0x0  }
0xfc: {  	s4 =	rddreg [dreg:$0x7];
	[sflag:s9] =	ssyncadd.s32 $0xFFFFE000  }
0xfd: {  	[hbm4b:s4+s2] =	stream.linear.scatter [tilespmem:s8], [sflag:$0x5], $0x2000, $0x38;
	v63 =	vld [tilespmem:$0x0]  }
0xfe: {  	_ =	swait.ge [sflag:s9], $0x2000  }
0xff: {  	[sflag:s9] =	ssyncset.done $0x0  }
0x100: {  	s5 =	rddreg [dreg:$0x12];
	[sflag:s9] =	ssyncadd.s32 $0xFFFFE000  }
0x101: {  	[tilespmem:s8], [sflag:$0x5] =	stream.linear.gather [spmem:s5], $0x2000, $0x38;
	v63 =	vld [tilespmem:$0x0]  }
0x102: {  	_ =	swait.ge [sflag:s9], $0x2000  }
0x103: {  	[sflag:s9] =	ssyncset.done $0x0  }
0x104: {  	s6 =	rddreg [dreg:$0x8];
	[sflag:s9] =	ssyncadd.s32 $0xFFFFE000  }
0x105: {  	[hbm4b:s6+s2] =	stream.linear.scatter [tilespmem:s8], [sflag:$0x5], $0x2000, $0x38;
	v63 =	vld [tilespmem:$0x0]  }
0x106: {  	_ =	swait.ge [sflag:s9], $0x2000  }
0x107: {  	[sflag:s9] =	ssyncset.done $0x0  }
0x108: {  	s7 =	rddreg [dreg:$0x13];
	[sflag:s9] =	ssyncadd.s32 $0xFFFFE000  }
0x109: {  	[tilespmem:s8], [sflag:$0x5] =	stream.linear.gather [spmem:s7], $0x2000, $0x38;
	v63 =	vld [tilespmem:$0x0]  }
0x10a: {  	_ =	swait.ge [sflag:s9], $0x2000  }
0x10b: {  	[sflag:s9] =	ssyncset.done $0x0  }
0x10c: {  	s4 =	rddreg [dreg:$0x9];
	[sflag:s9] =	ssyncadd.s32 $0xFFFFE000  }
0x10d: {  	[hbm4b:s4+s2] =	stream.linear.scatter [tilespmem:s8], [sflag:$0x5], $0x2000, $0x38;
	v63 =	vld [tilespmem:$0x0]  }
0x10e: {  	_ =	swait.ge [sflag:s9], $0x2000  }
0x10f: {  	[sflag:s9] =	ssyncset.done $0x0  }
0x110: {  	s5 =	rddreg [dreg:$0x14];
	[sflag:s9] =	ssyncadd.s32 $0xFFFFE000  }
0x111: {  	[tilespmem:s8], [sflag:$0x5] =	stream.linear.gather [spmem:s5], $0x2000, $0x38;
	v63 =	vld [tilespmem:$0x0]  }
0x112: {  	_ =	swait.ge [sflag:s9], $0x2000  }
0x113: {  	[sflag:s9] =	ssyncset.done $0x0  }
0x114: {  	s6 =	rddreg [dreg:$0xa];
	[sflag:s9] =	ssyncadd.s32 $0xFFFFE000  }
0x115: {  	[hbm4b:s6+s2] =	stream.linear.scatter [tilespmem:s8], [sflag:$0x5], $0x2000, $0x38;
	v63 =	vld [tilespmem:$0x0]  }
0x116: {  	_ =	swait.ge [sflag:s9], $0x2000  }
0x117: {  	[sflag:s9] =	ssyncset.done $0x0  }
0x118: {  	s7 =	rddreg [dreg:$0x15];
	[sflag:s9] =	ssyncadd.s32 $0xFFFFE000  }
0x119: {  	[tilespmem:s8], [sflag:$0x5] =	stream.linear.gather [spmem:s7], $0x2000, $0x38;
	v63 =	vld [tilespmem:$0x0]  }
0x11a: {  	_ =	swait.ge [sflag:s9], $0x2000  }
0x11b: {  	[sflag:s9] =	ssyncset.done $0x0  }
0x11c: {  	s4 =	rddreg [dreg:$0xb];
	[sflag:s9] =	ssyncadd.s32 $0xFFFFE000  }
0x11d: {  	[hbm4b:s4+s2] =	stream.linear.scatter [tilespmem:s8], [sflag:$0x5], $0x2000, $0x38;
	v63 =	vld [tilespmem:$0x0]  }
0x11e: {  	_ =	swait.ge [sflag:s9], $0x2000  }
0x11f: {  	[sflag:s9] =	ssyncset.done $0x0  }
0x120: {  	s5 =	rddreg [dreg:$0x16];
	[sflag:s9] =	ssyncadd.s32 $0xFFFFE000  }
0x121: {  	[tilespmem:s8], [sflag:$0x5] =	stream.linear.gather [spmem:s5], $0x2000, $0x38;
	v63 =	vld [tilespmem:$0x0]  }
0x122: {  	_ =	swait.ge [sflag:s9], $0x2000  }
0x123: {  	[sflag:s9] =	ssyncset.done $0x0  }
0x124: {  	s6 =	rddreg [dreg:$0xc];
	[sflag:s9] =	ssyncadd.s32 $0xFFFFE000  }
0x125: {  	[hbm4b:s6+s2] =	stream.linear.scatter [tilespmem:s8], [sflag:$0x5], $0x2000, $0x38;
	v63 =	vld [tilespmem:$0x0]  }
0x126: {  	_ =	swait.ge [sflag:s9], $0x2000  }
0x127: {  	s0 =	sadd.s32 $0x1, s0;
	s7 =	rddreg [dreg:$0xd]  }
0x128: {  	p0 =	sne.s32 s0, s7  }
.Ltmp3:
0x129: {  	_ = 	snop;
	(pc) =	sbr.rel @p0 .LBB2_1-.Ltmp3, $3  }
0x12a: {  	_ =	sdelay $0x1  }
0x12b: {  	[sflag:s9] =	ssyncset.done $0x0  }
0x12c: {  	[sflag:s9] =	ssyncadd.s32 $0xFFFFE000  }
0x12d: {  	_ =	sfence.sel $0x180000  }
0x12e: {  	[bflag:$0x0] =	sbarrier.arrive $0xFFFF  }
0x12f: {  	_ =	strace $0x9000004A  }
0x130: {  	s0 =	stileid.u32;
	[bflag:$0x2] =	sbarrier.arrive $0xFFFF  }
0x131: {  	p0 =	sne.s32 s0, $0x0;
	s0 =	rddreg [dreg:$0x2]  }
0x132: {  	s0 =	sadd.s32 @!p0 $0x100000, s0  }
0x133: {  	[sflag:s0] =	ssyncadd.tile.s32 @!p0 $0x1;
	_ =	shalt  }
.Lfunc_end2:
_tile_overlayer_lowered:
.L_overlay_start_2:
0x134: {  	(tag) =	ssettag $0x2  }
0x135: {  	s0 =	rddreg [dreg:$0x0];
	s2 =	stileid.u32  }
0x136: {  	s1 =	rddreg [dreg:$0x1];
	p0 =	sne.s32 s2, $0x0  }
0x137: {  	s3 =	rddreg [dreg:$0x2];
	[bflag:$0x3] =	sbarrier.arrive $0xFFFF;
	s2 =	simm.s32 @!p0 $0x1C05  }
0x138: {  	[timem:s3], [sflag:s2] =	dma.local @!p0 [hbm:s0], s1  }
0x139: {  	s0 =	simm.s32 @!p0 $0x5  }
0x13a: {  	_ =	swait.ge @!p0 [sflag:s0], s1  }
0x13b: {  	s1 =	ssub.s32 @!p0 $0x0, s1;
	[sflag:s0] =	ssyncset.done @!p0 $0x0  }
0x13c: {  	[sflag:s0] =	ssyncadd.s32 @!p0 s1  }
0x13d: {  	[bflag:$0x3] =	sbarrier.arrive $0xFFFF  }
0x13e: {  	_ =	shalt  }

// kernel: kernel.14.cloned.1.call-start
scs
__scs_entry_jumppad:
0x0: {  	(pc) =	sbr.rel $0x88, $3  }
0x1: {  	(tag) =	ssettag $0x0;
	lr =	simm.s32 $0x1  }
0x2: {  	[smem:$0x3F8F] =	sst lr;
	_ =	strace $0xD0000000  }
0x3: {  	_ = 	snop  }
0x4: {  	_ = 	snop  }
0x5: {  	_ = 	snop  }
0x6: {  	_ = 	snop  }
0x7: {  	_ = 	snop  }
__scs_overlays_trampoline_lowered:
0x8: {  	[smem:$0x3F9E] =	sst s0  }
0x9: {  	[smem:$0x3F9F] =	sst s1  }
0xa: {  	[smem:$0x3FA0] =	sst s2  }
0xb: {  	[smem:$0x3FA1] =	sst s3  }
0xc: {  	[smem:$0x3FA2] =	sst s4  }
0xd: {  	[smem:$0x3FA3] =	sst s5  }
0xe: {  	[smem:$0x3FA4] =	sst s6  }
0xf: {  	[smem:$0x3FA5] =	sst s7  }
0x10: {  	[smem:$0x3FA6] =	sst s8  }
0x11: {  	[smem:$0x3FA7] =	sst s9;
	s0 =	simm.s32 @!p0 $0x0  }
0x12: {  	s1 =	sld [smem:$0x3F8D];
	s0 =	simm.s32 @p0 $0x1  }
0x13: {  	[smem:$0x3FA8] =	sst s0;
	s0 =	simm.s32 @!p1 $0x0  }
0x14: {  	s2 =	sld [smem:$0x3F8C];
	s0 =	simm.s32 @p1 $0x1  }
0x15: {  	[smem:$0x3FA9] =	sst s0;
	s0 =	simm.s32 @!p2 $0x0  }
0x16: {  	s3 =	sld [smem:$0x3FDB];
	s0 =	simm.s32 @p2 $0x1  }
0x17: {  	s4 =	simm.s32 $0x1BF5;
	[smem:$0x3FAB] =	sst s0  }
0x18: {  	s0 =	sld [smem:$0x3F8E];
	_ =	swait.ge [sflag:s4], $0x0  }
0x19: {  	s7 =	sld [smem:$0x3F8F]  }
0x1a: {  	s8 =	sadd.s32 $0xFFFFE003, lr  }
0x1b: {  	s9 =	sadd.s32 $0xFFFFFEF7, lr;
	s5 =	simm.s32 $0xFFFFFFFF;
	p2 =	slt.u32 s8, $0xFFFFF086  }
0x1c: {  	p1 =	slt.u32 s9, $0xF7A;
	s5 =	simm.s32 @!p2 $0x0  }
0x1d: {  	s5 =	simm.s32 @p1 $0x1;
	p0 =	seq.s32 s7, s2  }
0x1e: {  	s7 =	smul.u32 @!p0 $0xF7A, s2;
	p2 =	seq.s32 @!p0 s5, $0x0  }
0x1f: {  	s9 =	smul.u32 $0xF7A, s1;
	s8 =	simm.s32 @!p0 $0x1BF5;
	p2 =	por !p2, p0  }
0x20: {  	[sflag:s8] =	ssyncset.s32 @!p0 $0xFFFFF086;
	s6 =	sadd.s32 @!p0 s3, s7;
	s7 =	simm.s32 @!p0 $0x108  }
0x21: {  	s3 =	sadd.s32 s3, s9;
	s6 =	sadd.s32 @!p0 $0x88, s6;
	s7 =	simm.s32 @p2 $0x1082  }
0x22: {  	[simem:s7], [sflag:s8] =	dma.local @!p0 [hbm:s6], $0xF7A  }
0x23: {  	s9 =	sor.u32 $0xD0000000, s2;
	s6 =	simm.s32 $0x108;
	_ =	swait.ge @!p0 [sflag:s8], $0x0  }
0x24: {  	s3 =	sadd.s32 $0x88, s3;
	s6 =	simm.s32 @!p1 $0x1082;
	[sflag:s4] =	ssyncset.s32 $0xFFFFF086  }
0x25: {  	[simem:s6], [sflag:s4] =	dma.local [hbm:s3], $0xF7A  }
0x26: {  	[smem:$0x3F8F] =	sst s1;
	(tag) =	ssettag s2;
	_ =	strace s9  }
0x27: {  	s1 =	sld [smem:$0x3F9F]  }
0x28: {  	s2 =	sld [smem:$0x3FA0]  }
0x29: {  	s4 =	sld [smem:$0x3FA2]  }
0x2a: {  	p0 =	seq.s32 s5, $0x0;
	s5 =	sld [smem:$0x3FA3]  }
0x2b: {  	s6 =	sld [smem:$0x3FA4]  }
0x2c: {  	s7 =	sld [smem:$0x3FA5]  }
0x2d: {  	s3 =	simm.s32 $0x108;
	s8 =	sld [smem:$0x3FA6]  }
0x2e: {  	s3 =	simm.s32 @!p0 $0x1082;
	s9 =	sld [smem:$0x3FA7]  }
0x2f: {  	lr =	sadd.s32 s0, s3;
	s0 =	sld [smem:$0x3F9E]  }
0x30: {  	s3 =	sld [smem:$0x3FA1]  }
0x31: {  	[smem:$0x3FAA] =	sst s10  }
0x32: {  	s10 =	sld [smem:$0x3FA8];
	_ =	sdelay $0x3  }
0x33: {  	p0 =	seq.s32 s10, $0x1;
	s10 =	sld [smem:$0x3FAA];
	_ =	sdelay $0x3  }
0x34: {  	[smem:$0x3FAA] =	sst s10  }
0x35: {  	s10 =	sld [smem:$0x3FA9];
	_ =	sdelay $0x3  }
0x36: {  	p1 =	seq.s32 s10, $0x1;
	s10 =	sld [smem:$0x3FAA];
	_ =	sdelay $0x3  }
0x37: {  	[smem:$0x3FAA] =	sst s10  }
0x38: {  	s10 =	sld [smem:$0x3FAB]  }
0x39: {  	_ = 	snop;
	(pc) =	sbr.ind lr, $3  }
0x3a: {  	_ = 	snop  }
0x3b: {  	_ = 	snop  }
0x3c: {  	p2 =	seq.s32 s10, $0x1;
	s10 =	sld [smem:$0x3FAA]  }
0x3d: {  	_ =	shalt  }
0x3e: {  	_ =	shalt  }
0x3f: {  	_ =	shalt  }
0x40: {  	_ =	shalt  }
0x41: {  	_ =	shalt  }
0x42: {  	_ =	shalt  }
0x43: {  	_ =	shalt  }
0x44: {  	_ =	shalt  }
0x45: {  	_ =	shalt  }
0x46: {  	_ =	shalt  }
0x47: {  	_ =	shalt  }
0x48: {  	_ =	shalt  }
0x49: {  	_ =	shalt  }
0x4a: {  	_ =	shalt  }
0x4b: {  	_ =	shalt  }
0x4c: {  	_ =	shalt  }
0x4d: {  	_ =	shalt  }
0x4e: {  	_ =	shalt  }
0x4f: {  	_ =	shalt  }
0x50: {  	_ =	shalt  }
0x51: {  	_ =	shalt  }
0x52: {  	_ =	shalt  }
0x53: {  	_ =	shalt  }
0x54: {  	_ =	shalt  }
0x55: {  	_ =	shalt  }
0x56: {  	_ =	shalt  }
0x57: {  	_ =	shalt  }
0x58: {  	_ =	shalt  }
0x59: {  	_ =	shalt  }
0x5a: {  	_ =	shalt  }
0x5b: {  	_ =	shalt  }
0x5c: {  	_ =	shalt  }
0x5d: {  	_ =	shalt  }
0x5e: {  	_ =	shalt  }
0x5f: {  	_ =	shalt  }
0x60: {  	_ =	shalt  }
0x61: {  	_ =	shalt  }
0x62: {  	_ =	shalt  }
0x63: {  	_ =	shalt  }
0x64: {  	_ =	shalt  }
0x65: {  	_ =	shalt  }
0x66: {  	_ =	shalt  }
0x67: {  	_ =	shalt  }
0x68: {  	_ =	shalt  }
0x69: {  	_ =	shalt  }
0x6a: {  	_ =	shalt  }
0x6b: {  	_ =	shalt  }
0x6c: {  	_ =	shalt  }
0x6d: {  	_ =	shalt  }
0x6e: {  	_ =	shalt  }
0x6f: {  	_ =	shalt  }
0x70: {  	_ =	shalt  }
0x71: {  	_ =	shalt  }
0x72: {  	_ =	shalt  }
0x73: {  	_ =	shalt  }
0x74: {  	_ =	shalt  }
0x75: {  	_ =	shalt  }
0x76: {  	_ =	shalt  }
0x77: {  	_ =	shalt  }
0x78: {  	_ =	shalt  }
0x79: {  	_ =	shalt  }
0x7a: {  	_ =	shalt  }
0x7b: {  	_ =	shalt  }
0x7c: {  	_ =	shalt  }
0x7d: {  	_ =	shalt  }
0x7e: {  	_ =	shalt  }
0x7f: {  	_ =	shalt  }
0x80: {  	_ =	shalt  }
0x81: {  	_ =	shalt  }
0x82: {  	_ =	shalt  }
0x83: {  	_ =	shalt  }
0x84: {  	_ =	shalt  }
0x85: {  	_ =	shalt  }
0x86: {  	_ =	shalt  }
0x87: {  	_ =	shalt  }
.Lfunc_end0:
.L_simem_size_0:
called_computation.2_lowered:
.L_overlay_start_0:
0x88: {  	s2 =	sld [smem:$0x3FD9]  }
0x89: {  	s3 =	sld [smem:$0x3FFE];
	_ =	sdelay $0x1  }
0x8a: {  	s1 =	srdreg.scid  }
0x8b: {  	s0 =	sand.u32 $0x1, s1  }
0x8c: {  	s16 =	sshll.u32 s0, $0xA;
	s2 =	sadd.s32 s3, s2  }
0x8d: {  	s2 =	sadd.s32 s2, s16  }
0x8e: {  	[smem:$0x3FB6] =	sst s2  }
0x8f: {  	_ = 	snop  }
0x90: {  	(tm) =	ssettm $0x1  }
0x91: {  	s17 =	sld [smem:$0x3FFB];
	_ =	sdelay $0x3  }
0x92: {  	_ =	strace s17  }
0x93: {  	s2 =	sld [smem:$0x3FFC];
	_ =	sdelay $0x3  }
0x94: {  	_ =	strace s2  }
0x95: {  	s2 =	sld [smem:$0x3FFD];
	_ =	sdelay $0x3  }
0x96: {  	_ =	strace s2  }
0x97: {  	_ =	strace $0x8FFFFFFF  }
0x98: {  	s18 =	sld [smem:$0x3FDB];
	_ =	sdelay $0x1  }
0x99: {  	s19 =	simm.s32 $_scs_section_size  }
0x9a: {  	s4 =	simm.s32 $_size__tile_overlayer_lowered;
	s5 =	simm.s32 $_tile_overlayer_lowered  }
0x9b: {  	s22 =	simm.s32 $0x1BFF;
	s21 =	sshll.u32 s5, $0x1;
	s2 =	sadd.s32 s19, s18  }
0x9c: {  	s6 =	simm.s32 $0x0;
	s20 =	sshll.u32 s4, $0x1;
	s4 =	sadd.s32 s21, s2  }
0x9d: {  	[timem:s6], [sflag:s22] =	dma.local [hbm:s4], s20  }
0x9e: {  	_ =	swait.ge [sflag:s22], s20  }
0x9f: {  	s3 =	ssub.s32 $0x0, s20;
	[sflag:s22] =	ssyncset.done $0x0  }
0xa0: {  	[sflag:s22] =	ssyncadd.s32 s3;
	_ =	sdelay $0x1  }
0xa1: {  	s23 =	simm.s32 $0x1B8B  }
0xa2: {  	_ =	swait.ge [sflag:s23], $0x1  }
0xa3: {  	[sflag:s23] =	ssyncset.done $0x0  }
0xa4: {  	s25 =	simm.s32 $0x1B8E;
	s24 =	sld [smem:$0x3FFE];
	[sflag:s23] =	ssyncadd.s32 $0xFFFFFFFF  }
0xa5: {  	s26 =	simm.s32 $execute0_lowered;
	[smem:$0x3FD2] =	sst s25  }
0xa6: {  	s4 =	sshll.u32 s26, $0x1;
	_ =	strace $0x8000004C;
	[dreg:$0x1] =	wrdreg $0xFFFFFFFF  }
0xa7: {  	s28 =	simm.s32 $_size_execute0_lowered;
	s2 =	sadd.s32 s2, s4;
	[dreg:$0x0] =	wrdreg $0x0  }
0xa8: {  	s4 =	sshll.u32 s28, $0x1;
	[dreg:$0x2] =	wrdreg s2  }
0xa9: {  	[dreg:$0x3] =	wrdreg s4  }
0xaa: {  	[dreg:$0x4] =	wrdreg $0xC0  }
0xab: {  	_ =	task [dreg:s6], $0x5FFFF  }
0xac: {  	[dreg:$0x1] =	wrdreg $0xFFFFFFFF  }
0xad: {  	[dreg:$0x0] =	wrdreg $0x60  }
0xae: {  	[dreg:$0x2] =	wrdreg s24  }
0xaf: {  	[dreg:$0x3] =	wrdreg $0xC0000  }
0xb0: {  	[dreg:$0x4] =	wrdreg $0x9  }
0xb1: {  	_ =	task.clear_ibuf [dreg:s6], $0x5FFFF;
	_ =	strace $0x9000004C  }
0xb2: {  	s29 =	simm.s32 $0x9;
	_ =	strace $0x8000004E  }
0xb3: {  	_ =	swait.ge [sflag:s29], $0x1  }
0xb4: {  	[sflag:s29] =	ssyncadd.s32 $0xFFFFFFFF  }
0xb5: {  	_ =	strace $0x9000004E  }
0xb6: {  	_ =	sfence  }
0xb7: {  	s30 =	sld [smem:$0x0];
	_ =	sdelay $0x2  }
0xb8: {  	s31 =	sshll.u32 s1, $0xD;
	s1 =	sshrl.u32 s1, $0x2  }
0xb9: {  	s3 =	sand.u32 $0x4000, s31;
	s1 =	sadd.s32 s1, s30  }
0xba: {  	s0 =	sor.u32 s3, s0;
	s1 =	sshll.u32 s1, $0x11  }
0xbb: {  	s0 =	sor.u32 s1, s0  }
0xbc: {  	s0 =	sadd.s32 $0x8F2B, s0  }
0xbd: {  	[sflag:s0] =	ssyncadd.remote.s32 $0x1  }
0xbe: {  	_ =	sfence.sel $0xFFFF  }
0xbf: {  	[dreg:$0x0] =	wrdreg $0xFFFFFFFF;
	(pc) =	sbr.abs _section_cstart, $3  }
0xc0: {  	[dreg:$0x1] =	wrdreg $0xFFFFFFFF  }
0xc1: {  	_ =	task.clear_ibuf [dreg:s6], $0x2FFFF;
	_ =	strace $0x9FFFFFFF  }
0xc2: {  	(tm) =	ssettm $0x7FFFFFFF  }
0xc3: {  	_ =	shalt  }
tec
execute0_lowered:
.L_overlay_start_1:
0x0: {  	(tag) =	ssettag $0x1  }
0x1: {  	s0 =	rddreg [dreg:$0x0];
	s2 =	srdreg.scid  }
0x2: {  	s1 =	rddreg [dreg:$0x1];
	s17 =	stileid.u32;
	s3 =	sand.u32 $0x1, s2  }
0x3: {  	s2 =	simm.s32 $0x0;
	s6 =	smul.u32 $0x14000, s17;
	s8 =	sadd.s32 $0x85600, s0  }
0x4: {  	s4 =	smul.u32 $0x140000, s3;
	s5 =	ssub.s32 $0x2, s3;
	[smem:$0x7FF] =	sst s2  }
0x5: {  	s7 =	sshrl.u32 s5, $0x1;
	s9 =	sor.u32 $0x2000, s6;
	s10 =	sadd.s32 $0x4000, s6  }
0x6: {  	s12 =	sadd.s32 $0x6000, s6;
	s13 =	sadd.s32 $0xA000, s6;
	s19 =	sadd.s32 $0xC000, s6  }
0x7: {  	s20 =	sadd.s32 $0xE000, s6;
	s21 =	sadd.s32 $0x10000, s6;
	s5 =	ssub.s32 s5, s7  }
0x8: {  	s22 =	sadd.s32 s4, s6;
	s23 =	sadd.s32 s4, s9;
	s11 =	sadd.s32 s4, s10  }
0x9: {  	s25 =	sadd.s32 s4, s12;
	s14 =	sadd.s32 s4, s13;
	s15 =	sadd.s32 s4, s19  }
0xa: {  	s16 =	sadd.s32 s4, s20;
	s18 =	sadd.s32 s4, s21;
	s7 =	sshrl.u32 s22, $0x3  }
0xb: {  	s11 =	sshrl.u32 s11, $0x3;
	s14 =	sshrl.u32 s14, $0x3;
	s7 =	sadd.s32 s8, s7  }
0xc: {  	s24 =	sadd.s32 s8, s11;
	[dreg:$0x3] =	wrdreg s7;
	s7 =	sshrl.u32 s23, $0x3  }
0xd: {  	s11 =	sadd.s32 $0x8000, s6;
	[dreg:$0x5] =	wrdreg s24;
	s7 =	sadd.s32 s8, s7  }
0xe: {  	s14 =	sadd.s32 s8, s14;
	[dreg:$0x4] =	wrdreg s7;
	s7 =	sshrl.u32 s25, $0x3  }
0xf: {  	s26 =	sadd.s32 s4, s11;
	[dreg:$0x8] =	wrdreg s14;
	s7 =	sadd.s32 s8, s7  }
0x10: {  	s6 =	sadd.s32 $0x12000, s6;
	[dreg:$0x6] =	wrdreg s7;
	s7 =	sshrl.u32 s26, $0x3  }
0x11: {  	s14 =	sshrl.u32 s18, $0x3;
	s4 =	sadd.s32 s4, s6;
	s7 =	sadd.s32 s8, s7  }
0x12: {  	s22 =	sadd.s32 s8, s14;
	[dreg:$0x7] =	wrdreg s7;
	s7 =	sshrl.u32 s15, $0x3  }
0x13: {  	s4 =	sshrl.u32 s4, $0x3;
	[dreg:$0xb] =	wrdreg s22;
	s7 =	sadd.s32 s8, s7  }
0x14: {  	s4 =	sadd.s32 s8, s4;
	[dreg:$0x9] =	wrdreg s7;
	s7 =	sshrl.u32 s16, $0x3  }
0x15: {  	s3 =	sshll.u32 s3, $0x4;
	[dreg:$0xc] =	wrdreg s4;
	s7 =	sadd.s32 s8, s7  }
0x16: {  	s25 =	sor.u32 s17, s3;
	s26 =	smax.u32 s5, $0x1;
	[dreg:$0xa] =	wrdreg s7  }
0x17: {  	s3 =	sadd.s32 s9, s1;
	_ =	strace $0x8000004D;
	[dreg:$0xd] =	wrdreg s26  }
0x18: {  	s4 =	sadd.s32 s10, s1;
	[dreg:$0xe] =	wrdreg s3  }
0x19: {  	s5 =	sadd.s32 s12, s1;
	[dreg:$0xf] =	wrdreg s4  }
0x1a: {  	s7 =	sadd.s32 s11, s1;
	[dreg:$0x10] =	wrdreg s5  }
0x1b: {  	s8 =	sadd.s32 s13, s1;
	[dreg:$0x11] =	wrdreg s7  }
0x1c: {  	s23 =	smul.u32 $0x50000, s17;
	s9 =	sadd.s32 s19, s1;
	[dreg:$0x12] =	wrdreg s8  }
0x1d: {  	s10 =	sadd.s32 s20, s1;
	[dreg:$0x13] =	wrdreg s9  }
0x1e: {  	s24 =	sshrl.u32 s23, $0x2;
	s11 =	sadd.s32 s21, s1;
	[dreg:$0x14] =	wrdreg s10  }
0x1f: {  	s17 =	sadd.s32 s24, s1;
	s12 =	sadd.s32 s6, s1;
	[dreg:$0x15] =	wrdreg s11  }
0x20: {  	s28 =	simm.s32 $0x4;
	s13 =	sadd.s32 $0x2000, s17;
	[dreg:$0x16] =	wrdreg s12  }
0x21: {  	s29 =	simm.s32 $0x3E00;
	s19 =	sadd.s32 $0x4000, s17;
	[dreg:$0x17] =	wrdreg s13  }
0x22: {  	s30 =	simm.s32 $0x3E80;
	s20 =	sadd.s32 $0x6000, s17;
	[dreg:$0x18] =	wrdreg s19  }
0x23: {  	s31 =	simm.s32 $0x3F00;
	s21 =	sadd.s32 $0x8000, s17;
	[dreg:$0x19] =	wrdreg s20  }
0x24: {  	s14 =	sadd.s32 $0x5E400, s0;
	s22 =	sadd.s32 $0xA000, s17;
	[dreg:$0x1a] =	wrdreg s21  }
0x25: {  	s18 =	smul.u32 $0xA000, s25;
	s23 =	sadd.s32 $0xC000, s17;
	[dreg:$0x1b] =	wrdreg s22  }
0x26: {  	s24 =	sadd.s32 $0xE000, s17;
	s25 =	sadd.s32 $0x10000, s17;
	[dreg:$0x1c] =	wrdreg s23  }
0x27: {  	s15 =	sadd.s32 $0x36400, s0;
	s16 =	sadd.s32 $0x4400, s0;
	[dreg:$0x1d] =	wrdreg s24  }
0x28: {  	s0 =	simm.s32 $0x0;
	[dreg:$0x1e] =	wrdreg s25;
	s26 =	sadd.s32 $0x12000, s17  }
0x29: {  	s8 =	simm.s32 $0x4000;
	s9 =	simm.s32 $0x5;
	s11 =	simm.s32 $0x2000  }
0x2a: {  	s12 =	simm.s32 $0x40;
	s13 =	simm.s32 $0x80;
	s19 =	simm.s32 $0x6000  }
0x2b: {  	s20 =	simm.s32 $0x100;
	s21 =	simm.s32 $0x8000;
	s22 =	simm.s32 $0x180  }
0x2c: {  	s23 =	simm.s32 $0xA000;
	s24 =	simm.s32 $0x1;
	s25 =	simm.s32 $0x2  }
0x2d: {  	v0 =	vimm.f32 $0.0e+00;
	s10 =	simm.s32 $0x3F80;
	[dreg:$0x1f] =	wrdreg s26;
	s26 =	simm.s32 $0x3  }
.LBB2_1:
0x2e: {  	s3 =	simm.s32 $0x0;
	s4 =	simm.s32 $0x200  }
.LBB2_2:
0x2f: {  	p0 =	sne.s32 s4, $0x7E00;
	[tilespmem:s3+$0x4070] =	vst v0  }
0x30: {  	[tilespmem:s3+$0x4000] =	vst v0  }
0x31: {  	[tilespmem:s3+$0x4010] =	vst v0  }
.Ltmp0:
0x32: {  	[tilespmem:s3+$0x4020] =	vst v0;
	(pc) =	sbr.rel @p0 .LBB2_2-.Ltmp0, $4  }
0x33: {  	[tilespmem:s3+$0x4030] =	vst v0  }
0x34: {  	[tilespmem:s3+$0x4040] =	vst v0  }
0x35: {  	[tilespmem:s3+$0x4050] =	vst v0  }
0x36: {  	[tilespmem:s3+$0x4060] =	vst v0;
	s3 =	sshra.s32 s4, $0x2;
	s4 =	sadd.s32 $0x200, s4  }
0x37: {  	[tilespmem:s3+$0x4070] =	vst v0  }
0x38: {  	[tilespmem:s3+$0x4000] =	vst v0  }
0x39: {  	[tilespmem:s3+$0x4010] =	vst v0  }
0x3a: {  	[tilespmem:s3+$0x4020] =	vst v0  }
0x3b: {  	[tilespmem:s3+$0x4030] =	vst v0  }
0x3c: {  	[tilespmem:s3+$0x4040] =	vst v0  }
0x3d: {  	[tilespmem:s3+$0x4050] =	vst v0  }
0x3e: {  	[tilespmem:s3+$0x4060] =	vst v0  }
0x3f: {  	[spmem:s17] =	stream.linear.scatter [tilespmem:s8], [sflag:$0x5], $0x2000, $0x38;
	v63 =	vld [tilespmem:$0x0]  }
0x40: {  	_ =	swait.ge [sflag:s9], $0x2000  }
0x41: {  	[sflag:s9] =	ssyncset.done $0x0  }
0x42: {  	s7 =	rddreg [dreg:$0x17];
	[sflag:s9] =	ssyncadd.s32 $0xFFFFE000  }
0x43: {  	[spmem:s7] =	stream.linear.scatter [tilespmem:s8], [sflag:$0x5], $0x2000, $0x38;
	v63 =	vld [tilespmem:$0x0]  }
0x44: {  	_ =	swait.ge [sflag:s9], $0x2000  }
0x45: {  	[sflag:s9] =	ssyncset.done $0x0  }
0x46: {  	s4 =	rddreg [dreg:$0x18];
	[sflag:s9] =	ssyncadd.s32 $0xFFFFE000  }
0x47: {  	[spmem:s4] =	stream.linear.scatter [tilespmem:s8], [sflag:$0x5], $0x2000, $0x38;
	v63 =	vld [tilespmem:$0x0]  }
0x48: {  	_ =	swait.ge [sflag:s9], $0x2000  }
0x49: {  	[sflag:s9] =	ssyncset.done $0x0  }
0x4a: {  	s5 =	rddreg [dreg:$0x19];
	[sflag:s9] =	ssyncadd.s32 $0xFFFFE000  }
0x4b: {  	[spmem:s5] =	stream.linear.scatter [tilespmem:s8], [sflag:$0x5], $0x2000, $0x38;
	v63 =	vld [tilespmem:$0x0]  }
0x4c: {  	_ =	swait.ge [sflag:s9], $0x2000  }
0x4d: {  	[sflag:s9] =	ssyncset.done $0x0  }
0x4e: {  	s6 =	rddreg [dreg:$0x1a];
	[sflag:s9] =	ssyncadd.s32 $0xFFFFE000  }
0x4f: {  	[spmem:s6] =	stream.linear.scatter [tilespmem:s8], [sflag:$0x5], $0x2000, $0x38;
	v63 =	vld [tilespmem:$0x0]  }
0x50: {  	_ =	swait.ge [sflag:s9], $0x2000  }
0x51: {  	[sflag:s9] =	ssyncset.done $0x0  }
0x52: {  	s7 =	rddreg [dreg:$0x1b];
	[sflag:s9] =	ssyncadd.s32 $0xFFFFE000  }
0x53: {  	[spmem:s7] =	stream.linear.scatter [tilespmem:s8], [sflag:$0x5], $0x2000, $0x38;
	v63 =	vld [tilespmem:$0x0]  }
0x54: {  	_ =	swait.ge [sflag:s9], $0x2000  }
0x55: {  	[sflag:s9] =	ssyncset.done $0x0  }
0x56: {  	s4 =	rddreg [dreg:$0x1c];
	[sflag:s9] =	ssyncadd.s32 $0xFFFFE000  }
0x57: {  	[spmem:s4] =	stream.linear.scatter [tilespmem:s8], [sflag:$0x5], $0x2000, $0x38;
	v63 =	vld [tilespmem:$0x0]  }
0x58: {  	_ =	swait.ge [sflag:s9], $0x2000  }
0x59: {  	[sflag:s9] =	ssyncset.done $0x0  }
0x5a: {  	s5 =	rddreg [dreg:$0x1d];
	[sflag:s9] =	ssyncadd.s32 $0xFFFFE000  }
0x5b: {  	[spmem:s5] =	stream.linear.scatter [tilespmem:s8], [sflag:$0x5], $0x2000, $0x38;
	v63 =	vld [tilespmem:$0x0]  }
0x5c: {  	_ =	swait.ge [sflag:s9], $0x2000  }
0x5d: {  	[sflag:s9] =	ssyncset.done $0x0  }
0x5e: {  	s6 =	rddreg [dreg:$0x1e];
	[sflag:s9] =	ssyncadd.s32 $0xFFFFE000  }
0x5f: {  	[spmem:s6] =	stream.linear.scatter [tilespmem:s8], [sflag:$0x5], $0x2000, $0x38;
	v63 =	vld [tilespmem:$0x0]  }
0x60: {  	_ =	swait.ge [sflag:s9], $0x2000  }
0x61: {  	[sflag:s9] =	ssyncset.done $0x0  }
0x62: {  	s7 =	rddreg [dreg:$0x1f];
	[sflag:s9] =	ssyncadd.s32 $0xFFFFE000  }
0x63: {  	[spmem:s7] =	stream.linear.scatter [tilespmem:s8], [sflag:$0x5], $0x2000, $0x38;
	v63 =	vld [tilespmem:$0x0]  }
0x64: {  	_ =	swait.ge [sflag:s9], $0x2000  }
0x65: {  	[sflag:s9] =	ssyncset.done $0x0  }
0x66: {  	[sflag:s9] =	ssyncadd.s32 $0xFFFFE000  }
0x67: {  	s3 =	simm.s32 $0x0;
	s4 =	simm.s32 $0x0;
	[bflag:$0x0] =	sbarrier.arrive $0xFFFF  }
.LBB2_4:
0x68: {  	s5 =	sshll.u32 s4, $0xD  }
0x69: {  	s5 =	sadd.s32 s18, s5  }
0x6a: {  	s5 =	sshrl.u32 s5, $0x3  }
0x6b: {  	s6 =	sadd.s32 s15, s5  }
0x6c: {  	[tilespmem:s3], [sflag:$0x5] =	stream.linear.gather [hbm4b:s6+s3], $0x2000, $0x38;
	v63 =	vld [tilespmem:$0x0]  }
0x6d: {  	_ =	swait.ge [sflag:s9], $0x2000  }
0x6e: {  	[sflag:s9] =	ssyncset.done $0x0  }
0x6f: {  	s5 =	sadd.s32 s16, s5;
	[sflag:s9] =	ssyncadd.s32 $0xFFFFE000  }
0x70: {  	[tilespmem:s11], [sflag:$0x5] =	stream.linear.gather [hbm4b:s5+s3], $0x2000, $0x38;
	v63 =	vld [tilespmem:$0x0]  }
0x71: {  	_ =	swait.ge [sflag:s9], $0x2000  }
0x72: {  	[sflag:s9] =	ssyncset.done $0x0  }
0x73: {  	[sflag:s9] =	ssyncadd.s32 $0xFFFFE000  }
0x74: {  	[tilespmem:s8], [sflag:$0x1] =	stream.indirect.gather [hbm4b:s14+s12], $0x80, s3, s12, $0xb8;
	v63 =	vld [tilespmem:$0x0]  }
0x75: {  	_ = 	snop  }
0x76: {  	[tilespmem:s19], [sflag:$0x2] =	stream.indirect.gather [hbm4b:s14+s12], $0x80, s13, s12, $0xb8;
	v63 =	vld [tilespmem:$0x0]  }
0x77: {  	_ = 	snop  }
0x78: {  	[tilespmem:s21], [sflag:$0x3] =	stream.indirect.gather [hbm4b:s14+s12], $0x80, s20, s12, $0xb8;
	v63 =	vld [tilespmem:$0x0]  }
0x79: {  	_ = 	snop  }
0x7a: {  	[tilespmem:s23], [sflag:$0x4] =	stream.indirect.gather [hbm4b:s14+s12], $0x80, s22, s12, $0xb8;
	v63 =	vld [tilespmem:$0x0]  }
0x7b: {  	_ =	swait.ge [sflag:s24], $0x2000  }
0x7c: {  	[sflag:s24] =	ssyncset.done $0x0  }
0x7d: {  	s7 =	simm.s32 $0x2000;
	[sflag:s24] =	ssyncadd.s32 $0xFFFFE000  }
0x7e: {  	[spmem:s1] =	stream.indirect.scatter.add.f32 [tilespmem:s8], [sflag:$0x5], $0x80, s7, s12, $0xb8;
	v63 =	vld [tilespmem:$0x0]  }
0x7f: {  	_ =	swait.ge [sflag:s9], $0x2000  }
0x80: {  	[sflag:s9] =	ssyncset.done $0x0  }
0x81: {  	s6 =	simm.s32 $0x200;
	[sflag:s9] =	ssyncadd.s32 $0xFFFFE000  }
0x82: {  	[tilespmem:s8], [sflag:$0x1] =	stream.indirect.gather [hbm4b:s14+s12], $0x80, s6, s12, $0xb8;
	v63 =	vld [tilespmem:$0x0]  }
0x83: {  	_ =	swait.ge [sflag:s25], $0x2000  }
0x84: {  	[sflag:s25] =	ssyncset.done $0x0  }
0x85: {  	s7 =	simm.s32 $0x2080;
	[sflag:s25] =	ssyncadd.s32 $0xFFFFE000  }
0x86: {  	[spmem:s1] =	stream.indirect.scatter.add.f32 [tilespmem:s19], [sflag:$0x5], $0x80, s7, s12, $0xb8;
	v63 =	vld [tilespmem:$0x0]  }
0x87: {  	_ =	swait.ge [sflag:s9], $0x2000  }
0x88: {  	[sflag:s9] =	ssyncset.done $0x0  }
0x89: {  	s6 =	simm.s32 $0x280;
	[sflag:s9] =	ssyncadd.s32 $0xFFFFE000  }
0x8a: {  	[tilespmem:s19], [sflag:$0x2] =	stream.indirect.gather [hbm4b:s14+s12], $0x80, s6, s12, $0xb8;
	v63 =	vld [tilespmem:$0x0]  }
0x8b: {  	_ =	swait.ge [sflag:s26], $0x2000  }
0x8c: {  	[sflag:s26] =	ssyncset.done $0x0  }
0x8d: {  	s7 =	simm.s32 $0x2100;
	[sflag:s26] =	ssyncadd.s32 $0xFFFFE000  }
0x8e: {  	[spmem:s1] =	stream.indirect.scatter.add.f32 [tilespmem:s21], [sflag:$0x5], $0x80, s7, s12, $0xb8;
	v63 =	vld [tilespmem:$0x0]  }
0x8f: {  	_ =	swait.ge [sflag:s9], $0x2000  }
0x90: {  	[sflag:s9] =	ssyncset.done $0x0  }
0x91: {  	s6 =	simm.s32 $0x300;
	[sflag:s9] =	ssyncadd.s32 $0xFFFFE000  }
0x92: {  	[tilespmem:s21], [sflag:$0x3] =	stream.indirect.gather [hbm4b:s14+s12], $0x80, s6, s12, $0xb8;
	v63 =	vld [tilespmem:$0x0]  }
0x93: {  	_ =	swait.ge [sflag:s28], $0x2000  }
0x94: {  	[sflag:s28] =	ssyncset.done $0x0  }
0x95: {  	s7 =	simm.s32 $0x2180;
	[sflag:s28] =	ssyncadd.s32 $0xFFFFE000  }
0x96: {  	[spmem:s1] =	stream.indirect.scatter.add.f32 [tilespmem:s23], [sflag:$0x5], $0x80, s7, s12, $0xb8;
	v63 =	vld [tilespmem:$0x0]  }
0x97: {  	_ =	swait.ge [sflag:s9], $0x2000  }
0x98: {  	[sflag:s9] =	ssyncset.done $0x0  }
0x99: {  	s5 =	simm.s32 $0x800;
	s6 =	simm.s32 $0x380;
	[sflag:s9] =	ssyncadd.s32 $0xFFFFE000  }
.LBB2_5:
0x9a: {  	[tilespmem:s23], [sflag:$0x4] =	stream.indirect.gather [hbm4b:s14+s12], $0x80, s6, s12, $0xb8;
	v63 =	vld [tilespmem:$0x0]  }
0x9b: {  	s6 =	smov.u32 s5  }
0x9c: {  	p0 =	sne.s32 s5, $0x7000;
	s5 =	sadd.s32 $0x800, s5;
	_ =	swait.ge [sflag:s24], $0x2000  }
0x9d: {  	s6 =	sshra.s32 s6, $0x2;
	[sflag:s24] =	ssyncset.done $0x0  }
0x9e: {  	s7 =	sadd.s32 $0x2000, s6;
	[sflag:s24] =	ssyncadd.s32 $0xFFFFE000  }
0x9f: {  	[spmem:s1] =	stream.indirect.scatter.add.f32 [tilespmem:s8], [sflag:$0x5], $0x80, s7, s12, $0xb8;
	v63 =	vld [tilespmem:$0x0]  }
0xa0: {  	_ =	swait.ge [sflag:s9], $0x2000  }
0xa1: {  	[sflag:s9] =	ssyncset.done $0x0  }
0xa2: {  	s7 =	sadd.s32 $0x200, s6;
	[sflag:s9] =	ssyncadd.s32 $0xFFFFE000  }
0xa3: {  	[tilespmem:s8], [sflag:$0x1] =	stream.indirect.gather [hbm4b:s14+s12], $0x80, s7, s12, $0xb8;
	v63 =	vld [tilespmem:$0x0]  }
0xa4: {  	_ =	swait.ge [sflag:s25], $0x2000  }
0xa5: {  	[sflag:s25] =	ssyncset.done $0x0  }
0xa6: {  	s7 =	sadd.s32 $0x2080, s6;
	[sflag:s25] =	ssyncadd.s32 $0xFFFFE000  }
0xa7: {  	[spmem:s1] =	stream.indirect.scatter.add.f32 [tilespmem:s19], [sflag:$0x5], $0x80, s7, s12, $0xb8;
	v63 =	vld [tilespmem:$0x0]  }
0xa8: {  	_ =	swait.ge [sflag:s9], $0x2000  }
0xa9: {  	[sflag:s9] =	ssyncset.done $0x0  }
0xaa: {  	s7 =	sadd.s32 $0x280, s6;
	[sflag:s9] =	ssyncadd.s32 $0xFFFFE000  }
0xab: {  	[tilespmem:s19], [sflag:$0x2] =	stream.indirect.gather [hbm4b:s14+s12], $0x80, s7, s12, $0xb8;
	v63 =	vld [tilespmem:$0x0]  }
0xac: {  	_ =	swait.ge [sflag:s26], $0x2000  }
0xad: {  	[sflag:s26] =	ssyncset.done $0x0  }
0xae: {  	s7 =	sadd.s32 $0x2100, s6;
	[sflag:s26] =	ssyncadd.s32 $0xFFFFE000  }
0xaf: {  	[spmem:s1] =	stream.indirect.scatter.add.f32 [tilespmem:s21], [sflag:$0x5], $0x80, s7, s12, $0xb8;
	v63 =	vld [tilespmem:$0x0]  }
0xb0: {  	_ =	swait.ge [sflag:s9], $0x2000  }
0xb1: {  	[sflag:s9] =	ssyncset.done $0x0  }
0xb2: {  	s7 =	sadd.s32 $0x300, s6;
	[sflag:s9] =	ssyncadd.s32 $0xFFFFE000  }
0xb3: {  	[tilespmem:s21], [sflag:$0x3] =	stream.indirect.gather [hbm4b:s14+s12], $0x80, s7, s12, $0xb8;
	v63 =	vld [tilespmem:$0x0]  }
0xb4: {  	_ =	swait.ge [sflag:s28], $0x2000  }
0xb5: {  	[sflag:s28] =	ssyncset.done $0x0  }
.Ltmp1:
0xb6: {  	s7 =	sadd.s32 $0x2180, s6;
	[sflag:s28] =	ssyncadd.s32 $0xFFFFE000;
	(pc) =	sbr.rel @p0 .LBB2_5-.Ltmp1, $4  }
0xb7: {  	[spmem:s1] =	stream.indirect.scatter.add.f32 [tilespmem:s23], [sflag:$0x5], $0x80, s7, s12, $0xb8;
	v63 =	vld [tilespmem:$0x0]  }
0xb8: {  	_ =	swait.ge [sflag:s9], $0x2000  }
0xb9: {  	[sflag:s9] =	ssyncset.done $0x0  }
0xba: {  	s6 =	sadd.s32 $0x380, s6;
	[sflag:s9] =	ssyncadd.s32 $0xFFFFE000  }
0xbb: {  	[tilespmem:s23], [sflag:$0x4] =	stream.indirect.gather [hbm4b:s14+s12], $0x80, s6, s12, $0xb8;
	v63 =	vld [tilespmem:$0x0]  }
0xbc: {  	_ =	swait.ge [sflag:s24], $0x2000  }
0xbd: {  	[sflag:s24] =	ssyncset.done $0x0  }
0xbe: {  	[sflag:s24] =	ssyncadd.s32 $0xFFFFE000  }
0xbf: {  	[spmem:s1] =	stream.indirect.scatter.add.f32 [tilespmem:s8], [sflag:$0x5], $0x80, s29, s12, $0xb8;
	v63 =	vld [tilespmem:$0x0]  }
0xc0: {  	_ =	swait.ge [sflag:s9], $0x2000  }
0xc1: {  	[sflag:s9] =	ssyncset.done $0x0  }
0xc2: {  	[sflag:s9] =	ssyncadd.s32 $0xFFFFE000  }
0xc3: {  	_ =	swait.ge [sflag:s25], $0x2000  }
0xc4: {  	[sflag:s25] =	ssyncset.done $0x0  }
0xc5: {  	[sflag:s25] =	ssyncadd.s32 $0xFFFFE000  }
0xc6: {  	[spmem:s1] =	stream.indirect.scatter.add.f32 [tilespmem:s19], [sflag:$0x5], $0x80, s30, s12, $0xb8;
	v63 =	vld [tilespmem:$0x0]  }
0xc7: {  	_ =	swait.ge [sflag:s9], $0x2000  }
0xc8: {  	[sflag:s9] =	ssyncset.done $0x0  }
0xc9: {  	[sflag:s9] =	ssyncadd.s32 $0xFFFFE000  }
0xca: {  	_ =	swait.ge [sflag:s26], $0x2000  }
0xcb: {  	[sflag:s26] =	ssyncset.done $0x0  }
0xcc: {  	[sflag:s26] =	ssyncadd.s32 $0xFFFFE000  }
0xcd: {  	[spmem:s1] =	stream.indirect.scatter.add.f32 [tilespmem:s21], [sflag:$0x5], $0x80, s31, s12, $0xb8;
	v63 =	vld [tilespmem:$0x0]  }
0xce: {  	_ =	swait.ge [sflag:s9], $0x2000  }
0xcf: {  	[sflag:s9] =	ssyncset.done $0x0  }
0xd0: {  	[sflag:s9] =	ssyncadd.s32 $0xFFFFE000  }
0xd1: {  	s4 =	sadd.s32 $0x1, s4;
	_ =	swait.ge [sflag:s28], $0x2000  }
0xd2: {  	p0 =	sne.s32 s4, $0x5;
	[sflag:s28] =	ssyncset.done $0x0  }
.Ltmp2:
0xd3: {  	[sflag:s28] =	ssyncadd.s32 $0xFFFFE000;
	(pc) =	sbr.rel @p0 .LBB2_4-.Ltmp2, $4  }
0xd4: {  	[spmem:s1] =	stream.indirect.scatter.add.f32 [tilespmem:s23], [sflag:$0x5], $0x80, s10, s12, $0xb8;
	v63 =	vld [tilespmem:$0x0]  }
0xd5: {  	_ =	swait.ge [sflag:s9], $0x2000  }
0xd6: {  	[sflag:s9] =	ssyncset.done $0x0  }
0xd7: {  	[sflag:s9] =	ssyncadd.s32 $0xFFFFE000  }
0xd8: {  	[bflag:$0x0] =	sbarrier.arrive $0xFFFF  }
0xd9: {  	[tilespmem:s8], [sflag:$0x5] =	stream.linear.gather [spmem:s17], $0x2000, $0x38;
	v63 =	vld [tilespmem:$0x0]  }
0xda: {  	_ =	swait.ge [sflag:s9], $0x2000  }
0xdb: {  	[sflag:s9] =	ssyncset.done $0x0  }
0xdc: {  	s3 =	rddreg [dreg:$0x3];
	[sflag:s9] =	ssyncadd.s32 $0xFFFFE000  }
0xdd: {  	[hbm4b:s3+s2] =	stream.linear.scatter [tilespmem:s8], [sflag:$0x5], $0x2000, $0x38;
	v63 =	vld [tilespmem:$0x0]  }
0xde: {  	_ =	swait.ge [sflag:s9], $0x2000  }
0xdf: {  	[sflag:s9] =	ssyncset.done $0x0  }
0xe0: {  	s5 =	rddreg [dreg:$0xe];
	[sflag:s9] =	ssyncadd.s32 $0xFFFFE000  }
0xe1: {  	[tilespmem:s8], [sflag:$0x5] =	stream.linear.gather [spmem:s5], $0x2000, $0x38;
	v63 =	vld [tilespmem:$0x0]  }
0xe2: {  	_ =	swait.ge [sflag:s9], $0x2000  }
0xe3: {  	[sflag:s9] =	ssyncset.done $0x0  }
0xe4: {  	s6 =	rddreg [dreg:$0x4];
	[sflag:s9] =	ssyncadd.s32 $0xFFFFE000  }
0xe5: {  	[hbm4b:s6+s2] =	stream.linear.scatter [tilespmem:s8], [sflag:$0x5], $0x2000, $0x38;
	v63 =	vld [tilespmem:$0x0]  }
0xe6: {  	_ =	swait.ge [sflag:s9], $0x2000  }
0xe7: {  	[sflag:s9] =	ssyncset.done $0x0  }
0xe8: {  	s7 =	rddreg [dreg:$0xf];
	[sflag:s9] =	ssyncadd.s32 $0xFFFFE000  }
0xe9: {  	[tilespmem:s8], [sflag:$0x5] =	stream.linear.gather [spmem:s7], $0x2000, $0x38;
	v63 =	vld [tilespmem:$0x0]  }
0xea: {  	_ =	swait.ge [sflag:s9], $0x2000  }
0xeb: {  	[sflag:s9] =	ssyncset.done $0x0  }
0xec: {  	s4 =	rddreg [dreg:$0x5];
	[sflag:s9] =	ssyncadd.s32 $0xFFFFE000  }
0xed: {  	[hbm4b:s4+s2] =	stream.linear.scatter [tilespmem:s8], [sflag:$0x5], $0x2000, $0x38;
	v63 =	vld [tilespmem:$0x0]  }
0xee: {  	_ =	swait.ge [sflag:s9], $0x2000  }
0xef: {  	[sflag:s9] =	ssyncset.done $0x0  }
0xf0: {  	s5 =	rddreg [dreg:$0x10];
	[sflag:s9] =	ssyncadd.s32 $0xFFFFE000  }
0xf1: {  	[tilespmem:s8], [sflag:$0x5] =	stream.linear.gather [spmem:s5], $0x2000, $0x38;
	v63 =	vld [tilespmem:$0x0]  }
0xf2: {  	_ =	swait.ge [sflag:s9], $0x2000  }
0xf3: {  	[sflag:s9] =	ssyncset.done $0x0  }
0xf4: {  	s6 =	rddreg [dreg:$0x6];
	[sflag:s9] =	ssyncadd.s32 $0xFFFFE000  }
0xf5: {  	[hbm4b:s6+s2] =	stream.linear.scatter [tilespmem:s8], [sflag:$0x5], $0x2000, $0x38;
	v63 =	vld [tilespmem:$0x0]  }
0xf6: {  	_ =	swait.ge [sflag:s9], $0x2000  }
0xf7: {  	[sflag:s9] =	ssyncset.done $0x0  }
0xf8: {  	s7 =	rddreg [dreg:$0x11];
	[sflag:s9] =	ssyncadd.s32 $0xFFFFE000  }
0xf9: {  	[tilespmem:s8], [sflag:$0x5] =	stream.linear.gather [spmem:s7], $0x2000, $0x38;
	v63 =	vld [tilespmem:$0x0]  }
0xfa: {  	_ =	swait.ge [sflag:s9], $0x2000  }
0xfb: {  	[sflag:s9] =	ssyncset.done $0x0  }
0xfc: {  	s4 =	rddreg [dreg:$0x7];
	[sflag:s9] =	ssyncadd.s32 $0xFFFFE000  }
0xfd: {  	[hbm4b:s4+s2] =	stream.linear.scatter [tilespmem:s8], [sflag:$0x5], $0x2000, $0x38;
	v63 =	vld [tilespmem:$0x0]  }
0xfe: {  	_ =	swait.ge [sflag:s9], $0x2000  }
0xff: {  	[sflag:s9] =	ssyncset.done $0x0  }
0x100: {  	s5 =	rddreg [dreg:$0x12];
	[sflag:s9] =	ssyncadd.s32 $0xFFFFE000  }
0x101: {  	[tilespmem:s8], [sflag:$0x5] =	stream.linear.gather [spmem:s5], $0x2000, $0x38;
	v63 =	vld [tilespmem:$0x0]  }
0x102: {  	_ =	swait.ge [sflag:s9], $0x2000  }
0x103: {  	[sflag:s9] =	ssyncset.done $0x0  }
0x104: {  	s6 =	rddreg [dreg:$0x8];
	[sflag:s9] =	ssyncadd.s32 $0xFFFFE000  }
0x105: {  	[hbm4b:s6+s2] =	stream.linear.scatter [tilespmem:s8], [sflag:$0x5], $0x2000, $0x38;
	v63 =	vld [tilespmem:$0x0]  }
0x106: {  	_ =	swait.ge [sflag:s9], $0x2000  }
0x107: {  	[sflag:s9] =	ssyncset.done $0x0  }
0x108: {  	s7 =	rddreg [dreg:$0x13];
	[sflag:s9] =	ssyncadd.s32 $0xFFFFE000  }
0x109: {  	[tilespmem:s8], [sflag:$0x5] =	stream.linear.gather [spmem:s7], $0x2000, $0x38;
	v63 =	vld [tilespmem:$0x0]  }
0x10a: {  	_ =	swait.ge [sflag:s9], $0x2000  }
0x10b: {  	[sflag:s9] =	ssyncset.done $0x0  }
0x10c: {  	s4 =	rddreg [dreg:$0x9];
	[sflag:s9] =	ssyncadd.s32 $0xFFFFE000  }
0x10d: {  	[hbm4b:s4+s2] =	stream.linear.scatter [tilespmem:s8], [sflag:$0x5], $0x2000, $0x38;
	v63 =	vld [tilespmem:$0x0]  }
0x10e: {  	_ =	swait.ge [sflag:s9], $0x2000  }
0x10f: {  	[sflag:s9] =	ssyncset.done $0x0  }
0x110: {  	s5 =	rddreg [dreg:$0x14];
	[sflag:s9] =	ssyncadd.s32 $0xFFFFE000  }
0x111: {  	[tilespmem:s8], [sflag:$0x5] =	stream.linear.gather [spmem:s5], $0x2000, $0x38;
	v63 =	vld [tilespmem:$0x0]  }
0x112: {  	_ =	swait.ge [sflag:s9], $0x2000  }
0x113: {  	[sflag:s9] =	ssyncset.done $0x0  }
0x114: {  	s6 =	rddreg [dreg:$0xa];
	[sflag:s9] =	ssyncadd.s32 $0xFFFFE000  }
0x115: {  	[hbm4b:s6+s2] =	stream.linear.scatter [tilespmem:s8], [sflag:$0x5], $0x2000, $0x38;
	v63 =	vld [tilespmem:$0x0]  }
0x116: {  	_ =	swait.ge [sflag:s9], $0x2000  }
0x117: {  	[sflag:s9] =	ssyncset.done $0x0  }
0x118: {  	s7 =	rddreg [dreg:$0x15];
	[sflag:s9] =	ssyncadd.s32 $0xFFFFE000  }
0x119: {  	[tilespmem:s8], [sflag:$0x5] =	stream.linear.gather [spmem:s7], $0x2000, $0x38;
	v63 =	vld [tilespmem:$0x0]  }
0x11a: {  	_ =	swait.ge [sflag:s9], $0x2000  }
0x11b: {  	[sflag:s9] =	ssyncset.done $0x0  }
0x11c: {  	s4 =	rddreg [dreg:$0xb];
	[sflag:s9] =	ssyncadd.s32 $0xFFFFE000  }
0x11d: {  	[hbm4b:s4+s2] =	stream.linear.scatter [tilespmem:s8], [sflag:$0x5], $0x2000, $0x38;
	v63 =	vld [tilespmem:$0x0]  }
0x11e: {  	_ =	swait.ge [sflag:s9], $0x2000  }
0x11f: {  	[sflag:s9] =	ssyncset.done $0x0  }
0x120: {  	s5 =	rddreg [dreg:$0x16];
	[sflag:s9] =	ssyncadd.s32 $0xFFFFE000  }
0x121: {  	[tilespmem:s8], [sflag:$0x5] =	stream.linear.gather [spmem:s5], $0x2000, $0x38;
	v63 =	vld [tilespmem:$0x0]  }
0x122: {  	_ =	swait.ge [sflag:s9], $0x2000  }
0x123: {  	[sflag:s9] =	ssyncset.done $0x0  }
0x124: {  	s6 =	rddreg [dreg:$0xc];
	[sflag:s9] =	ssyncadd.s32 $0xFFFFE000  }
0x125: {  	[hbm4b:s6+s2] =	stream.linear.scatter [tilespmem:s8], [sflag:$0x5], $0x2000, $0x38;
	v63 =	vld [tilespmem:$0x0]  }
0x126: {  	_ =	swait.ge [sflag:s9], $0x2000  }
0x127: {  	s0 =	sadd.s32 $0x1, s0;
	s7 =	rddreg [dreg:$0xd]  }
0x128: {  	p0 =	sne.s32 s0, s7  }
.Ltmp3:
0x129: {  	_ = 	snop;
	(pc) =	sbr.rel @p0 .LBB2_1-.Ltmp3, $3  }
0x12a: {  	_ =	sdelay $0x1  }
0x12b: {  	[sflag:s9] =	ssyncset.done $0x0  }
0x12c: {  	[sflag:s9] =	ssyncadd.s32 $0xFFFFE000  }
0x12d: {  	_ =	sfence.sel $0x180000  }
0x12e: {  	[bflag:$0x0] =	sbarrier.arrive $0xFFFF  }
0x12f: {  	_ =	strace $0x9000004D  }
0x130: {  	s0 =	stileid.u32;
	[bflag:$0x2] =	sbarrier.arrive $0xFFFF  }
0x131: {  	p0 =	sne.s32 s0, $0x0;
	s0 =	rddreg [dreg:$0x2]  }
0x132: {  	s0 =	sadd.s32 @!p0 $0x100000, s0  }
0x133: {  	[sflag:s0] =	ssyncadd.tile.s32 @!p0 $0x1;
	_ =	shalt  }
.Lfunc_end2:
_tile_overlayer_lowered:
.L_overlay_start_2:
0x134: {  	(tag) =	ssettag $0x2  }
0x135: {  	s0 =	rddreg [dreg:$0x0];
	s2 =	stileid.u32  }
0x136: {  	s1 =	rddreg [dreg:$0x1];
	p0 =	sne.s32 s2, $0x0  }
0x137: {  	s3 =	rddreg [dreg:$0x2];
	[bflag:$0x3] =	sbarrier.arrive $0xFFFF;
	s2 =	simm.s32 @!p0 $0x1C05  }
0x138: {  	[timem:s3], [sflag:s2] =	dma.local @!p0 [hbm:s0], s1  }
0x139: {  	s0 =	simm.s32 @!p0 $0x5  }
0x13a: {  	_ =	swait.ge @!p0 [sflag:s0], s1  }
0x13b: {  	s1 =	ssub.s32 @!p0 $0x0, s1;
	[sflag:s0] =	ssyncset.done @!p0 $0x0  }
0x13c: {  	[sflag:s0] =	ssyncadd.s32 @!p0 s1  }
0x13d: {  	[bflag:$0x3] =	sbarrier.arrive $0xFFFF  }
0x13e: {  	_ =	shalt  }

// kernel: kernel.8.cloned.1.call-start
scs
__scs_entry_jumppad:
0x0: {  	(pc) =	sbr.rel $0x88, $3  }
0x1: {  	(tag) =	ssettag $0x0;
	lr =	simm.s32 $0x1  }
0x2: {  	[smem:$0x3F8F] =	sst lr;
	_ =	strace $0xD0000000  }
0x3: {  	_ = 	snop  }
0x4: {  	_ = 	snop  }
0x5: {  	_ = 	snop  }
0x6: {  	_ = 	snop  }
0x7: {  	_ = 	snop  }
__scs_overlays_trampoline_lowered:
0x8: {  	[smem:$0x3F9E] =	sst s0  }
0x9: {  	[smem:$0x3F9F] =	sst s1  }
0xa: {  	[smem:$0x3FA0] =	sst s2  }
0xb: {  	[smem:$0x3FA1] =	sst s3  }
0xc: {  	[smem:$0x3FA2] =	sst s4  }
0xd: {  	[smem:$0x3FA3] =	sst s5  }
0xe: {  	[smem:$0x3FA4] =	sst s6  }
0xf: {  	[smem:$0x3FA5] =	sst s7  }
0x10: {  	[smem:$0x3FA6] =	sst s8  }
0x11: {  	[smem:$0x3FA7] =	sst s9;
	s0 =	simm.s32 @!p0 $0x0  }
0x12: {  	s1 =	sld [smem:$0x3F8D];
	s0 =	simm.s32 @p0 $0x1  }
0x13: {  	[smem:$0x3FA8] =	sst s0;
	s0 =	simm.s32 @!p1 $0x0  }
0x14: {  	s2 =	sld [smem:$0x3F8C];
	s0 =	simm.s32 @p1 $0x1  }
0x15: {  	[smem:$0x3FA9] =	sst s0;
	s0 =	simm.s32 @!p2 $0x0  }
0x16: {  	s3 =	sld [smem:$0x3FDB];
	s0 =	simm.s32 @p2 $0x1  }
0x17: {  	s4 =	simm.s32 $0x1BF5;
	[smem:$0x3FAB] =	sst s0  }
0x18: {  	s0 =	sld [smem:$0x3F8E];
	_ =	swait.ge [sflag:s4], $0x0  }
0x19: {  	s7 =	sld [smem:$0x3F8F]  }
0x1a: {  	s8 =	sadd.s32 $0xFFFFE003, lr  }
0x1b: {  	s9 =	sadd.s32 $0xFFFFFEF7, lr;
	s5 =	simm.s32 $0xFFFFFFFF;
	p2 =	slt.u32 s8, $0xFFFFF086  }
0x1c: {  	p1 =	slt.u32 s9, $0xF7A;
	s5 =	simm.s32 @!p2 $0x0  }
0x1d: {  	s5 =	simm.s32 @p1 $0x1;
	p0 =	seq.s32 s7, s2  }
0x1e: {  	s7 =	smul.u32 @!p0 $0xF7A, s2;
	p2 =	seq.s32 @!p0 s5, $0x0  }
0x1f: {  	s9 =	smul.u32 $0xF7A, s1;
	s8 =	simm.s32 @!p0 $0x1BF5;
	p2 =	por !p2, p0  }
0x20: {  	[sflag:s8] =	ssyncset.s32 @!p0 $0xFFFFF086;
	s6 =	sadd.s32 @!p0 s3, s7;
	s7 =	simm.s32 @!p0 $0x108  }
0x21: {  	s3 =	sadd.s32 s3, s9;
	s6 =	sadd.s32 @!p0 $0x88, s6;
	s7 =	simm.s32 @p2 $0x1082  }
0x22: {  	[simem:s7], [sflag:s8] =	dma.local @!p0 [hbm:s6], $0xF7A  }
0x23: {  	s9 =	sor.u32 $0xD0000000, s2;
	s6 =	simm.s32 $0x108;
	_ =	swait.ge @!p0 [sflag:s8], $0x0  }
0x24: {  	s3 =	sadd.s32 $0x88, s3;
	s6 =	simm.s32 @!p1 $0x1082;
	[sflag:s4] =	ssyncset.s32 $0xFFFFF086  }
0x25: {  	[simem:s6], [sflag:s4] =	dma.local [hbm:s3], $0xF7A  }
0x26: {  	[smem:$0x3F8F] =	sst s1;
	(tag) =	ssettag s2;
	_ =	strace s9  }
0x27: {  	s1 =	sld [smem:$0x3F9F]  }
0x28: {  	s2 =	sld [smem:$0x3FA0]  }
0x29: {  	s4 =	sld [smem:$0x3FA2]  }
0x2a: {  	p0 =	seq.s32 s5, $0x0;
	s5 =	sld [smem:$0x3FA3]  }
0x2b: {  	s6 =	sld [smem:$0x3FA4]  }
0x2c: {  	s7 =	sld [smem:$0x3FA5]  }
0x2d: {  	s3 =	simm.s32 $0x108;
	s8 =	sld [smem:$0x3FA6]  }
0x2e: {  	s3 =	simm.s32 @!p0 $0x1082;
	s9 =	sld [smem:$0x3FA7]  }
0x2f: {  	lr =	sadd.s32 s0, s3;
	s0 =	sld [smem:$0x3F9E]  }
0x30: {  	s3 =	sld [smem:$0x3FA1]  }
0x31: {  	[smem:$0x3FAA] =	sst s10  }
0x32: {  	s10 =	sld [smem:$0x3FA8];
	_ =	sdelay $0x3  }
0x33: {  	p0 =	seq.s32 s10, $0x1;
	s10 =	sld [smem:$0x3FAA];
	_ =	sdelay $0x3  }
0x34: {  	[smem:$0x3FAA] =	sst s10  }
0x35: {  	s10 =	sld [smem:$0x3FA9];
	_ =	sdelay $0x3  }
0x36: {  	p1 =	seq.s32 s10, $0x1;
	s10 =	sld [smem:$0x3FAA];
	_ =	sdelay $0x3  }
0x37: {  	[smem:$0x3FAA] =	sst s10  }
0x38: {  	s10 =	sld [smem:$0x3FAB]  }
0x39: {  	_ = 	snop;
	(pc) =	sbr.ind lr, $3  }
0x3a: {  	_ = 	snop  }
0x3b: {  	_ = 	snop  }
0x3c: {  	p2 =	seq.s32 s10, $0x1;
	s10 =	sld [smem:$0x3FAA]  }
0x3d: {  	_ =	shalt  }
0x3e: {  	_ =	shalt  }
0x3f: {  	_ =	shalt  }
0x40: {  	_ =	shalt  }
0x41: {  	_ =	shalt  }
0x42: {  	_ =	shalt  }
0x43: {  	_ =	shalt  }
0x44: {  	_ =	shalt  }
0x45: {  	_ =	shalt  }
0x46: {  	_ =	shalt  }
0x47: {  	_ =	shalt  }
0x48: {  	_ =	shalt  }
0x49: {  	_ =	shalt  }
0x4a: {  	_ =	shalt  }
0x4b: {  	_ =	shalt  }
0x4c: {  	_ =	shalt  }
0x4d: {  	_ =	shalt  }
0x4e: {  	_ =	shalt  }
0x4f: {  	_ =	shalt  }
0x50: {  	_ =	shalt  }
0x51: {  	_ =	shalt  }
0x52: {  	_ =	shalt  }
0x53: {  	_ =	shalt  }
0x54: {  	_ =	shalt  }
0x55: {  	_ =	shalt  }
0x56: {  	_ =	shalt  }
0x57: {  	_ =	shalt  }
0x58: {  	_ =	shalt  }
0x59: {  	_ =	shalt  }
0x5a: {  	_ =	shalt  }
0x5b: {  	_ =	shalt  }
0x5c: {  	_ =	shalt  }
0x5d: {  	_ =	shalt  }
0x5e: {  	_ =	shalt  }
0x5f: {  	_ =	shalt  }
0x60: {  	_ =	shalt  }
0x61: {  	_ =	shalt  }
0x62: {  	_ =	shalt  }
0x63: {  	_ =	shalt  }
0x64: {  	_ =	shalt  }
0x65: {  	_ =	shalt  }
0x66: {  	_ =	shalt  }
0x67: {  	_ =	shalt  }
0x68: {  	_ =	shalt  }
0x69: {  	_ =	shalt  }
0x6a: {  	_ =	shalt  }
0x6b: {  	_ =	shalt  }
0x6c: {  	_ =	shalt  }
0x6d: {  	_ =	shalt  }
0x6e: {  	_ =	shalt  }
0x6f: {  	_ =	shalt  }
0x70: {  	_ =	shalt  }
0x71: {  	_ =	shalt  }
0x72: {  	_ =	shalt  }
0x73: {  	_ =	shalt  }
0x74: {  	_ =	shalt  }
0x75: {  	_ =	shalt  }
0x76: {  	_ =	shalt  }
0x77: {  	_ =	shalt  }
0x78: {  	_ =	shalt  }
0x79: {  	_ =	shalt  }
0x7a: {  	_ =	shalt  }
0x7b: {  	_ =	shalt  }
0x7c: {  	_ =	shalt  }
0x7d: {  	_ =	shalt  }
0x7e: {  	_ =	shalt  }
0x7f: {  	_ =	shalt  }
0x80: {  	_ =	shalt  }
0x81: {  	_ =	shalt  }
0x82: {  	_ =	shalt  }
0x83: {  	_ =	shalt  }
0x84: {  	_ =	shalt  }
0x85: {  	_ =	shalt  }
0x86: {  	_ =	shalt  }
0x87: {  	_ =	shalt  }
.Lfunc_end0:
.L_simem_size_0:
called_computation_lowered:
.L_overlay_start_0:
0x88: {  	s2 =	sld [smem:$0x3FD9]  }
0x89: {  	s3 =	sld [smem:$0x3FFE];
	_ =	sdelay $0x1  }
0x8a: {  	s1 =	srdreg.scid  }
0x8b: {  	s0 =	sand.u32 $0x1, s1  }
0x8c: {  	s16 =	sshll.u32 s0, $0xA;
	s2 =	sadd.s32 s3, s2  }
0x8d: {  	s2 =	sadd.s32 s2, s16  }
0x8e: {  	[smem:$0x3FB6] =	sst s2  }
0x8f: {  	_ = 	snop  }
0x90: {  	(tm) =	ssettm $0x1  }
0x91: {  	s17 =	sld [smem:$0x3FFB];
	_ =	sdelay $0x3  }
0x92: {  	_ =	strace s17  }
0x93: {  	s2 =	sld [smem:$0x3FFC];
	_ =	sdelay $0x3  }
0x94: {  	_ =	strace s2  }
0x95: {  	s2 =	sld [smem:$0x3FFD];
	_ =	sdelay $0x3  }
0x96: {  	_ =	strace s2  }
0x97: {  	_ =	strace $0x8FFFFFFF  }
0x98: {  	s18 =	sld [smem:$0x3FDB];
	_ =	sdelay $0x1  }
0x99: {  	s19 =	simm.s32 $_scs_section_size  }
0x9a: {  	s4 =	simm.s32 $_size__tile_overlayer_lowered;
	s5 =	simm.s32 $_tile_overlayer_lowered  }
0x9b: {  	s22 =	simm.s32 $0x1BFF;
	s21 =	sshll.u32 s5, $0x1;
	s2 =	sadd.s32 s19, s18  }
0x9c: {  	s6 =	simm.s32 $0x0;
	s20 =	sshll.u32 s4, $0x1;
	s4 =	sadd.s32 s21, s2  }
0x9d: {  	[timem:s6], [sflag:s22] =	dma.local [hbm:s4], s20  }
0x9e: {  	_ =	swait.ge [sflag:s22], s20  }
0x9f: {  	s3 =	ssub.s32 $0x0, s20;
	[sflag:s22] =	ssyncset.done $0x0  }
0xa0: {  	[sflag:s22] =	ssyncadd.s32 s3;
	_ =	sdelay $0x1  }
0xa1: {  	s23 =	simm.s32 $0x1B8B  }
0xa2: {  	_ =	swait.ge [sflag:s23], $0x1  }
0xa3: {  	[sflag:s23] =	ssyncset.done $0x0  }
0xa4: {  	s25 =	simm.s32 $0x1B8E;
	s24 =	sld [smem:$0x3FFE];
	[sflag:s23] =	ssyncadd.s32 $0xFFFFFFFF  }
0xa5: {  	s26 =	simm.s32 $execute0_lowered;
	[smem:$0x3FD2] =	sst s25  }
0xa6: {  	s4 =	sshll.u32 s26, $0x1;
	_ =	strace $0x80000046;
	[dreg:$0x1] =	wrdreg $0xFFFFFFFF  }
0xa7: {  	s28 =	simm.s32 $_size_execute0_lowered;
	s2 =	sadd.s32 s2, s4;
	[dreg:$0x0] =	wrdreg $0x0  }
0xa8: {  	s4 =	sshll.u32 s28, $0x1;
	[dreg:$0x2] =	wrdreg s2  }
0xa9: {  	[dreg:$0x3] =	wrdreg s4  }
0xaa: {  	[dreg:$0x4] =	wrdreg $0xC0  }
0xab: {  	_ =	task [dreg:s6], $0x5FFFF  }
0xac: {  	[dreg:$0x1] =	wrdreg $0xFFFFFFFF  }
0xad: {  	[dreg:$0x0] =	wrdreg $0x60  }
0xae: {  	[dreg:$0x2] =	wrdreg s24  }
0xaf: {  	[dreg:$0x3] =	wrdreg $0x9  }
0xb0: {  	_ =	task.clear_ibuf [dreg:s6], $0x4FFFF;
	_ =	strace $0x90000046  }
0xb1: {  	s29 =	simm.s32 $0x9;
	_ =	strace $0x80000048  }
0xb2: {  	_ =	swait.ge [sflag:s29], $0x1  }
0xb3: {  	[sflag:s29] =	ssyncadd.s32 $0xFFFFFFFF  }
0xb4: {  	_ =	strace $0x90000048  }
0xb5: {  	_ =	sfence  }
0xb6: {  	s30 =	sld [smem:$0x0];
	_ =	sdelay $0x2  }
0xb7: {  	s31 =	sshll.u32 s1, $0xD;
	s1 =	sshrl.u32 s1, $0x2  }
0xb8: {  	s3 =	sand.u32 $0x4000, s31;
	s1 =	sadd.s32 s1, s30  }
0xb9: {  	s0 =	sor.u32 s3, s0;
	s1 =	sshll.u32 s1, $0x11  }
0xba: {  	s0 =	sor.u32 s1, s0  }
0xbb: {  	s0 =	sadd.s32 $0x8F2B, s0  }
0xbc: {  	[sflag:s0] =	ssyncadd.remote.s32 $0x1  }
0xbd: {  	_ =	sfence.sel $0xFFFF  }
0xbe: {  	[dreg:$0x0] =	wrdreg $0xFFFFFFFF;
	(pc) =	sbr.abs _section_cstart, $3  }
0xbf: {  	[dreg:$0x1] =	wrdreg $0xFFFFFFFF  }
0xc0: {  	_ =	task.clear_ibuf [dreg:s6], $0x2FFFF;
	_ =	strace $0x9FFFFFFF  }
0xc1: {  	(tm) =	ssettm $0x7FFFFFFF  }
tec
execute0_lowered:
.L_overlay_start_1:
0x0: {  	(tag) =	ssettag $0x1  }
0x1: {  	s0 =	srdreg.scid  }
0x2: {  	s3 =	sand.u32 $0x1, s0  }
0x3: {  	s4 =	rddreg [dreg:$0x0];
	s0 =	stileid.u32;
	s1 =	sshll.u32 s3, $0x4  }
0x4: {  	s2 =	simm.s32 $0x0;
	s8 =	simm.s32 $0x0;
	s5 =	sor.u32 s0, s1  }
0x5: {  	[smem:$0x7FF] =	sst s2;
	s3 =	ssub.s32 $0x2, s3;
	s6 =	smul.u32 $0x1400, s5  }
0x6: {  	s1 =	rddreg [dreg:$0x1];
	s7 =	sshrl.u32 s3, $0x1;
	s5 =	smul.u32 $0x500, s5  }
0x7: {  	_ =	strace $0x80000047;
	s31 =	ssub.s32 s3, s7;
	s7 =	simm.s32 $0xA000  }
0x8: {  	s6 =	sadd.s32 s6, s4;
	s4 =	sadd.s32 s5, s4;
	s5 =	smax.u32 s31, $0x1  }
0x9: {  	v0 =	vimm.f32 $0.0e+00;
	v1 =	vimm.f32 $1.000000000e+00;
	s3 =	sadd.s32 $0x4400, s6;
	s4 =	sadd.s32 $0x2C400, s4;
	s6 =	simm.s32 $0x1  }
.LBB2_1:
0xa: {  	s9 =	simm.s32 $0x40;
	s10 =	simm.s32 $0x0  }
.LBB2_2:
0xb: {  	p0 =	sne.s32 s9, $0x9FC0;
	[tilespmem:s10+$0xA000] =	vst v0;
	s10 =	smov.u32 s9;
	s9 =	sadd.s32 $0x40, s9  }
.Ltmp0:
0xc: {  	(pc) =	sbr.rel @p0 .LBB2_2-.Ltmp0, $2  }
0xd: {  	_ =	sdelay $0x2  }
0xe: {  	s10 =	sshra.s32 s10, $0x2  }
0xf: {  	[tilespmem:s10+$0xA000] =	vst v0;
	s9 =	simm.s32 $0x0  }
0x10: {  	[tilespmem:s9], [sflag:$0x1] =	stream.linear.gather [hbm4b:s3+s9], $0xA000, $0x38;
	[tilespmem:$0xC800] =	vst v63  }
0x11: {  	_ =	swait.ge [sflag:s6], $0xA000  }
0x12: {  	[sflag:s6] =	ssyncset.done $0x0  }
0x13: {  	[sflag:s6] =	ssyncadd.s32 $0xFFFF6000  }
.LBB2_4:
0x14: {  	s10 =	sshra.s32 s9, $0x2  }
0x15: {  	v2 =	vld [tilespmem:s10+$0x0];
	_ =	sdelay $0x7  }
0x16: {  	[tilespmem:v2+s7+$0x0] =	vst.idx.add.f32.msk $0xffff, v1  }
0x17: {  	v2 =	vld [tilespmem:s10+$0x10];
	_ =	sdelay $0x7  }
0x18: {  	[tilespmem:v2+s7+$0x0] =	vst.idx.add.f32.msk $0xffff, v1  }
0x19: {  	v2 =	vld [tilespmem:s10+$0x20];
	_ =	sdelay $0x7  }
0x1a: {  	[tilespmem:v2+s7+$0x0] =	vst.idx.add.f32.msk $0xffff, v1  }
0x1b: {  	v2 =	vld [tilespmem:s10+$0x30];
	_ =	sdelay $0x2  }
0x1c: {  	p0 =	sne.s32 s9, $0x27E00  }
.Ltmp1:
0x1d: {  	_ = 	snop;
	(pc) =	sbr.rel @p0 .LBB2_4-.Ltmp1, $2  }
0x1e: {  	_ =	sdelay $0x2  }
0x1f: {  	s9 =	sadd.s32 $0x200, s9;
	[tilespmem:v2+s7+$0x0] =	vst.idx.add.f32.msk $0xffff, v1  }
0x20: {  	s8 =	sadd.s32 $0x1, s8  }
0x21: {  	p0 =	sne.s32 s8, s5  }
.Ltmp2:
0x22: {  	_ = 	snop;
	(pc) =	sbr.rel @p0 .LBB2_1-.Ltmp2, $4  }
0x23: {  	[hbm4b:s4+s2] =	stream.linear.scatter [tilespmem:s7], [sflag:$0x1], $0x2800, $0x38;
	[tilespmem:$0xC800] =	vst v63  }
0x24: {  	_ =	swait.ge [sflag:s6], $0x2800  }
0x25: {  	[sflag:s6] =	ssyncset.done $0x0  }
0x26: {  	[sflag:s6] =	ssyncadd.s32 $0xFFFFD800  }
0x27: {  	_ =	sfence.sel $0x180000  }
0x28: {  	[bflag:$0x0] =	sbarrier.arrive $0xFFFF  }
0x29: {  	p0 =	sne.s32 s0, $0x0;
	_ =	strace $0x90000047  }
0x2a: {  	s0 =	sadd.s32 @!p0 $0x100000, s1;
	[bflag:$0x2] =	sbarrier.arrive $0xFFFF  }
0x2b: {  	[sflag:s0] =	ssyncadd.tile.s32 @!p0 $0x1;
	_ =	shalt  }
.Lfunc_end2:
_tile_overlayer_lowered:
.L_overlay_start_2:
0x2c: {  	(tag) =	ssettag $0x2  }
0x2d: {  	s0 =	rddreg [dreg:$0x0];
	s2 =	stileid.u32  }
0x2e: {  	s1 =	rddreg [dreg:$0x1];
	p0 =	sne.s32 s2, $0x0  }
0x2f: {  	s3 =	rddreg [dreg:$0x2];
	[bflag:$0x3] =	sbarrier.arrive $0xFFFF;
	s2 =	simm.s32 @!p0 $0x1C01  }
0x30: {  	[timem:s3], [sflag:s2] =	dma.local @!p0 [hbm:s0], s1  }
0x31: {  	s0 =	simm.s32 @!p0 $0x1  }
0x32: {  	_ =	swait.ge @!p0 [sflag:s0], s1  }
0x33: {  	s1 =	ssub.s32 @!p0 $0x0, s1;
	[sflag:s0] =	ssyncset.done @!p0 $0x0  }
0x34: {  	[sflag:s0] =	ssyncadd.s32 @!p0 s1  }
0x35: {  	[bflag:$0x3] =	sbarrier.arrive $0xFFFF  }
0x36: {  	_ =	shalt  }

</sc_bundles>
